<compile_context>
chip_gen: v7x
topology: tpu7x:2x2x1
jax: 0.10.2.dev20260603
libtpu: 0.0.44.dev20260713+nightly
codegen_flags: <defaults>
</compile_context>

<pallas_src>
import dataclasses
import functools

import jax
import jax.numpy as jnp
from jax import lax
from jax.experimental import pallas as pl
from jax.experimental.pallas import tpu as pltpu
from jax.experimental.pallas import tpu_sc as plsc

_D = 4
_TW = 6
_PW = 4
_EPS = 1e-5
_L = 16
_NC, _NS = 2, 16
_NW = _NC * _NS


def _tables_body(x_ref, e_ref, wx_ref, we_ref, tx_ref, te_ref):
    df = wx_ref.shape[0]
    pid = pl.program_id(0)

    def one(src, w, dst):
        m = (src[0::_D, :] + src[1::_D, :] + src[2::_D, :]
             + src[3::_D, :]) * 0.25
        a = jnp.dot(m, w[...], preferred_element_type=jnp.float32,
                    precision=lax.Precision.HIGHEST)
        q = jnp.sum(m * m, axis=1, keepdims=True)
        colid = lax.broadcasted_iota(jnp.int32, a.shape, 1)
        bn = a.shape[0]
        t = a + jnp.where(colid == _TW - 1, q, 0.0)
        u = lax.bitcast_convert_type(t[:, :4], jnp.int32)
        ur = u + (0x7FFF + (lax.shift_right_logical(u, 16) & 1))
        top = ur & jnp.int32(-65536)
        w01 = lax.shift_right_logical(top[:, 0:1], 16) | top[:, 1:2]
        w23 = lax.shift_right_logical(top[:, 2:3], 16) | top[:, 3:4]
        sq = lax.bitcast_convert_type(t[:, 4:6], jnp.int32)
        dst[pl.ds(pid * bn, bn), :] = jnp.concatenate([w01, w23, sq], axis=1)

    one(x_ref, wx_ref, tx_ref)
    one(e_ref, we_ref, te_ref)


def _build_tables(x, e, wx, we):
    nn = x.shape[0] // _D
    ne = e.shape[0] // _D
    df = wx.shape[0]
    bn = 2000
    grid = (nn // bn,)
    return pl.pallas_call(
        _tables_body,
        grid=grid,
        in_specs=[
            pl.BlockSpec((bn * _D, df), lambda i: (i, 0)),
            pl.BlockSpec((bn * _D, df), lambda i: (i, 0)),
            pl.BlockSpec((df, _TW), lambda i: (0, 0)),
            pl.BlockSpec((df, _TW), lambda i: (0, 0)),
        ],
        out_specs=[
            pl.BlockSpec((nn, _PW), lambda i: (0, 0)),
            pl.BlockSpec((ne, _PW), lambda i: (0, 0)),
        ],
        out_shape=[
            jax.ShapeDtypeStruct((nn, _PW), jnp.int32),
            jax.ShapeDtypeStruct((ne, _PW), jnp.int32),
        ],
    )(x, e, wx, we)


def _sc_combine(tx, te, hi, c0):
    nn = tx.size // _PW
    ne = te.size // _PW
    E = hi.shape[1]
    C = 1280
    txf = tx.reshape(nn * _PW)
    tef = te.reshape(ne * _PW)
    c0p = jnp.concatenate([c0, jnp.zeros((4,), jnp.float32)])
    mesh = plsc.VectorSubcoreMesh(core_axis_name="c", subcore_axis_name="s")
    cp = pltpu.CompilerParams()
    if "needs_layout_passes" in pltpu.CompilerParams.__dataclass_fields__:
        cp = dataclasses.replace(cp, needs_layout_passes=False)

    @functools.partial(
        pl.kernel,
        compiler_params=cp,
        out_type=jax.ShapeDtypeStruct((_D, E), jnp.float32),
        mesh=mesh,
        scratch_types=[
            pltpu.VMEM((nn * _PW,), jnp.int32),
            pltpu.VMEM((ne * _PW,), jnp.int32),
            pltpu.VMEM((8,), jnp.float32),
            pltpu.SemaphoreType.DMA,
            pltpu.SemaphoreType.DMA,
        ],
    )
    def sc_kernel(tx_hbm, te_hbm, hi1_hbm, hi2_hbm, c0_hbm, out_hbm,
                  txv, tev, c0v, sem1, sem2):
        cp1 = pltpu.async_copy(tx_hbm, txv, sem1)
        cp2 = pltpu.async_copy(te_hbm, tev, sem2)
        pltpu.sync_copy(c0_hbm, c0v)
        cp1.wait()
        cp2.wait()

        def body(rowv, colv, outv):
            @plsc.parallel_loop(0, C, step=_L, unroll=8)
            def _vec(j):
                rb = rowv[0, pl.ds(j, _L)] * _PW
                cb = colv[0, pl.ds(j, _L)] * _PW

                def g(tab, ids, k):
                    return plsc.load_gather(tab, [ids + k])

                def unpack(w):
                    lo = plsc.bitcast(w << 16, jnp.float32)
                    hi_ = plsc.bitcast(w & jnp.int32(-65536), jnp.float32)
                    return lo, hi_

                x01, x23 = g(txv, rb, 0), g(txv, rb, 1)
                e01, e23 = g(tev, cb, 0), g(tev, cb, 1)
                px0, px1 = unpack(x01)
                px2, px3 = unpack(x23)
                pe0, pe1 = unpack(e01)
                pe2, pe3 = unpack(e23)
                p = [px0 + pe0, px1 + pe1, px2 + pe2, px3 + pe3]
                ssum = (plsc.bitcast(g(txv, rb, 2), jnp.float32)
                        + plsc.bitcast(g(tev, cb, 2), jnp.float32))
                qsum = (plsc.bitcast(g(txv, rb, 3), jnp.float32)
                        + plsc.bitcast(g(tev, cb, 3), jnp.float32))
                mu = ssum * (1.0 / 256.0)
                v = qsum * (1.0 / 256.0) - mu * mu + _EPS
                iv = plsc.bitcast(v, jnp.int32)
                y = plsc.bitcast(jnp.int32(0x5F3759DF) - (iv >> 1), jnp.float32)
                y = y * (1.5 - 0.5 * v * y * y)
                y = y * (1.5 - 0.5 * v * y * y)
                for k in range(_D):
                    c0k = plsc.load_gather(
                        c0v, [jnp.full((_L,), k, jnp.int32)])
                    z = p[k] * y + c0k
                    o = 1.0 / (1.0 + jnp.exp(-z))
                    outv[k, pl.ds(j, _L)] = o

        pltpu.emit_pipeline(
            body,
            grid=(E // C,),
            in_specs=[pl.BlockSpec((1, C), lambda i: (0, i)),
                      pl.BlockSpec((1, C), lambda i: (1, i))],
            out_specs=[pl.BlockSpec((_D, C), lambda i: (0, i))],
            core_axis_name=("c", "s"),
            dimension_semantics=(pltpu.PARALLEL,),
        )(hi1_hbm, hi2_hbm, out_hbm)

    return sc_kernel(txf, tef, hi, hi, c0p).T


def kernel(x, e, hyperedge_index, node_types, hyperedge_types,
           ln_gamma, ln_beta, W, b):
    df = x.shape[-1]
    Wg = ln_gamma[:, None] * W
    gw = ln_gamma @ W
    c0 = ln_beta @ W + b
    ones = jnp.ones((df, 1), jnp.float32)
    zeros = jnp.zeros((df, 1), jnp.float32)
    wx = jnp.concatenate([Wg[:df] - gw[None, :] * (1.0 / 256.0), ones, zeros],
                         axis=1)
    we = jnp.concatenate([Wg[df:] - gw[None, :] * (1.0 / 256.0), ones, zeros],
                         axis=1)
    hi = hyperedge_index.astype(jnp.int32)
    tx, te = _build_tables(x, e, wx, we)
    return _sc_combine(tx, te, hi, c0)

# --- scband reference (transcript-rebuilt; emitter-appended) ---
"""Pipeline reference for scband-sheaf-builder-31842887533283 (READ-ONLY COPY).

The authoritative reference and input builder live on the scoring server;
editing this copy changes nothing except your own understanding.
"""

import jax, jax.numpy as jnp
import numpy as np

D = 4  # stalk_dimension

def _layernorm(h, gamma, beta, eps=1e-5):
    mu = jnp.mean(h, axis=-1, keepdims=True)
    var = jnp.var(h, axis=-1, keepdims=True)
    return (h - mu) / jnp.sqrt(var + eps) * gamma + beta

def setup_inputs(seed: int = 0) -> dict:
    key = jax.random.key(seed)
    k = jax.random.split(key, 8)
    n_nodes = 10000
    n_he = 10000
    d_feat = 128
    E = 320000
    x = jax.random.normal(k[0], (n_nodes * D, d_feat), dtype=jnp.float32)
    e = jax.random.normal(k[1], (n_he * D, d_feat), dtype=jnp.float32)
    hyperedge_index = jax.random.randint(k[2], (2, E), 0, n_nodes)
    # ensure max hyperedge id matches e's leading dim (module infers num_edges from max+1)
    hyperedge_index = hyperedge_index.at[1, 0].set(n_he - 1)
    node_types = jax.random.randint(k[3], (n_nodes,), 0, 3)
    hyperedge_types = jax.random.randint(k[4], (n_he,), 0, 6)
    # sheaf_lin MLP (num_layers=1): input LayerNorm(2*hidden) + Linear(2*hidden -> sheaf_out_channels=D)
    ln_gamma = jnp.ones((2 * d_feat,), dtype=jnp.float32)
    ln_beta = jnp.zeros((2 * d_feat,), dtype=jnp.float32)
    W = jax.random.normal(k[5], (2 * d_feat, D), dtype=jnp.float32) * 0.05
    b = jnp.zeros((D,), dtype=jnp.float32)
    return {"x": x, "e": e, "hyperedge_index": hyperedge_index, "node_types": node_types,
            "hyperedge_types": hyperedge_types, "ln_gamma": ln_gamma, "ln_beta": ln_beta,
            "W": W, "b": b}

def reference(x, e, hyperedge_index, node_types, hyperedge_types, ln_gamma, ln_beta, W, b):
    num_nodes = x.shape[0] // D
    num_edges = e.shape[0] // D
    xm = x.reshape(num_nodes, D, x.shape[-1]).mean(axis=1)
    em = e.reshape(num_edges, D, e.shape[-1]).mean(axis=1)
    row = hyperedge_index[0]
    col = hyperedge_index[1]
    # compute_hyperedge_features_var1: gather node and hyperedge features per incidence
    xs = jnp.take(xm, row, axis=0)
    es = jnp.take(em, col, axis=0)
    # predict_block_local_concat: concat -> sheaf_lin (LN + Linear) -> sigmoid
    h = jnp.concatenate([xs, es], axis=-1)
    h = _layernorm(h, ln_gamma, ln_beta)
    h = h @ W + b
    h_sheaf = jax.nn.sigmoid(h)
    # compute_restriction_maps is abstract in the base class; treat as identity on h_sheaf
    return h_sheaf

if __name__ == "__main__":
    import jax
    _d = setup_inputs()
    print(jax.jit(kernel)(*tuple(_d.values())))

</pallas_src>

<mosaic_0001>
#map = affine_map<(d0, d1) -> (0)>
#map1 = affine_map<(d0, d1) -> (0, 0)>
module attributes {stable_mosaic.version = 14 : i64} {
  func.func @sc_kernel(%arg0: i32, %arg1: i32, %arg2: memref<40000xi32, #tpu.memory_space<hbm>>, %arg3: memref<40000xi32, #tpu.memory_space<hbm>>, %arg4: memref<2x320000xi32, #tpu.memory_space<hbm>>, %arg5: memref<2x320000xi32, #tpu.memory_space<hbm>>, %arg6: memref<8xf32, #tpu.memory_space<hbm>>, %arg7: memref<4x320000xf32, #tpu.memory_space<hbm>>, %arg8: memref<40000xi32, #tpu.memory_space<vmem>>, %arg9: memref<40000xi32, #tpu.memory_space<vmem>>, %arg10: memref<8xf32, #tpu.memory_space<vmem>>, %arg11: memref<!tpu.dma_semaphore, #tpu.memory_space<semaphore_mem>>, %arg12: memref<!tpu.dma_semaphore, #tpu.memory_space<semaphore_mem>>) attributes {dimension_semantics = [#tpu.dimension_semantics<core_parallel>, #tpu.dimension_semantics<subcore_parallel>], iteration_bounds = array<i64: 2, 16>, scalar_prefetch = 0 : i64, scratch_operands = 5 : i64, tpu.core_type = #tpu.core_type<sc_vector_subcore>, window_params = [{transform_indices = #map}, {transform_indices = #map}, {transform_indices = #map1}, {transform_indices = #map1}, {transform_indices = #map}, {transform_indices = #map1}]} {
    tpu.enqueue_dma source(%arg2 : memref<40000xi32, #tpu.memory_space<hbm>>) target(%arg8 : memref<40000xi32, #tpu.memory_space<vmem>>) target_semaphore(%arg11 : memref<!tpu.dma_semaphore, #tpu.memory_space<semaphore_mem>>)
    tpu.enqueue_dma source(%arg3 : memref<40000xi32, #tpu.memory_space<hbm>>) target(%arg9 : memref<40000xi32, #tpu.memory_space<vmem>>) target_semaphore(%arg12 : memref<!tpu.dma_semaphore, #tpu.memory_space<semaphore_mem>>)
    "tpu.region"() ({
      %run_scoped3A = tpu.sem_alloc : memref<!tpu.dma_semaphore, #tpu.memory_space<semaphore_mem>>
      tpu.enqueue_dma source(%arg6 : memref<8xf32, #tpu.memory_space<hbm>>) target(%arg10 : memref<8xf32, #tpu.memory_space<vmem>>) target_semaphore(%run_scoped3A : memref<!tpu.dma_semaphore, #tpu.memory_space<semaphore_mem>>)
      tpu.wait_dma2 semaphore(%run_scoped3A : memref<!tpu.dma_semaphore, #tpu.memory_space<semaphore_mem>>) src(%arg6 : memref<8xf32, #tpu.memory_space<hbm>>) dst(%arg10 : memref<8xf32, #tpu.memory_space<vmem>>)
      tpu.yield
    }) : () -> ()
    tpu.wait_dma2 semaphore(%arg11 : memref<!tpu.dma_semaphore, #tpu.memory_space<semaphore_mem>>) src(%arg2 : memref<40000xi32, #tpu.memory_space<hbm>>) dst(%arg8 : memref<40000xi32, #tpu.memory_space<vmem>>)
    tpu.wait_dma2 semaphore(%arg12 : memref<!tpu.dma_semaphore, #tpu.memory_space<semaphore_mem>>) src(%arg3 : memref<40000xi32, #tpu.memory_space<hbm>>) dst(%arg9 : memref<40000xi32, #tpu.memory_space<vmem>>)
    %mul3A = arith.constant 1 : i32
    %mul3A_0 = arith.muli %arg1, %mul3A : i32
    %add3A = arith.constant 0 : i32
    %add3A_1 = arith.addi %add3A, %mul3A_0 : i32
    %mul3A_2 = arith.constant 16 : i32
    %mul3A_3 = arith.muli %arg0, %mul3A_2 : i32
    %add3A_4 = arith.addi %add3A_1, %mul3A_3 : i32
    %lt3A = arith.constant 26 : i32
    %lt3A_5 = arith.cmpi slt, %add3A_4, %lt3A : i32
    %jit3A = arith.constant 8 : i32
    %jit3A_6 = arith.constant 7 : i32
    %select_n3A = arith.select %lt3A_5, %jit3A, %jit3A_6 : i32
    %lt3A_7 = arith.constant 26 : i32
    %lt3A_8 = arith.cmpi slt, %add3A_4, %lt3A_7 : i32
    %mul3A_9 = arith.muli %add3A_4, %select_n3A : i32
    %mul3A_10 = arith.constant 7 : i32
    %mul3A_11 = arith.muli %add3A_4, %mul3A_10 : i32
    %add3A_12 = arith.constant 26 : i32
    %add3A_13 = arith.addi %mul3A_11, %add3A_12 : i32
    %select_n3A_14 = arith.select %lt3A_8, %mul3A_9, %add3A_13 : i32
    %mul3A_15 = arith.constant 1 : i32
    %mul3A_16 = arith.muli %mul3A_15, %select_n3A : i32
    "tpu.region"() ({
      %run_scoped3A = memref.alloca() : memref<2x1x1280xi32, #tpu.memory_space<vmem>>
      %run_scoped3A_17 = tpu.sem_alloc : memref<2x!tpu.dma_semaphore, #tpu.memory_space<semaphore_mem>>
      %run_scoped3A_18 = memref.alloca() : memref<2x1x1280xi32, #tpu.memory_space<vmem>>
      %run_scoped3A_19 = tpu.sem_alloc : memref<2x!tpu.dma_semaphore, #tpu.memory_space<semaphore_mem>>
      %run_scoped3A_20 = memref.alloca() : memref<2x4x1280xf32, #tpu.memory_space<vmem>>
      %run_scoped3A_21 = tpu.sem_alloc : memref<2x!tpu.dma_semaphore, #tpu.memory_space<semaphore_mem>>
      %gt3A = arith.constant 0 : i32
      %gt3A_22 = arith.cmpi sgt, %mul3A_16, %gt3A : i32
      %convert_element_type3A = arith.extui %gt3A_22 : i1 to i32
      %cond3A = arith.constant 0 : i32
      %cond3A_23 = arith.cmpi ne, %convert_element_type3A, %cond3A : i32
      scf.if %cond3A_23 {
        %mul3A_24 = arith.constant 1 : i32
        %mul3A_25 = arith.muli %mul3A_24, %select_n3A : i32
        %sub3A = arith.constant 1 : i32
        %sub3A_26 = arith.subi %mul3A_25, %sub3A : i32
        %eq3A = arith.constant 0 : i32
        %eq3A_27 = arith.cmpi eq, %sub3A_26, %eq3A : i32
        %add3A_28 = arith.constant 0 : i32
        %add3A_29 = arith.addi %add3A_28, %select_n3A_14 : i32
        %select_n3A_30 = arith.constant true
        %select_n3A_31 = arith.constant 0 : i32
        %select_n3A_32 = arith.constant -1 : i32
        %select_n3A_33 = arith.select %select_n3A_30, %select_n3A_32, %select_n3A_31 : i32
        %eq3A_34 = arith.constant -1 : i32
        %eq3A_35 = arith.cmpi eq, %select_n3A_33, %eq3A_34 : i32
        %sub3A_36 = arith.constant 1 : i32
        %sub3A_37 = arith.subi %select_n3A, %sub3A_36 : i32
        %select_n3A_38 = arith.select %eq3A_35, %sub3A_37, %select_n3A_33 : i32
        %add3A_39 = arith.addi %select_n3A_38, %select_n3A_14 : i32
        %select_n3A_40 = arith.constant true
        %select_n3A_41 = arith.constant 0 : i32
        %select_n3A_42 = arith.constant 1 : i32
        %select_n3A_43 = arith.select %select_n3A_40, %select_n3A_42, %select_n3A_41 : i32
        %eq3A_44 = arith.cmpi eq, %select_n3A_43, %select_n3A : i32
        %select_n3A_45 = arith.constant 0 : i32
        %select_n3A_46 = arith.select %eq3A_44, %select_n3A_45, %select_n3A_43 : i32
        %add3A_47 = arith.addi %select_n3A_46, %select_n3A_14 : i32
        %add3A_48 = arith.constant 1 : i32
        %add3A_49 = arith.addi %select_n3A_46, %add3A_48 : i32
        %select_n3A_50 = arith.constant true
        %select_n3A_51 = arith.select %select_n3A_50, %add3A_49, %select_n3A_46 : i32
        %eq3A_52 = arith.cmpi eq, %select_n3A_51, %select_n3A : i32
        %select_n3A_53 = arith.constant 0 : i32
        %select_n3A_54 = arith.select %eq3A_52, %select_n3A_53, %select_n3A_51 : i32
        %add3A_55 = arith.addi %select_n3A_54, %select_n3A_14 : i32
        "tpu.trace_start"() <{level = 10 : i32, message = "ep_initialize_0"}> : () -> ()
        %rem3A = arith.constant 0 : i32
        %rem3A_56 = arith.constant 2 : i32
        %rem3A_57 = arith.remui %rem3A, %rem3A_56 : i32
        %mul3A_58 = arith.constant 1280 : i32
        %mul3A_59 = arith.muli %mul3A_58, %add3A_29 : i32
        %dma_start3A = arith.constant 0 : i32
        %dma_start3A_60 = arith.constant 0 : i32
        %dma_start3A_61 = tpu.memref_slice %run_scoped3A[%rem3A_57, %dma_start3A, %dma_start3A_60] : memref<2x1x1280xi32, #tpu.memory_space<vmem>> -> memref<1x1x1280xi32, #tpu.memory_space<vmem>>
        %dma_start3A_62 = tpu.memref_squeeze %dma_start3A_61 : memref<1x1x1280xi32, #tpu.memory_space<vmem>> -> memref<1x1280xi32, #tpu.memory_space<vmem>>
        %dma_start3A_63 = arith.constant 0 : i32
        %dma_start3A_64 = tpu.memref_slice %arg4[%dma_start3A_63, %mul3A_59] : memref<2x320000xi32, #tpu.memory_space<hbm>> -> memref<1x1280xi32, #tpu.memory_space<hbm>>
        %dma_start3A_65 = tpu.memref_slice %run_scoped3A_17[%rem3A_57] : memref<2x!tpu.dma_semaphore, #tpu.memory_space<semaphore_mem>> -> memref<1x!tpu.dma_semaphore, #tpu.memory_space<semaphore_mem>>
        %dma_start3A_66 = tpu.memref_squeeze %dma_start3A_65 : memref<1x!tpu.dma_semaphore, #tpu.memory_space<semaphore_mem>> -> memref<!tpu.dma_semaphore, #tpu.memory_space<semaphore_mem>>
        %dma_start3A_67 = arith.constant 0 : i32
        %dma_start3A_68 = arith.constant 0 : i32
        %dma_start3A_69 = tpu.memref_slice %run_scoped3A[%rem3A_57, %dma_start3A_67, %dma_start3A_68] : memref<2x1x1280xi32, #tpu.memory_space<vmem>> -> memref<1x1x1280xi32, #tpu.memory_space<vmem>>
        %dma_start3A_70 = tpu.memref_squeeze %dma_start3A_69 : memref<1x1x1280xi32, #tpu.memory_space<vmem>> -> memref<1x1280xi32, #tpu.memory_space<vmem>>
        %dma_start3A_71 = arith.constant 0 : i32
        %dma_start3A_72 = tpu.memref_slice %arg4[%dma_start3A_71, %mul3A_59] : memref<2x320000xi32, #tpu.memory_space<hbm>> -> memref<1x1280xi32, #tpu.memory_space<hbm>>
        tpu.enqueue_dma source(%dma_start3A_72 : memref<1x1280xi32, #tpu.memory_space<hbm>>) target(%dma_start3A_70 : memref<1x1280xi32, #tpu.memory_space<vmem>>) target_semaphore(%dma_start3A_66 : memref<!tpu.dma_semaphore, #tpu.memory_space<semaphore_mem>>)
        %add3A_73 = arith.constant 0 : i32
        %add3A_74 = arith.constant 1 : i32
        %add3A_75 = arith.addi %add3A_73, %add3A_74 : i32
        %select_n3A_76 = arith.constant true
        %select_n3A_77 = arith.constant 0 : i32
        %select_n3A_78 = arith.select %select_n3A_76, %add3A_75, %select_n3A_77 : i32
        %rem3A_79 = arith.constant 0 : i32
        %rem3A_80 = arith.constant 2 : i32
        %rem3A_81 = arith.remui %rem3A_79, %rem3A_80 : i32
        %mul3A_82 = arith.constant 1280 : i32
        %mul3A_83 = arith.muli %mul3A_82, %add3A_29 : i32
        %dma_start3A_84 = arith.constant 0 : i32
        %dma_start3A_85 = arith.constant 0 : i32
        %dma_start3A_86 = tpu.memref_slice %run_scoped3A_18[%rem3A_81, %dma_start3A_84, %dma_start3A_85] : memref<2x1x1280xi32, #tpu.memory_space<vmem>> -> memref<1x1x1280xi32, #tpu.memory_space<vmem>>
        %dma_start3A_87 = tpu.memref_squeeze %dma_start3A_86 : memref<1x1x1280xi32, #tpu.memory_space<vmem>> -> memref<1x1280xi32, #tpu.memory_space<vmem>>
        %dma_start3A_88 = arith.constant 1 : i32
        %dma_start3A_89 = tpu.memref_slice %arg5[%dma_start3A_88, %mul3A_83] : memref<2x320000xi32, #tpu.memory_space<hbm>> -> memref<1x1280xi32, #tpu.memory_space<hbm>>
        %dma_start3A_90 = tpu.memref_slice %run_scoped3A_19[%rem3A_81] : memref<2x!tpu.dma_semaphore, #tpu.memory_space<semaphore_mem>> -> memref<1x!tpu.dma_semaphore, #tpu.memory_space<semaphore_mem>>
        %dma_start3A_91 = tpu.memref_squeeze %dma_start3A_90 : memref<1x!tpu.dma_semaphore, #tpu.memory_space<semaphore_mem>> -> memref<!tpu.dma_semaphore, #tpu.memory_space<semaphore_mem>>
        %dma_start3A_92 = arith.constant 0 : i32
        %dma_start3A_93 = arith.constant 0 : i32
        %dma_start3A_94 = tpu.memref_slice %run_scoped3A_18[%rem3A_81, %dma_start3A_92, %dma_start3A_93] : memref<2x1x1280xi32, #tpu.memory_space<vmem>> -> memref<1x1x1280xi32, #tpu.memory_space<vmem>>
        %dma_start3A_95 = tpu.memref_squeeze %dma_start3A_94 : memref<1x1x1280xi32, #tpu.memory_space<vmem>> -> memref<1x1280xi32, #tpu.memory_space<vmem>>
        %dma_start3A_96 = arith.constant 1 : i32
        %dma_start3A_97 = tpu.memref_slice %arg5[%dma_start3A_96, %mul3A_83] : memref<2x320000xi32, #tpu.memory_space<hbm>> -> memref<1x1280xi32, #tpu.memory_space<hbm>>
        tpu.enqueue_dma source(%dma_start3A_97 : memref<1x1280xi32, #tpu.memory_space<hbm>>) target(%dma_start3A_95 : memref<1x1280xi32, #tpu.memory_space<vmem>>) target_semaphore(%dma_start3A_91 : memref<!tpu.dma_semaphore, #tpu.memory_space<semaphore_mem>>)
        %add3A_98 = arith.constant 0 : i32
        %add3A_99 = arith.constant 1 : i32
        %add3A_100 = arith.addi %add3A_98, %add3A_99 : i32
        %select_n3A_101 = arith.constant true
        %select_n3A_102 = arith.constant 0 : i32
        %select_n3A_103 = arith.select %select_n3A_101, %add3A_100, %select_n3A_102 : i32
        %while3A = arith.constant 0 : i32
        %while3A_104 = arith.constant 0 : i32
        %while3A_105 = arith.constant 0 : i32
        %while3A_106 = arith.constant 0 : i32
        %while3A_107 = arith.constant 0 : i32
        %while3A_108 = arith.constant 0 : i32
        "tpu.trace_stop"() : () -> ()
        %while3A_109 = arith.subi %mul3A_16, %while3A : i32
        %while3A_110 = arith.addi %while3A, %while3A_109 : i32
        %while3A_111 = arith.constant 1 : i32
        %while3A_112 = arith.divsi %while3A_109, %while3A_111 : i32
        %while3A_113 = arith.muli %while3A_112, %while3A_111 : i32
        %while3A_114 = arith.addi %while3A, %while3A_113 : i32
        %while3A_115 = arith.constant 1 : i32
        %while3A_116:7 = scf.for %while3A_173 = %while3A to %while3A_114 step %while3A_115 iter_args(%while3A_174 = %select_n3A_78, %while3A_175 = %while3A_104, %while3A_176 = %select_n3A_103, %while3A_177 = %while3A_105, %while3A_178 = %while3A_106, %while3A_179 = %while3A_107, %while3A_180 = %while3A_108) -> (i32, i32, i32, i32, i32, i32, i32)  : i32 {
          %mul3A_181 = arith.constant 1 : i32
          %mul3A_182 = arith.muli %mul3A_181, %select_n3A : i32
          %eq3A_183 = arith.constant 0 : i32
          %eq3A_184 = arith.cmpi eq, %while3A_173, %eq3A_183 : i32
          %sub3A_185 = arith.constant 1 : i32
          %sub3A_186 = arith.subi %mul3A_182, %sub3A_185 : i32
          %eq3A_187 = arith.cmpi eq, %while3A_173, %sub3A_186 : i32
          %add3A_188 = arith.addi %while3A_180, %select_n3A_14 : i32
          %sub3A_189 = arith.constant 1 : i32
          %sub3A_190 = arith.subi %while3A_180, %sub3A_189 : i32
          %select_n3A_191 = arith.constant true
          %select_n3A_192 = arith.select %select_n3A_191, %sub3A_190, %while3A_180 : i32
          %eq3A_193 = arith.constant -1 : i32
          %eq3A_194 = arith.cmpi eq, %select_n3A_192, %eq3A_193 : i32
          %sub3A_195 = arith.constant 1 : i32
          %sub3A_196 = arith.subi %select_n3A, %sub3A_195 : i32
          %select_n3A_197 = arith.select %eq3A_194, %sub3A_196, %select_n3A_192 : i32
          %add3A_198 = arith.addi %select_n3A_197, %select_n3A_14 : i32
          %add3A_199 = arith.constant 1 : i32
          %add3A_200 = arith.addi %while3A_180, %add3A_199 : i32
          %select_n3A_201 = arith.constant true
          %select_n3A_202 = arith.select %select_n3A_201, %add3A_200, %while3A_180 : i32
          %eq3A_203 = arith.cmpi eq, %select_n3A_202, %select_n3A : i32
          %select_n3A_204 = arith.constant 0 : i32
          %select_n3A_205 = arith.select %eq3A_203, %select_n3A_204, %select_n3A_202 : i32
          %add3A_206 = arith.addi %select_n3A_205, %select_n3A_14 : i32
          %add3A_207 = arith.constant 1 : i32
          %add3A_208 = arith.addi %select_n3A_205, %add3A_207 : i32
          %select_n3A_209 = arith.constant true
          %select_n3A_210 = arith.select %select_n3A_209, %add3A_208, %select_n3A_205 : i32
          %eq3A_211 = arith.cmpi eq, %select_n3A_210, %select_n3A : i32
          %select_n3A_212 = arith.constant 0 : i32
          %select_n3A_213 = arith.select %eq3A_211, %select_n3A_212, %select_n3A_210 : i32
          %add3A_214 = arith.addi %select_n3A_213, %select_n3A_14 : i32
          %ne3A = arith.cmpi ne, %add3A_188, %add3A_206 : i32
          %or3A = arith.constant false
          %or3A_215 = arith.ori %or3A, %ne3A : i1
          %sub3A_216 = arith.constant 2 : i32
          %sub3A_217 = arith.subi %mul3A_182, %sub3A_216 : i32
          %add3A_218 = arith.constant 1 : i32
          %add3A_219 = arith.addi %sub3A_217, %add3A_218 : i32
          %ge3A = arith.cmpi sge, %while3A_173, %add3A_219 : i32
          %not3A = arith.constant true
          %not3A_220 = arith.xori %ge3A, %not3A : i1
          %and3A = arith.andi %or3A_215, %not3A_220 : i1
          %convert_element_type3A_221 = arith.extui %and3A : i1 to i32
          %cond3A_222 = arith.constant 0 : i32
          %cond3A_223 = arith.cmpi ne, %convert_element_type3A_221, %cond3A_222 : i32
          scf.if %cond3A_223 {
            "tpu.trace_start"() <{level = 10 : i32, message = "ep_copy_in"}> : () -> ()
            %rem3A_375 = arith.constant 2 : i32
            %rem3A_376 = arith.remui %while3A_174, %rem3A_375 : i32
            %mul3A_377 = arith.constant 1280 : i32
            %mul3A_378 = arith.muli %mul3A_377, %add3A_206 : i32
            %dma_start3A_379 = arith.constant 0 : i32
            %dma_start3A_380 = arith.constant 0 : i32
            %dma_start3A_381 = tpu.memref_slice %run_scoped3A[%rem3A_376, %dma_start3A_379, %dma_start3A_380] : memref<2x1x1280xi32, #tpu.memory_space<vmem>> -> memref<1x1x1280xi32, #tpu.memory_space<vmem>>
            %dma_start3A_382 = tpu.memref_squeeze %dma_start3A_381 : memref<1x1x1280xi32, #tpu.memory_space<vmem>> -> memref<1x1280xi32, #tpu.memory_space<vmem>>
            %dma_start3A_383 = arith.constant 0 : i32
            %dma_start3A_384 = tpu.memref_slice %arg4[%dma_start3A_383, %mul3A_378] : memref<2x320000xi32, #tpu.memory_space<hbm>> -> memref<1x1280xi32, #tpu.memory_space<hbm>>
            %dma_start3A_385 = tpu.memref_slice %run_scoped3A_17[%rem3A_376] : memref<2x!tpu.dma_semaphore, #tpu.memory_space<semaphore_mem>> -> memref<1x!tpu.dma_semaphore, #tpu.memory_space<semaphore_mem>>
            %dma_start3A_386 = tpu.memref_squeeze %dma_start3A_385 : memref<1x!tpu.dma_semaphore, #tpu.memory_space<semaphore_mem>> -> memref<!tpu.dma_semaphore, #tpu.memory_space<semaphore_mem>>
            %dma_start3A_387 = arith.constant 0 : i32
            %dma_start3A_388 = arith.constant 0 : i32
            %dma_start3A_389 = tpu.memref_slice %run_scoped3A[%rem3A_376, %dma_start3A_387, %dma_start3A_388] : memref<2x1x1280xi32, #tpu.memory_space<vmem>> -> memref<1x1x1280xi32, #tpu.memory_space<vmem>>
            %dma_start3A_390 = tpu.memref_squeeze %dma_start3A_389 : memref<1x1x1280xi32, #tpu.memory_space<vmem>> -> memref<1x1280xi32, #tpu.memory_space<vmem>>
            %dma_start3A_391 = arith.constant 0 : i32
            %dma_start3A_392 = tpu.memref_slice %arg4[%dma_start3A_391, %mul3A_378] : memref<2x320000xi32, #tpu.memory_space<hbm>> -> memref<1x1280xi32, #tpu.memory_space<hbm>>
            tpu.enqueue_dma source(%dma_start3A_392 : memref<1x1280xi32, #tpu.memory_space<hbm>>) target(%dma_start3A_390 : memref<1x1280xi32, #tpu.memory_space<vmem>>) target_semaphore(%dma_start3A_386 : memref<!tpu.dma_semaphore, #tpu.memory_space<semaphore_mem>>)
            "tpu.trace_stop"() : () -> ()
          } else {
          }
          %and3A_224 = arith.constant true
          %and3A_225 = arith.andi %and3A, %and3A_224 : i1
          %add3A_226 = arith.constant 1 : i32
          %add3A_227 = arith.addi %while3A_174, %add3A_226 : i32
          %select_n3A_228 = arith.select %and3A_225, %add3A_227, %while3A_174 : i32
          %ne3A_229 = arith.cmpi ne, %add3A_188, %add3A_206 : i32
          %or3A_230 = arith.constant false
          %or3A_231 = arith.ori %or3A_230, %ne3A_229 : i1
          %sub3A_232 = arith.constant 2 : i32
          %sub3A_233 = arith.subi %mul3A_182, %sub3A_232 : i32
          %add3A_234 = arith.constant 1 : i32
          %add3A_235 = arith.addi %sub3A_233, %add3A_234 : i32
          %ge3A_236 = arith.cmpi sge, %while3A_173, %add3A_235 : i32
          %not3A_237 = arith.constant true
          %not3A_238 = arith.xori %ge3A_236, %not3A_237 : i1
          %and3A_239 = arith.andi %or3A_231, %not3A_238 : i1
          %convert_element_type3A_240 = arith.extui %and3A_239 : i1 to i32
          %cond3A_241 = arith.constant 0 : i32
          %cond3A_242 = arith.cmpi ne, %convert_element_type3A_240, %cond3A_241 : i32
          scf.if %cond3A_242 {
            "tpu.trace_start"() <{level = 10 : i32, message = "ep_copy_in"}> : () -> ()
            %rem3A_375 = arith.constant 2 : i32
            %rem3A_376 = arith.remui %while3A_176, %rem3A_375 : i32
            %mul3A_377 = arith.constant 1280 : i32
            %mul3A_378 = arith.muli %mul3A_377, %add3A_206 : i32
            %dma_start3A_379 = arith.constant 0 : i32
            %dma_start3A_380 = arith.constant 0 : i32
            %dma_start3A_381 = tpu.memref_slice %run_scoped3A_18[%rem3A_376, %dma_start3A_379, %dma_start3A_380] : memref<2x1x1280xi32, #tpu.memory_space<vmem>> -> memref<1x1x1280xi32, #tpu.memory_space<vmem>>
            %dma_start3A_382 = tpu.memref_squeeze %dma_start3A_381 : memref<1x1x1280xi32, #tpu.memory_space<vmem>> -> memref<1x1280xi32, #tpu.memory_space<vmem>>
            %dma_start3A_383 = arith.constant 1 : i32
            %dma_start3A_384 = tpu.memref_slice %arg5[%dma_start3A_383, %mul3A_378] : memref<2x320000xi32, #tpu.memory_space<hbm>> -> memref<1x1280xi32, #tpu.memory_space<hbm>>
            %dma_start3A_385 = tpu.memref_slice %run_scoped3A_19[%rem3A_376] : memref<2x!tpu.dma_semaphore, #tpu.memory_space<semaphore_mem>> -> memref<1x!tpu.dma_semaphore, #tpu.memory_space<semaphore_mem>>
            %dma_start3A_386 = tpu.memref_squeeze %dma_start3A_385 : memref<1x!tpu.dma_semaphore, #tpu.memory_space<semaphore_mem>> -> memref<!tpu.dma_semaphore, #tpu.memory_space<semaphore_mem>>
            %dma_start3A_387 = arith.constant 0 : i32
            %dma_start3A_388 = arith.constant 0 : i32
            %dma_start3A_389 = tpu.memref_slice %run_scoped3A_18[%rem3A_376, %dma_start3A_387, %dma_start3A_388] : memref<2x1x1280xi32, #tpu.memory_space<vmem>> -> memref<1x1x1280xi32, #tpu.memory_space<vmem>>
            %dma_start3A_390 = tpu.memref_squeeze %dma_start3A_389 : memref<1x1x1280xi32, #tpu.memory_space<vmem>> -> memref<1x1280xi32, #tpu.memory_space<vmem>>
            %dma_start3A_391 = arith.constant 1 : i32
            %dma_start3A_392 = tpu.memref_slice %arg5[%dma_start3A_391, %mul3A_378] : memref<2x320000xi32, #tpu.memory_space<hbm>> -> memref<1x1280xi32, #tpu.memory_space<hbm>>
            tpu.enqueue_dma source(%dma_start3A_392 : memref<1x1280xi32, #tpu.memory_space<hbm>>) target(%dma_start3A_390 : memref<1x1280xi32, #tpu.memory_space<vmem>>) target_semaphore(%dma_start3A_386 : memref<!tpu.dma_semaphore, #tpu.memory_space<semaphore_mem>>)
            "tpu.trace_stop"() : () -> ()
          } else {
          }
          %and3A_243 = arith.constant true
          %and3A_244 = arith.andi %and3A_239, %and3A_243 : i1
          %add3A_245 = arith.constant 1 : i32
          %add3A_246 = arith.addi %while3A_176, %add3A_245 : i32
          %select_n3A_247 = arith.select %and3A_244, %add3A_246, %while3A_176 : i32
          %ne3A_248 = arith.cmpi ne, %add3A_188, %add3A_206 : i32
          %or3A_249 = arith.constant false
          %or3A_250 = arith.ori %or3A_249, %ne3A_248 : i1
          %sub3A_251 = arith.constant 2 : i32
          %sub3A_252 = arith.subi %mul3A_182, %sub3A_251 : i32
          %add3A_253 = arith.constant 1 : i32
          %add3A_254 = arith.addi %sub3A_252, %add3A_253 : i32
          %ge3A_255 = arith.cmpi sge, %while3A_173, %add3A_254 : i32
          %not3A_256 = arith.constant true
          %not3A_257 = arith.xori %ge3A_255, %not3A_256 : i1
          %and3A_258 = arith.andi %or3A_250, %not3A_257 : i1
          %ne3A_259 = arith.cmpi ne, %add3A_188, %add3A_198 : i32
          %or3A_260 = arith.constant false
          %or3A_261 = arith.ori %or3A_260, %ne3A_259 : i1
          %or3A_262 = arith.ori %or3A_261, %eq3A_184 : i1
          %convert_element_type3A_263 = arith.extui %or3A_262 : i1 to i32
          %cond3A_264 = arith.constant 0 : i32
          %cond3A_265 = arith.cmpi ne, %convert_element_type3A_263, %cond3A_264 : i32
          scf.if %cond3A_265 {
            "tpu.trace_start"() <{level = 10 : i32, message = "ep_wait_in"}> : () -> ()
            %mul3A_375 = arith.constant 1280 : i32
            %mul3A_376 = arith.muli %mul3A_375, %add3A_188 : i32
            %rem3A_377 = arith.constant 2 : i32
            %rem3A_378 = arith.remui %while3A_175, %rem3A_377 : i32
            %dma_wait3A = arith.constant 0 : i32
            %dma_wait3A_379 = arith.constant 0 : i32
            %dma_wait3A_380 = tpu.memref_slice %run_scoped3A[%rem3A_378, %dma_wait3A, %dma_wait3A_379] : memref<2x1x1280xi32, #tpu.memory_space<vmem>> -> memref<1x1x1280xi32, #tpu.memory_space<vmem>>
            %dma_wait3A_381 = tpu.memref_squeeze %dma_wait3A_380 : memref<1x1x1280xi32, #tpu.memory_space<vmem>> -> memref<1x1280xi32, #tpu.memory_space<vmem>>
            %dma_wait3A_382 = arith.constant 0 : i32
            %dma_wait3A_383 = tpu.memref_slice %arg4[%dma_wait3A_382, %mul3A_376] : memref<2x320000xi32, #tpu.memory_space<hbm>> -> memref<1x1280xi32, #tpu.memory_space<hbm>>
            %dma_wait3A_384 = tpu.memref_slice %run_scoped3A_17[%rem3A_378] : memref<2x!tpu.dma_semaphore, #tpu.memory_space<semaphore_mem>> -> memref<1x!tpu.dma_semaphore, #tpu.memory_space<semaphore_mem>>
            %dma_wait3A_385 = tpu.memref_squeeze %dma_wait3A_384 : memref<1x!tpu.dma_semaphore, #tpu.memory_space<semaphore_mem>> -> memref<!tpu.dma_semaphore, #tpu.memory_space<semaphore_mem>>
            %dma_wait3A_386 = arith.constant 0 : i32
            %dma_wait3A_387 = arith.constant 0 : i32
            %dma_wait3A_388 = tpu.memref_slice %run_scoped3A[%rem3A_378, %dma_wait3A_386, %dma_wait3A_387] : memref<2x1x1280xi32, #tpu.memory_space<vmem>> -> memref<1x1x1280xi32, #tpu.memory_space<vmem>>
            %dma_wait3A_389 = tpu.memref_squeeze %dma_wait3A_388 : memref<1x1x1280xi32, #tpu.memory_space<vmem>> -> memref<1x1280xi32, #tpu.memory_space<vmem>>
            %dma_wait3A_390 = arith.constant 0 : i32
            %dma_wait3A_391 = tpu.memref_slice %arg4[%dma_wait3A_390, %mul3A_376] : memref<2x320000xi32, #tpu.memory_space<hbm>> -> memref<1x1280xi32, #tpu.memory_space<hbm>>
            tpu.wait_dma2 semaphore(%dma_wait3A_385 : memref<!tpu.dma_semaphore, #tpu.memory_space<semaphore_mem>>) src(%dma_wait3A_391 : memref<1x1280xi32, #tpu.memory_space<hbm>>) dst(%dma_wait3A_389 : memref<1x1280xi32, #tpu.memory_space<vmem>>)
            "tpu.trace_stop"() : () -> ()
          } else {
          }
          %ne3A_266 = arith.cmpi ne, %add3A_188, %add3A_198 : i32
          %or3A_267 = arith.constant false
          %or3A_268 = arith.ori %or3A_267, %ne3A_266 : i1
          %or3A_269 = arith.ori %or3A_268, %eq3A_184 : i1
          %convert_element_type3A_270 = arith.extui %or3A_269 : i1 to i32
          %cond3A_271 = arith.constant 0 : i32
          %cond3A_272 = arith.cmpi ne, %convert_element_type3A_270, %cond3A_271 : i32
          scf.if %cond3A_272 {
            "tpu.trace_start"() <{level = 10 : i32, message = "ep_wait_in"}> : () -> ()
            %mul3A_375 = arith.constant 1280 : i32
            %mul3A_376 = arith.muli %mul3A_375, %add3A_188 : i32
            %rem3A_377 = arith.constant 2 : i32
            %rem3A_378 = arith.remui %while3A_177, %rem3A_377 : i32
            %dma_wait3A = arith.constant 0 : i32
            %dma_wait3A_379 = arith.constant 0 : i32
            %dma_wait3A_380 = tpu.memref_slice %run_scoped3A_18[%rem3A_378, %dma_wait3A, %dma_wait3A_379] : memref<2x1x1280xi32, #tpu.memory_space<vmem>> -> memref<1x1x1280xi32, #tpu.memory_space<vmem>>
            %dma_wait3A_381 = tpu.memref_squeeze %dma_wait3A_380 : memref<1x1x1280xi32, #tpu.memory_space<vmem>> -> memref<1x1280xi32, #tpu.memory_space<vmem>>
            %dma_wait3A_382 = arith.constant 1 : i32
            %dma_wait3A_383 = tpu.memref_slice %arg5[%dma_wait3A_382, %mul3A_376] : memref<2x320000xi32, #tpu.memory_space<hbm>> -> memref<1x1280xi32, #tpu.memory_space<hbm>>
            %dma_wait3A_384 = tpu.memref_slice %run_scoped3A_19[%rem3A_378] : memref<2x!tpu.dma_semaphore, #tpu.memory_space<semaphore_mem>> -> memref<1x!tpu.dma_semaphore, #tpu.memory_space<semaphore_mem>>
            %dma_wait3A_385 = tpu.memref_squeeze %dma_wait3A_384 : memref<1x!tpu.dma_semaphore, #tpu.memory_space<semaphore_mem>> -> memref<!tpu.dma_semaphore, #tpu.memory_space<semaphore_mem>>
            %dma_wait3A_386 = arith.constant 0 : i32
            %dma_wait3A_387 = arith.constant 0 : i32
            %dma_wait3A_388 = tpu.memref_slice %run_scoped3A_18[%rem3A_378, %dma_wait3A_386, %dma_wait3A_387] : memref<2x1x1280xi32, #tpu.memory_space<vmem>> -> memref<1x1x1280xi32, #tpu.memory_space<vmem>>
            %dma_wait3A_389 = tpu.memref_squeeze %dma_wait3A_388 : memref<1x1x1280xi32, #tpu.memory_space<vmem>> -> memref<1x1280xi32, #tpu.memory_space<vmem>>
            %dma_wait3A_390 = arith.constant 1 : i32
            %dma_wait3A_391 = tpu.memref_slice %arg5[%dma_wait3A_390, %mul3A_376] : memref<2x320000xi32, #tpu.memory_space<hbm>> -> memref<1x1280xi32, #tpu.memory_space<hbm>>
            tpu.wait_dma2 semaphore(%dma_wait3A_385 : memref<!tpu.dma_semaphore, #tpu.memory_space<semaphore_mem>>) src(%dma_wait3A_391 : memref<1x1280xi32, #tpu.memory_space<hbm>>) dst(%dma_wait3A_389 : memref<1x1280xi32, #tpu.memory_space<vmem>>)
            "tpu.trace_stop"() : () -> ()
          } else {
          }
          %ne3A_273 = arith.cmpi ne, %add3A_188, %add3A_198 : i32
          %or3A_274 = arith.constant false
          %or3A_275 = arith.ori %or3A_274, %ne3A_273 : i1
          %or3A_276 = arith.ori %or3A_275, %eq3A_184 : i1
          %convert_element_type3A_277 = arith.extui %or3A_276 : i1 to i32
          %cond3A_278 = arith.constant 0 : i32
          %cond3A_279 = arith.cmpi ne, %convert_element_type3A_277, %cond3A_278 : i32
          scf.if %cond3A_279 {
          } else {
          }
          %rem3A_280 = arith.constant 2 : i32
          %rem3A_281 = arith.remui %while3A_175, %rem3A_280 : i32
          %rem3A_282 = arith.constant 2 : i32
          %rem3A_283 = arith.remui %while3A_177, %rem3A_282 : i32
          %rem3A_284 = arith.constant 2 : i32
          %rem3A_285 = arith.remui %while3A_178, %rem3A_284 : i32
          %parallel_loop3A = arith.constant 0 : i32
          %parallel_loop3A_286 = arith.constant 1280 : i32
          %parallel_loop3A_287 = arith.constant 16 : i32
          "tpu.trace_start"() <{level = 10 : i32, message = "ep_run_kernel"}> : () -> ()
          scf.for %parallel_loop3A_375 = %parallel_loop3A to %parallel_loop3A_286 step %parallel_loop3A_287  : i32 {
            %parallel_loop3A_376 = arith.constant 0 : i32
            %parallel_loop3A_377 = arith.constant 0 : i32
            %parallel_loop3A_378 = arith.constant 0 : i32
            %parallel_loop3A_379 = tpu.memref_slice %run_scoped3A[%rem3A_281, %parallel_loop3A_377, %parallel_loop3A_378] : memref<2x1x1280xi32, #tpu.memory_space<vmem>> -> memref<1x1x1280xi32, #tpu.memory_space<vmem>>
            %parallel_loop3A_380 = tpu.memref_squeeze %parallel_loop3A_379 : memref<1x1x1280xi32, #tpu.memory_space<vmem>> -> memref<1x1280xi32, #tpu.memory_space<vmem>>
            %parallel_loop3A_381 = arith.index_cast %parallel_loop3A_376 : i32 to index
            %parallel_loop3A_382 = arith.index_cast %parallel_loop3A_375 : i32 to index
            %parallel_loop3A_383 = tpu.vector_load %parallel_loop3A_380[%parallel_loop3A_381, %parallel_loop3A_382] {strides = array<i32>} : memref<1x1280xi32, #tpu.memory_space<vmem>>, vector<16xi32>,
            %parallel_loop3A_384 = arith.constant 4 : i32
            %parallel_loop3A_385 = vector.broadcast %parallel_loop3A_384 : i32 to vector<16xi32>
            %parallel_loop3A_386 = arith.muli %parallel_loop3A_383, %parallel_loop3A_385 : vector<16xi32>
            %parallel_loop3A_387 = arith.constant 0 : i32
            %parallel_loop3A_388 = arith.constant 0 : i32
            %parallel_loop3A_389 = arith.constant 0 : i32
            %parallel_loop3A_390 = tpu.memref_slice %run_scoped3A_18[%rem3A_283, %parallel_loop3A_388, %parallel_loop3A_389] : memref<2x1x1280xi32, #tpu.memory_space<vmem>> -> memref<1x1x1280xi32, #tpu.memory_space<vmem>>
            %parallel_loop3A_391 = tpu.memref_squeeze %parallel_loop3A_390 : memref<1x1x1280xi32, #tpu.memory_space<vmem>> -> memref<1x1280xi32, #tpu.memory_space<vmem>>
            %parallel_loop3A_392 = arith.index_cast %parallel_loop3A_387 : i32 to index
            %parallel_loop3A_393 = arith.index_cast %parallel_loop3A_375 : i32 to index
            %parallel_loop3A_394 = tpu.vector_load %parallel_loop3A_391[%parallel_loop3A_392, %parallel_loop3A_393] {strides = array<i32>} : memref<1x1280xi32, #tpu.memory_space<vmem>>, vector<16xi32>,
            %parallel_loop3A_395 = arith.constant 4 : i32
            %parallel_loop3A_396 = vector.broadcast %parallel_loop3A_395 : i32 to vector<16xi32>
            %parallel_loop3A_397 = arith.muli %parallel_loop3A_394, %parallel_loop3A_396 : vector<16xi32>
            %parallel_loop3A_398 = arith.constant 0 : i32
            %parallel_loop3A_399 = vector.broadcast %parallel_loop3A_398 : i32 to vector<16xi32>
            %parallel_loop3A_400 = arith.addi %parallel_loop3A_386, %parallel_loop3A_399 : vector<16xi32>
            %parallel_loop3A_401 = tpu.vector_load_idx %arg8[%parallel_loop3A_400] : memref<40000xi32, #tpu.memory_space<vmem>>[vector<16xi32>], vector<16xi32>,
            %parallel_loop3A_402 = arith.constant 1 : i32
            %parallel_loop3A_403 = vector.broadcast %parallel_loop3A_402 : i32 to vector<16xi32>
            %parallel_loop3A_404 = arith.addi %parallel_loop3A_386, %parallel_loop3A_403 : vector<16xi32>
            %parallel_loop3A_405 = tpu.vector_load_idx %arg8[%parallel_loop3A_404] : memref<40000xi32, #tpu.memory_space<vmem>>[vector<16xi32>], vector<16xi32>,
            %parallel_loop3A_406 = arith.constant 0 : i32
            %parallel_loop3A_407 = vector.broadcast %parallel_loop3A_406 : i32 to vector<16xi32>
            %parallel_loop3A_408 = arith.addi %parallel_loop3A_397, %parallel_loop3A_407 : vector<16xi32>
            %parallel_loop3A_409 = tpu.vector_load_idx %arg9[%parallel_loop3A_408] : memref<40000xi32, #tpu.memory_space<vmem>>[vector<16xi32>], vector<16xi32>,
            %parallel_loop3A_410 = arith.constant 1 : i32
            %parallel_loop3A_411 = vector.broadcast %parallel_loop3A_410 : i32 to vector<16xi32>
            %parallel_loop3A_412 = arith.addi %parallel_loop3A_397, %parallel_loop3A_411 : vector<16xi32>
            %parallel_loop3A_413 = tpu.vector_load_idx %arg9[%parallel_loop3A_412] : memref<40000xi32, #tpu.memory_space<vmem>>[vector<16xi32>], vector<16xi32>,
            %parallel_loop3A_414 = arith.constant 16 : i32
            %parallel_loop3A_415 = vector.broadcast %parallel_loop3A_414 : i32 to vector<16xi32>
            %parallel_loop3A_416 = arith.shli %parallel_loop3A_401, %parallel_loop3A_415 : vector<16xi32>
            %parallel_loop3A_417 = vector.bitcast %parallel_loop3A_416 : vector<16xi32> to vector<16xf32>
            %parallel_loop3A_418 = arith.constant -65536 : i32
            %parallel_loop3A_419 = vector.broadcast %parallel_loop3A_418 : i32 to vector<16xi32>
            %parallel_loop3A_420 = arith.andi %parallel_loop3A_401, %parallel_loop3A_419 : vector<16xi32>
            %parallel_loop3A_421 = vector.bitcast %parallel_loop3A_420 : vector<16xi32> to vector<16xf32>
            %parallel_loop3A_422 = arith.constant 16 : i32
            %parallel_loop3A_423 = vector.broadcast %parallel_loop3A_422 : i32 to vector<16xi32>
            %parallel_loop3A_424 = arith.shli %parallel_loop3A_405, %parallel_loop3A_423 : vector<16xi32>
            %parallel_loop3A_425 = vector.bitcast %parallel_loop3A_424 : vector<16xi32> to vector<16xf32>
            %parallel_loop3A_426 = arith.constant -65536 : i32
            %parallel_loop3A_427 = vector.broadcast %parallel_loop3A_426 : i32 to vector<16xi32>
            %parallel_loop3A_428 = arith.andi %parallel_loop3A_405, %parallel_loop3A_427 : vector<16xi32>
            %parallel_loop3A_429 = vector.bitcast %parallel_loop3A_428 : vector<16xi32> to vector<16xf32>
            %parallel_loop3A_430 = arith.constant 16 : i32
            %parallel_loop3A_431 = vector.broadcast %parallel_loop3A_430 : i32 to vector<16xi32>
            %parallel_loop3A_432 = arith.shli %parallel_loop3A_409, %parallel_loop3A_431 : vector<16xi32>
            %parallel_loop3A_433 = vector.bitcast %parallel_loop3A_432 : vector<16xi32> to vector<16xf32>
            %parallel_loop3A_434 = arith.constant -65536 : i32
            %parallel_loop3A_435 = vector.broadcast %parallel_loop3A_434 : i32 to vector<16xi32>
            %parallel_loop3A_436 = arith.andi %parallel_loop3A_409, %parallel_loop3A_435 : vector<16xi32>
            %parallel_loop3A_437 = vector.bitcast %parallel_loop3A_436 : vector<16xi32> to vector<16xf32>
            %parallel_loop3A_438 = arith.constant 16 : i32
            %parallel_loop3A_439 = vector.broadcast %parallel_loop3A_438 : i32 to vector<16xi32>
            %parallel_loop3A_440 = arith.shli %parallel_loop3A_413, %parallel_loop3A_439 : vector<16xi32>
            %parallel_loop3A_441 = vector.bitcast %parallel_loop3A_440 : vector<16xi32> to vector<16xf32>
            %parallel_loop3A_442 = arith.constant -65536 : i32
            %parallel_loop3A_443 = vector.broadcast %parallel_loop3A_442 : i32 to vector<16xi32>
            %parallel_loop3A_444 = arith.andi %parallel_loop3A_413, %parallel_loop3A_443 : vector<16xi32>
            %parallel_loop3A_445 = vector.bitcast %parallel_loop3A_444 : vector<16xi32> to vector<16xf32>
            %parallel_loop3A_446 = arith.addf %parallel_loop3A_417, %parallel_loop3A_433 : vector<16xf32>
            %parallel_loop3A_447 = arith.addf %parallel_loop3A_421, %parallel_loop3A_437 : vector<16xf32>
            %parallel_loop3A_448 = arith.addf %parallel_loop3A_425, %parallel_loop3A_441 : vector<16xf32>
            %parallel_loop3A_449 = arith.addf %parallel_loop3A_429, %parallel_loop3A_445 : vector<16xf32>
            %parallel_loop3A_450 = arith.constant 2 : i32
            %parallel_loop3A_451 = vector.broadcast %parallel_loop3A_450 : i32 to vector<16xi32>
            %parallel_loop3A_452 = arith.addi %parallel_loop3A_386, %parallel_loop3A_451 : vector<16xi32>
            %parallel_loop3A_453 = tpu.vector_load_idx %arg8[%parallel_loop3A_452] : memref<40000xi32, #tpu.memory_space<vmem>>[vector<16xi32>], vector<16xi32>,
            %parallel_loop3A_454 = vector.bitcast %parallel_loop3A_453 : vector<16xi32> to vector<16xf32>
            %parallel_loop3A_455 = arith.constant 2 : i32
            %parallel_loop3A_456 = vector.broadcast %parallel_loop3A_455 : i32 to vector<16xi32>
            %parallel_loop3A_457 = arith.addi %parallel_loop3A_397, %parallel_loop3A_456 : vector<16xi32>
            %parallel_loop3A_458 = tpu.vector_load_idx %arg9[%parallel_loop3A_457] : memref<40000xi32, #tpu.memory_space<vmem>>[vector<16xi32>], vector<16xi32>,
            %parallel_loop3A_459 = vector.bitcast %parallel_loop3A_458 : vector<16xi32> to vector<16xf32>
            %parallel_loop3A_460 = arith.addf %parallel_loop3A_454, %parallel_loop3A_459 : vector<16xf32>
            %parallel_loop3A_461 = arith.constant 3 : i32
            %parallel_loop3A_462 = vector.broadcast %parallel_loop3A_461 : i32 to vector<16xi32>
            %parallel_loop3A_463 = arith.addi %parallel_loop3A_386, %parallel_loop3A_462 : vector<16xi32>
            %parallel_loop3A_464 = tpu.vector_load_idx %arg8[%parallel_loop3A_463] : memref<40000xi32, #tpu.memory_space<vmem>>[vector<16xi32>], vector<16xi32>,
            %parallel_loop3A_465 = vector.bitcast %parallel_loop3A_464 : vector<16xi32> to vector<16xf32>
            %parallel_loop3A_466 = arith.constant 3 : i32
            %parallel_loop3A_467 = vector.broadcast %parallel_loop3A_466 : i32 to vector<16xi32>
            %parallel_loop3A_468 = arith.addi %parallel_loop3A_397, %parallel_loop3A_467 : vector<16xi32>
            %parallel_loop3A_469 = tpu.vector_load_idx %arg9[%parallel_loop3A_468] : memref<40000xi32, #tpu.memory_space<vmem>>[vector<16xi32>], vector<16xi32>,
            %parallel_loop3A_470 = vector.bitcast %parallel_loop3A_469 : vector<16xi32> to vector<16xf32>
            %parallel_loop3A_471 = arith.addf %parallel_loop3A_465, %parallel_loop3A_470 : vector<16xf32>
            %parallel_loop3A_472 = arith.constant 3.906250e-03 : f32
            %parallel_loop3A_473 = vector.broadcast %parallel_loop3A_472 : f32 to vector<16xf32>
            %parallel_loop3A_474 = arith.mulf %parallel_loop3A_460, %parallel_loop3A_473 : vector<16xf32>
            %parallel_loop3A_475 = arith.constant 3.906250e-03 : f32
            %parallel_loop3A_476 = vector.broadcast %parallel_loop3A_475 : f32 to vector<16xf32>
            %parallel_loop3A_477 = arith.mulf %parallel_loop3A_471, %parallel_loop3A_476 : vector<16xf32>
            %parallel_loop3A_478 = arith.mulf %parallel_loop3A_474, %parallel_loop3A_474 : vector<16xf32>
            %parallel_loop3A_479 = arith.subf %parallel_loop3A_477, %parallel_loop3A_478 : vector<16xf32>
            %parallel_loop3A_480 = arith.constant 9.99999974E-6 : f32
            %parallel_loop3A_481 = vector.broadcast %parallel_loop3A_480 : f32 to vector<16xf32>
            %parallel_loop3A_482 = arith.addf %parallel_loop3A_479, %parallel_loop3A_481 : vector<16xf32>
            %parallel_loop3A_483 = vector.bitcast %parallel_loop3A_482 : vector<16xf32> to vector<16xi32>
            %parallel_loop3A_484 = arith.constant 1 : i32
            %parallel_loop3A_485 = vector.broadcast %parallel_loop3A_484 : i32 to vector<16xi32>
            %parallel_loop3A_486 = arith.shrsi %parallel_loop3A_483, %parallel_loop3A_485 : vector<16xi32>
            %parallel_loop3A_487 = arith.constant 1597463007 : i32
            %parallel_loop3A_488 = vector.broadcast %parallel_loop3A_487 : i32 to vector<16xi32>
            %parallel_loop3A_489 = arith.subi %parallel_loop3A_488, %parallel_loop3A_486 : vector<16xi32>
            %parallel_loop3A_490 = vector.bitcast %parallel_loop3A_489 : vector<16xi32> to vector<16xf32>
            %parallel_loop3A_491 = arith.constant 5.000000e-01 : f32
            %parallel_loop3A_492 = vector.broadcast %parallel_loop3A_491 : f32 to vector<16xf32>
            %parallel_loop3A_493 = arith.mulf %parallel_loop3A_492, %parallel_loop3A_482 : vector<16xf32>
            %parallel_loop3A_494 = arith.mulf %parallel_loop3A_493, %parallel_loop3A_490 : vector<16xf32>
            %parallel_loop3A_495 = arith.mulf %parallel_loop3A_494, %parallel_loop3A_490 : vector<16xf32>
            %parallel_loop3A_496 = arith.constant 1.500000e+00 : f32
            %parallel_loop3A_497 = vector.broadcast %parallel_loop3A_496 : f32 to vector<16xf32>
            %parallel_loop3A_498 = arith.subf %parallel_loop3A_497, %parallel_loop3A_495 : vector<16xf32>
            %parallel_loop3A_499 = arith.mulf %parallel_loop3A_490, %parallel_loop3A_498 : vector<16xf32>
            %parallel_loop3A_500 = arith.constant 5.000000e-01 : f32
            %parallel_loop3A_501 = vector.broadcast %parallel_loop3A_500 : f32 to vector<16xf32>
            %parallel_loop3A_502 = arith.mulf %parallel_loop3A_501, %parallel_loop3A_482 : vector<16xf32>
            %parallel_loop3A_503 = arith.mulf %parallel_loop3A_502, %parallel_loop3A_499 : vector<16xf32>
            %parallel_loop3A_504 = arith.mulf %parallel_loop3A_503, %parallel_loop3A_499 : vector<16xf32>
            %parallel_loop3A_505 = arith.constant 1.500000e+00 : f32
            %parallel_loop3A_506 = vector.broadcast %parallel_loop3A_505 : f32 to vector<16xf32>
            %parallel_loop3A_507 = arith.subf %parallel_loop3A_506, %parallel_loop3A_504 : vector<16xf32>
            %parallel_loop3A_508 = arith.mulf %parallel_loop3A_499, %parallel_loop3A_507 : vector<16xf32>
            %parallel_loop3A_509 = arith.constant 0 : i32
            %parallel_loop3A_510 = vector.broadcast %parallel_loop3A_509 : i32 to vector<16xi32>
            %parallel_loop3A_511 = tpu.vector_load_idx %arg10[%parallel_loop3A_510] : memref<8xf32, #tpu.memory_space<vmem>>[vector<16xi32>], vector<16xf32>,
            %parallel_loop3A_512 = arith.mulf %parallel_loop3A_446, %parallel_loop3A_508 : vector<16xf32>
            %parallel_loop3A_513 = arith.addf %parallel_loop3A_512, %parallel_loop3A_511 : vector<16xf32>
            %parallel_loop3A_514 = arith.constant 0.000000e+00 : f32
            %parallel_loop3A_515 = vector.broadcast %parallel_loop3A_514 : f32 to vector<16xf32>
            %parallel_loop3A_516 = arith.subf %parallel_loop3A_515, %parallel_loop3A_513 : vector<16xf32>
            %parallel_loop3A_517 = math.exp %parallel_loop3A_516 : vector<16xf32>
            %parallel_loop3A_518 = arith.constant 1.000000e+00 : f32
            %parallel_loop3A_519 = vector.broadcast %parallel_loop3A_518 : f32 to vector<16xf32>
            %parallel_loop3A_520 = arith.addf %parallel_loop3A_519, %parallel_loop3A_517 : vector<16xf32>
            %parallel_loop3A_521 = arith.constant 1.000000e+00 : f32
            %parallel_loop3A_522 = vector.broadcast %parallel_loop3A_521 : f32 to vector<16xf32>
            %parallel_loop3A_523 = arith.divf %parallel_loop3A_522, %parallel_loop3A_520 : vector<16xf32>
            %parallel_loop3A_524 = arith.constant 0 : i32
            %parallel_loop3A_525 = arith.constant 0 : i32
            %parallel_loop3A_526 = arith.constant 0 : i32
            %parallel_loop3A_527 = tpu.memref_slice %run_scoped3A_20[%rem3A_285, %parallel_loop3A_525, %parallel_loop3A_526] : memref<2x4x1280xf32, #tpu.memory_space<vmem>> -> memref<1x4x1280xf32, #tpu.memory_space<vmem>>
            %parallel_loop3A_528 = tpu.memref_squeeze %parallel_loop3A_527 : memref<1x4x1280xf32, #tpu.memory_space<vmem>> -> memref<4x1280xf32, #tpu.memory_space<vmem>>
            %parallel_loop3A_529 = arith.index_cast %parallel_loop3A_524 : i32 to index
            %parallel_loop3A_530 = arith.index_cast %parallel_loop3A_375 : i32 to index
            %parallel_loop3A_531 = tpu.vector_load %parallel_loop3A_528[%parallel_loop3A_529, %parallel_loop3A_530] {strides = array<i32>} : memref<4x1280xf32, #tpu.memory_space<vmem>>, vector<16xf32>,
            tpu.vector_store %parallel_loop3A_528[%parallel_loop3A_529, %parallel_loop3A_530], %parallel_loop3A_523 {strides = array<i32>} : memref<4x1280xf32, #tpu.memory_space<vmem>>, vector<16xf32>,
            %parallel_loop3A_532 = arith.constant 1 : i32
            %parallel_loop3A_533 = vector.broadcast %parallel_loop3A_532 : i32 to vector<16xi32>
            %parallel_loop3A_534 = tpu.vector_load_idx %arg10[%parallel_loop3A_533] : memref<8xf32, #tpu.memory_space<vmem>>[vector<16xi32>], vector<16xf32>,
            %parallel_loop3A_535 = arith.mulf %parallel_loop3A_447, %parallel_loop3A_508 : vector<16xf32>
            %parallel_loop3A_536 = arith.addf %parallel_loop3A_535, %parallel_loop3A_534 : vector<16xf32>
            %parallel_loop3A_537 = arith.constant 0.000000e+00 : f32
            %parallel_loop3A_538 = vector.broadcast %parallel_loop3A_537 : f32 to vector<16xf32>
            %parallel_loop3A_539 = arith.subf %parallel_loop3A_538, %parallel_loop3A_536 : vector<16xf32>
            %parallel_loop3A_540 = math.exp %parallel_loop3A_539 : vector<16xf32>
            %parallel_loop3A_541 = arith.constant 1.000000e+00 : f32
            %parallel_loop3A_542 = vector.broadcast %parallel_loop3A_541 : f32 to vector<16xf32>
            %parallel_loop3A_543 = arith.addf %parallel_loop3A_542, %parallel_loop3A_540 : vector<16xf32>
            %parallel_loop3A_544 = arith.constant 1.000000e+00 : f32
            %parallel_loop3A_545 = vector.broadcast %parallel_loop3A_544 : f32 to vector<16xf32>
            %parallel_loop3A_546 = arith.divf %parallel_loop3A_545, %parallel_loop3A_543 : vector<16xf32>
            %parallel_loop3A_547 = arith.constant 1 : i32
            %parallel_loop3A_548 = arith.constant 0 : i32
            %parallel_loop3A_549 = arith.constant 0 : i32
            %parallel_loop3A_550 = tpu.memref_slice %run_scoped3A_20[%rem3A_285, %parallel_loop3A_548, %parallel_loop3A_549] : memref<2x4x1280xf32, #tpu.memory_space<vmem>> -> memref<1x4x1280xf32, #tpu.memory_space<vmem>>
            %parallel_loop3A_551 = tpu.memref_squeeze %parallel_loop3A_550 : memref<1x4x1280xf32, #tpu.memory_space<vmem>> -> memref<4x1280xf32, #tpu.memory_space<vmem>>
            %parallel_loop3A_552 = arith.index_cast %parallel_loop3A_547 : i32 to index
            %parallel_loop3A_553 = arith.index_cast %parallel_loop3A_375 : i32 to index
            %parallel_loop3A_554 = tpu.vector_load %parallel_loop3A_551[%parallel_loop3A_552, %parallel_loop3A_553] {strides = array<i32>} : memref<4x1280xf32, #tpu.memory_space<vmem>>, vector<16xf32>,
            tpu.vector_store %parallel_loop3A_551[%parallel_loop3A_552, %parallel_loop3A_553], %parallel_loop3A_546 {strides = array<i32>} : memref<4x1280xf32, #tpu.memory_space<vmem>>, vector<16xf32>,
            %parallel_loop3A_555 = arith.constant 2 : i32
            %parallel_loop3A_556 = vector.broadcast %parallel_loop3A_555 : i32 to vector<16xi32>
            %parallel_loop3A_557 = tpu.vector_load_idx %arg10[%parallel_loop3A_556] : memref<8xf32, #tpu.memory_space<vmem>>[vector<16xi32>], vector<16xf32>,
            %parallel_loop3A_558 = arith.mulf %parallel_loop3A_448, %parallel_loop3A_508 : vector<16xf32>
            %parallel_loop3A_559 = arith.addf %parallel_loop3A_558, %parallel_loop3A_557 : vector<16xf32>
            %parallel_loop3A_560 = arith.constant 0.000000e+00 : f32
            %parallel_loop3A_561 = vector.broadcast %parallel_loop3A_560 : f32 to vector<16xf32>
            %parallel_loop3A_562 = arith.subf %parallel_loop3A_561, %parallel_loop3A_559 : vector<16xf32>
            %parallel_loop3A_563 = math.exp %parallel_loop3A_562 : vector<16xf32>
            %parallel_loop3A_564 = arith.constant 1.000000e+00 : f32
            %parallel_loop3A_565 = vector.broadcast %parallel_loop3A_564 : f32 to vector<16xf32>
            %parallel_loop3A_566 = arith.addf %parallel_loop3A_565, %parallel_loop3A_563 : vector<16xf32>
            %parallel_loop3A_567 = arith.constant 1.000000e+00 : f32
            %parallel_loop3A_568 = vector.broadcast %parallel_loop3A_567 : f32 to vector<16xf32>
            %parallel_loop3A_569 = arith.divf %parallel_loop3A_568, %parallel_loop3A_566 : vector<16xf32>
            %parallel_loop3A_570 = arith.constant 2 : i32
            %parallel_loop3A_571 = arith.constant 0 : i32
            %parallel_loop3A_572 = arith.constant 0 : i32
            %parallel_loop3A_573 = tpu.memref_slice %run_scoped3A_20[%rem3A_285, %parallel_loop3A_571, %parallel_loop3A_572] : memref<2x4x1280xf32, #tpu.memory_space<vmem>> -> memref<1x4x1280xf32, #tpu.memory_space<vmem>>
            %parallel_loop3A_574 = tpu.memref_squeeze %parallel_loop3A_573 : memref<1x4x1280xf32, #tpu.memory_space<vmem>> -> memref<4x1280xf32, #tpu.memory_space<vmem>>
            %parallel_loop3A_575 = arith.index_cast %parallel_loop3A_570 : i32 to index
            %parallel_loop3A_576 = arith.index_cast %parallel_loop3A_375 : i32 to index
            %parallel_loop3A_577 = tpu.vector_load %parallel_loop3A_574[%parallel_loop3A_575, %parallel_loop3A_576] {strides = array<i32>} : memref<4x1280xf32, #tpu.memory_space<vmem>>, vector<16xf32>,
            tpu.vector_store %parallel_loop3A_574[%parallel_loop3A_575, %parallel_loop3A_576], %parallel_loop3A_569 {strides = array<i32>} : memref<4x1280xf32, #tpu.memory_space<vmem>>, vector<16xf32>,
            %parallel_loop3A_578 = arith.constant 3 : i32
            %parallel_loop3A_579 = vector.broadcast %parallel_loop3A_578 : i32 to vector<16xi32>
            %parallel_loop3A_580 = tpu.vector_load_idx %arg10[%parallel_loop3A_579] : memref<8xf32, #tpu.memory_space<vmem>>[vector<16xi32>], vector<16xf32>,
            %parallel_loop3A_581 = arith.mulf %parallel_loop3A_449, %parallel_loop3A_508 : vector<16xf32>
            %parallel_loop3A_582 = arith.addf %parallel_loop3A_581, %parallel_loop3A_580 : vector<16xf32>
            %parallel_loop3A_583 = arith.constant 0.000000e+00 : f32
            %parallel_loop3A_584 = vector.broadcast %parallel_loop3A_583 : f32 to vector<16xf32>
            %parallel_loop3A_585 = arith.subf %parallel_loop3A_584, %parallel_loop3A_582 : vector<16xf32>
            %parallel_loop3A_586 = math.exp %parallel_loop3A_585 : vector<16xf32>
            %parallel_loop3A_587 = arith.constant 1.000000e+00 : f32
            %parallel_loop3A_588 = vector.broadcast %parallel_loop3A_587 : f32 to vector<16xf32>
            %parallel_loop3A_589 = arith.addf %parallel_loop3A_588, %parallel_loop3A_586 : vector<16xf32>
            %parallel_loop3A_590 = arith.constant 1.000000e+00 : f32
            %parallel_loop3A_591 = vector.broadcast %parallel_loop3A_590 : f32 to vector<16xf32>
            %parallel_loop3A_592 = arith.divf %parallel_loop3A_591, %parallel_loop3A_589 : vector<16xf32>
            %parallel_loop3A_593 = arith.constant 3 : i32
            %parallel_loop3A_594 = arith.constant 0 : i32
            %parallel_loop3A_595 = arith.constant 0 : i32
            %parallel_loop3A_596 = tpu.memref_slice %run_scoped3A_20[%rem3A_285, %parallel_loop3A_594, %parallel_loop3A_595] : memref<2x4x1280xf32, #tpu.memory_space<vmem>> -> memref<1x4x1280xf32, #tpu.memory_space<vmem>>
            %parallel_loop3A_597 = tpu.memref_squeeze %parallel_loop3A_596 : memref<1x4x1280xf32, #tpu.memory_space<vmem>> -> memref<4x1280xf32, #tpu.memory_space<vmem>>
            %parallel_loop3A_598 = arith.index_cast %parallel_loop3A_593 : i32 to index
            %parallel_loop3A_599 = arith.index_cast %parallel_loop3A_375 : i32 to index
            %parallel_loop3A_600 = tpu.vector_load %parallel_loop3A_597[%parallel_loop3A_598, %parallel_loop3A_599] {strides = array<i32>} : memref<4x1280xf32, #tpu.memory_space<vmem>>, vector<16xf32>,
            tpu.vector_store %parallel_loop3A_597[%parallel_loop3A_598, %parallel_loop3A_599], %parallel_loop3A_592 {strides = array<i32>} : memref<4x1280xf32, #tpu.memory_space<vmem>>, vector<16xf32>,
          } {sc.loop_unroll_factor = 8 : i64, sc.parallel_access}
          "tpu.trace_stop"() : () -> ()
          %ne3A_288 = arith.cmpi ne, %add3A_188, %add3A_206 : i32
          %or3A_289 = arith.constant false
          %or3A_290 = arith.ori %or3A_289, %ne3A_288 : i1
          %or3A_291 = arith.ori %or3A_290, %eq3A_187 : i1
          %convert_element_type3A_292 = arith.extui %or3A_291 : i1 to i32
          %cond3A_293 = arith.constant 0 : i32
          %cond3A_294 = arith.cmpi ne, %convert_element_type3A_292, %cond3A_293 : i32
          scf.if %cond3A_294 {
          } else {
          }
          %and3A_295 = arith.constant false
          %and3A_296 = arith.andi %or3A_291, %and3A_295 : i1
          %ne3A_297 = arith.cmpi ne, %add3A_188, %add3A_206 : i32
          %or3A_298 = arith.constant false
          %or3A_299 = arith.ori %or3A_298, %ne3A_297 : i1
          %or3A_300 = arith.ori %or3A_299, %eq3A_187 : i1
          %convert_element_type3A_301 = arith.extui %or3A_300 : i1 to i32
          %cond3A_302 = arith.constant 0 : i32
          %cond3A_303 = arith.cmpi ne, %convert_element_type3A_301, %cond3A_302 : i32
          scf.if %cond3A_303 {
          } else {
          }
          %and3A_304 = arith.constant false
          %and3A_305 = arith.andi %or3A_300, %and3A_304 : i1
          %ne3A_306 = arith.cmpi ne, %add3A_188, %add3A_206 : i32
          %or3A_307 = arith.constant false
          %or3A_308 = arith.ori %or3A_307, %ne3A_306 : i1
          %or3A_309 = arith.ori %or3A_308, %eq3A_187 : i1
          %convert_element_type3A_310 = arith.extui %or3A_309 : i1 to i32
          %cond3A_311 = arith.constant 0 : i32
          %cond3A_312 = arith.cmpi ne, %convert_element_type3A_310, %cond3A_311 : i32
          scf.if %cond3A_312 {
            "tpu.trace_start"() <{level = 10 : i32, message = "ep_copy_out"}> : () -> ()
            %rem3A_375 = arith.constant 2 : i32
            %rem3A_376 = arith.remui %while3A_178, %rem3A_375 : i32
            %mul3A_377 = arith.constant 1280 : i32
            %mul3A_378 = arith.muli %mul3A_377, %add3A_188 : i32
            %dma_start3A_379 = arith.constant 0 : i32
            %dma_start3A_380 = arith.constant 0 : i32
            %dma_start3A_381 = tpu.memref_slice %run_scoped3A_20[%rem3A_376, %dma_start3A_379, %dma_start3A_380] : memref<2x4x1280xf32, #tpu.memory_space<vmem>> -> memref<1x4x1280xf32, #tpu.memory_space<vmem>>
            %dma_start3A_382 = tpu.memref_squeeze %dma_start3A_381 : memref<1x4x1280xf32, #tpu.memory_space<vmem>> -> memref<4x1280xf32, #tpu.memory_space<vmem>>
            %dma_start3A_383 = arith.constant 0 : i32
            %dma_start3A_384 = tpu.memref_slice %arg7[%dma_start3A_383, %mul3A_378] : memref<4x320000xf32, #tpu.memory_space<hbm>> -> memref<4x1280xf32, #tpu.memory_space<hbm>>
            %dma_start3A_385 = tpu.memref_slice %run_scoped3A_21[%rem3A_376] : memref<2x!tpu.dma_semaphore, #tpu.memory_space<semaphore_mem>> -> memref<1x!tpu.dma_semaphore, #tpu.memory_space<semaphore_mem>>
            %dma_start3A_386 = tpu.memref_squeeze %dma_start3A_385 : memref<1x!tpu.dma_semaphore, #tpu.memory_space<semaphore_mem>> -> memref<!tpu.dma_semaphore, #tpu.memory_space<semaphore_mem>>
            %dma_start3A_387 = arith.constant 0 : i32
            %dma_start3A_388 = tpu.memref_slice %arg7[%dma_start3A_387, %mul3A_378] : memref<4x320000xf32, #tpu.memory_space<hbm>> -> memref<4x1280xf32, #tpu.memory_space<hbm>>
            %dma_start3A_389 = arith.constant 0 : i32
            %dma_start3A_390 = arith.constant 0 : i32
            %dma_start3A_391 = tpu.memref_slice %run_scoped3A_20[%rem3A_376, %dma_start3A_389, %dma_start3A_390] : memref<2x4x1280xf32, #tpu.memory_space<vmem>> -> memref<1x4x1280xf32, #tpu.memory_space<vmem>>
            %dma_start3A_392 = tpu.memref_squeeze %dma_start3A_391 : memref<1x4x1280xf32, #tpu.memory_space<vmem>> -> memref<4x1280xf32, #tpu.memory_space<vmem>>
            tpu.enqueue_dma source(%dma_start3A_392 : memref<4x1280xf32, #tpu.memory_space<vmem>>) target(%dma_start3A_388 : memref<4x1280xf32, #tpu.memory_space<hbm>>) target_semaphore(%dma_start3A_386 : memref<!tpu.dma_semaphore, #tpu.memory_space<semaphore_mem>>)
            "tpu.trace_stop"() : () -> ()
          } else {
          }
          %and3A_313 = arith.constant true
          %and3A_314 = arith.andi %or3A_309, %and3A_313 : i1
          %add3A_315 = arith.constant 1 : i32
          %add3A_316 = arith.addi %while3A_178, %add3A_315 : i32
          %select_n3A_317 = arith.select %and3A_314, %add3A_316, %while3A_178 : i32
          %ne3A_318 = arith.cmpi ne, %add3A_188, %add3A_198 : i32
          %or3A_319 = arith.constant false
          %or3A_320 = arith.ori %or3A_319, %ne3A_318 : i1
          %not3A_321 = arith.constant true
          %not3A_322 = arith.xori %eq3A_184, %not3A_321 : i1
          %and3A_323 = arith.andi %or3A_320, %not3A_322 : i1
          %convert_element_type3A_324 = arith.extui %and3A_323 : i1 to i32
          %cond3A_325 = arith.constant 0 : i32
          %cond3A_326 = arith.cmpi ne, %convert_element_type3A_324, %cond3A_325 : i32
          scf.if %cond3A_326 {
          } else {
          }
          %and3A_327 = arith.constant false
          %and3A_328 = arith.andi %and3A_323, %and3A_327 : i1
          %ne3A_329 = arith.cmpi ne, %add3A_188, %add3A_198 : i32
          %or3A_330 = arith.constant false
          %or3A_331 = arith.ori %or3A_330, %ne3A_329 : i1
          %not3A_332 = arith.constant true
          %not3A_333 = arith.xori %eq3A_184, %not3A_332 : i1
          %and3A_334 = arith.andi %or3A_331, %not3A_333 : i1
          %convert_element_type3A_335 = arith.extui %and3A_334 : i1 to i32
          %cond3A_336 = arith.constant 0 : i32
          %cond3A_337 = arith.cmpi ne, %convert_element_type3A_335, %cond3A_336 : i32
          scf.if %cond3A_337 {
          } else {
          }
          %and3A_338 = arith.constant false
          %and3A_339 = arith.andi %and3A_334, %and3A_338 : i1
          %ne3A_340 = arith.cmpi ne, %add3A_188, %add3A_198 : i32
          %or3A_341 = arith.constant false
          %or3A_342 = arith.ori %or3A_341, %ne3A_340 : i1
          %not3A_343 = arith.constant true
          %not3A_344 = arith.xori %eq3A_184, %not3A_343 : i1
          %and3A_345 = arith.andi %or3A_342, %not3A_344 : i1
          %convert_element_type3A_346 = arith.extui %and3A_345 : i1 to i32
          %cond3A_347 = arith.constant 0 : i32
          %cond3A_348 = arith.cmpi ne, %convert_element_type3A_346, %cond3A_347 : i32
          scf.if %cond3A_348 {
            "tpu.trace_start"() <{level = 10 : i32, message = "ep_wait_out"}> : () -> ()
            %rem3A_375 = arith.constant 2 : i32
            %rem3A_376 = arith.remui %while3A_179, %rem3A_375 : i32
            %mul3A_377 = arith.constant 1280 : i32
            %mul3A_378 = arith.muli %mul3A_377, %add3A_198 : i32
            %dma_wait3A = arith.constant 0 : i32
            %dma_wait3A_379 = arith.constant 0 : i32
            %dma_wait3A_380 = tpu.memref_slice %run_scoped3A_20[%rem3A_376, %dma_wait3A, %dma_wait3A_379] : memref<2x4x1280xf32, #tpu.memory_space<vmem>> -> memref<1x4x1280xf32, #tpu.memory_space<vmem>>
            %dma_wait3A_381 = tpu.memref_squeeze %dma_wait3A_380 : memref<1x4x1280xf32, #tpu.memory_space<vmem>> -> memref<4x1280xf32, #tpu.memory_space<vmem>>
            %dma_wait3A_382 = arith.constant 0 : i32
            %dma_wait3A_383 = tpu.memref_slice %arg7[%dma_wait3A_382, %mul3A_378] : memref<4x320000xf32, #tpu.memory_space<hbm>> -> memref<4x1280xf32, #tpu.memory_space<hbm>>
            %dma_wait3A_384 = tpu.memref_slice %run_scoped3A_21[%rem3A_376] : memref<2x!tpu.dma_semaphore, #tpu.memory_space<semaphore_mem>> -> memref<1x!tpu.dma_semaphore, #tpu.memory_space<semaphore_mem>>
            %dma_wait3A_385 = tpu.memref_squeeze %dma_wait3A_384 : memref<1x!tpu.dma_semaphore, #tpu.memory_space<semaphore_mem>> -> memref<!tpu.dma_semaphore, #tpu.memory_space<semaphore_mem>>
            %dma_wait3A_386 = arith.constant 0 : i32
            %dma_wait3A_387 = tpu.memref_slice %arg7[%dma_wait3A_386, %mul3A_378] : memref<4x320000xf32, #tpu.memory_space<hbm>> -> memref<4x1280xf32, #tpu.memory_space<hbm>>
            %dma_wait3A_388 = arith.constant 0 : i32
            %dma_wait3A_389 = arith.constant 0 : i32
            %dma_wait3A_390 = tpu.memref_slice %run_scoped3A_20[%rem3A_376, %dma_wait3A_388, %dma_wait3A_389] : memref<2x4x1280xf32, #tpu.memory_space<vmem>> -> memref<1x4x1280xf32, #tpu.memory_space<vmem>>
            %dma_wait3A_391 = tpu.memref_squeeze %dma_wait3A_390 : memref<1x4x1280xf32, #tpu.memory_space<vmem>> -> memref<4x1280xf32, #tpu.memory_space<vmem>>
            tpu.wait_dma2 semaphore(%dma_wait3A_385 : memref<!tpu.dma_semaphore, #tpu.memory_space<semaphore_mem>>) src(%dma_wait3A_391 : memref<4x1280xf32, #tpu.memory_space<vmem>>) dst(%dma_wait3A_387 : memref<4x1280xf32, #tpu.memory_space<hbm>>)
            "tpu.trace_stop"() : () -> ()
          } else {
          }
          %and3A_349 = arith.constant true
          %and3A_350 = arith.andi %and3A_345, %and3A_349 : i1
          %add3A_351 = arith.constant 1 : i32
          %add3A_352 = arith.addi %while3A_179, %add3A_351 : i32
          %select_n3A_353 = arith.select %and3A_350, %add3A_352, %while3A_179 : i32
          %ne3A_354 = arith.cmpi ne, %add3A_188, %add3A_206 : i32
          %or3A_355 = arith.constant false
          %or3A_356 = arith.ori %or3A_355, %ne3A_354 : i1
          %or3A_357 = arith.ori %or3A_356, %eq3A_187 : i1
          %add3A_358 = arith.constant 1 : i32
          %add3A_359 = arith.addi %while3A_175, %add3A_358 : i32
          %select_n3A_360 = arith.select %or3A_357, %add3A_359, %while3A_175 : i32
          %ne3A_361 = arith.cmpi ne, %add3A_188, %add3A_206 : i32
          %or3A_362 = arith.constant false
          %or3A_363 = arith.ori %or3A_362, %ne3A_361 : i1
          %or3A_364 = arith.ori %or3A_363, %eq3A_187 : i1
          %add3A_365 = arith.constant 1 : i32
          %add3A_366 = arith.addi %while3A_177, %add3A_365 : i32
          %select_n3A_367 = arith.select %or3A_364, %add3A_366, %while3A_177 : i32
          %add3A_368 = arith.constant 1 : i32
          %add3A_369 = arith.addi %while3A_180, %add3A_368 : i32
          %select_n3A_370 = arith.constant true
          %select_n3A_371 = arith.select %select_n3A_370, %add3A_369, %while3A_180 : i32
          %eq3A_372 = arith.cmpi eq, %select_n3A_371, %select_n3A : i32
          %select_n3A_373 = arith.constant 0 : i32
          %select_n3A_374 = arith.select %eq3A_372, %select_n3A_373, %select_n3A_371 : i32
          scf.yield %select_n3A_228, %select_n3A_360, %select_n3A_247, %select_n3A_367, %select_n3A_317, %select_n3A_353, %select_n3A_374 : i32, i32, i32, i32, i32, i32, i32
        }
        %while3A_117 = arith.constant 1 : i32
        %while3A_118:7 = scf.for %while3A_173 = %while3A_114 to %while3A_110 step %while3A_117 iter_args(%while3A_174 = %while3A_116#0, %while3A_175 = %while3A_116#1, %while3A_176 = %while3A_116#2, %while3A_177 = %while3A_116#3, %while3A_178 = %while3A_116#4, %while3A_179 = %while3A_116#5, %while3A_180 = %while3A_116#6) -> (i32, i32, i32, i32, i32, i32, i32)  : i32 {
          %mul3A_181 = arith.constant 1 : i32
          %mul3A_182 = arith.muli %mul3A_181, %select_n3A : i32
          %eq3A_183 = arith.constant 0 : i32
          %eq3A_184 = arith.cmpi eq, %while3A_173, %eq3A_183 : i32
          %sub3A_185 = arith.constant 1 : i32
          %sub3A_186 = arith.subi %mul3A_182, %sub3A_185 : i32
          %eq3A_187 = arith.cmpi eq, %while3A_173, %sub3A_186 : i32
          %add3A_188 = arith.addi %while3A_180, %select_n3A_14 : i32
          %sub3A_189 = arith.constant 1 : i32
          %sub3A_190 = arith.subi %while3A_180, %sub3A_189 : i32
          %select_n3A_191 = arith.constant true
          %select_n3A_192 = arith.select %select_n3A_191, %sub3A_190, %while3A_180 : i32
          %eq3A_193 = arith.constant -1 : i32
          %eq3A_194 = arith.cmpi eq, %select_n3A_192, %eq3A_193 : i32
          %sub3A_195 = arith.constant 1 : i32
          %sub3A_196 = arith.subi %select_n3A, %sub3A_195 : i32
          %select_n3A_197 = arith.select %eq3A_194, %sub3A_196, %select_n3A_192 : i32
          %add3A_198 = arith.addi %select_n3A_197, %select_n3A_14 : i32
          %add3A_199 = arith.constant 1 : i32
          %add3A_200 = arith.addi %while3A_180, %add3A_199 : i32
          %select_n3A_201 = arith.constant true
          %select_n3A_202 = arith.select %select_n3A_201, %add3A_200, %while3A_180 : i32
          %eq3A_203 = arith.cmpi eq, %select_n3A_202, %select_n3A : i32
          %select_n3A_204 = arith.constant 0 : i32
          %select_n3A_205 = arith.select %eq3A_203, %select_n3A_204, %select_n3A_202 : i32
          %add3A_206 = arith.addi %select_n3A_205, %select_n3A_14 : i32
          %add3A_207 = arith.constant 1 : i32
          %add3A_208 = arith.addi %select_n3A_205, %add3A_207 : i32
          %select_n3A_209 = arith.constant true
          %select_n3A_210 = arith.select %select_n3A_209, %add3A_208, %select_n3A_205 : i32
          %eq3A_211 = arith.cmpi eq, %select_n3A_210, %select_n3A : i32
          %select_n3A_212 = arith.constant 0 : i32
          %select_n3A_213 = arith.select %eq3A_211, %select_n3A_212, %select_n3A_210 : i32
          %add3A_214 = arith.addi %select_n3A_213, %select_n3A_14 : i32
          %ne3A = arith.cmpi ne, %add3A_188, %add3A_206 : i32
          %or3A = arith.constant false
          %or3A_215 = arith.ori %or3A, %ne3A : i1
          %sub3A_216 = arith.constant 2 : i32
          %sub3A_217 = arith.subi %mul3A_182, %sub3A_216 : i32
          %add3A_218 = arith.constant 1 : i32
          %add3A_219 = arith.addi %sub3A_217, %add3A_218 : i32
          %ge3A = arith.cmpi sge, %while3A_173, %add3A_219 : i32
          %not3A = arith.constant true
          %not3A_220 = arith.xori %ge3A, %not3A : i1
          %and3A = arith.andi %or3A_215, %not3A_220 : i1
          %convert_element_type3A_221 = arith.extui %and3A : i1 to i32
          %cond3A_222 = arith.constant 0 : i32
          %cond3A_223 = arith.cmpi ne, %convert_element_type3A_221, %cond3A_222 : i32
          scf.if %cond3A_223 {
            "tpu.trace_start"() <{level = 10 : i32, message = "ep_copy_in"}> : () -> ()
            %rem3A_375 = arith.constant 2 : i32
            %rem3A_376 = arith.remui %while3A_174, %rem3A_375 : i32
            %mul3A_377 = arith.constant 1280 : i32
            %mul3A_378 = arith.muli %mul3A_377, %add3A_206 : i32
            %dma_start3A_379 = arith.constant 0 : i32
            %dma_start3A_380 = arith.constant 0 : i32
            %dma_start3A_381 = tpu.memref_slice %run_scoped3A[%rem3A_376, %dma_start3A_379, %dma_start3A_380] : memref<2x1x1280xi32, #tpu.memory_space<vmem>> -> memref<1x1x1280xi32, #tpu.memory_space<vmem>>
            %dma_start3A_382 = tpu.memref_squeeze %dma_start3A_381 : memref<1x1x1280xi32, #tpu.memory_space<vmem>> -> memref<1x1280xi32, #tpu.memory_space<vmem>>
            %dma_start3A_383 = arith.constant 0 : i32
            %dma_start3A_384 = tpu.memref_slice %arg4[%dma_start3A_383, %mul3A_378] : memref<2x320000xi32, #tpu.memory_space<hbm>> -> memref<1x1280xi32, #tpu.memory_space<hbm>>
            %dma_start3A_385 = tpu.memref_slice %run_scoped3A_17[%rem3A_376] : memref<2x!tpu.dma_semaphore, #tpu.memory_space<semaphore_mem>> -> memref<1x!tpu.dma_semaphore, #tpu.memory_space<semaphore_mem>>
            %dma_start3A_386 = tpu.memref_squeeze %dma_start3A_385 : memref<1x!tpu.dma_semaphore, #tpu.memory_space<semaphore_mem>> -> memref<!tpu.dma_semaphore, #tpu.memory_space<semaphore_mem>>
            %dma_start3A_387 = arith.constant 0 : i32
            %dma_start3A_388 = arith.constant 0 : i32
            %dma_start3A_389 = tpu.memref_slice %run_scoped3A[%rem3A_376, %dma_start3A_387, %dma_start3A_388] : memref<2x1x1280xi32, #tpu.memory_space<vmem>> -> memref<1x1x1280xi32, #tpu.memory_space<vmem>>
            %dma_start3A_390 = tpu.memref_squeeze %dma_start3A_389 : memref<1x1x1280xi32, #tpu.memory_space<vmem>> -> memref<1x1280xi32, #tpu.memory_space<vmem>>
            %dma_start3A_391 = arith.constant 0 : i32
            %dma_start3A_392 = tpu.memref_slice %arg4[%dma_start3A_391, %mul3A_378] : memref<2x320000xi32, #tpu.memory_space<hbm>> -> memref<1x1280xi32, #tpu.memory_space<hbm>>
            tpu.enqueue_dma source(%dma_start3A_392 : memref<1x1280xi32, #tpu.memory_space<hbm>>) target(%dma_start3A_390 : memref<1x1280xi32, #tpu.memory_space<vmem>>) target_semaphore(%dma_start3A_386 : memref<!tpu.dma_semaphore, #tpu.memory_space<semaphore_mem>>)
            "tpu.trace_stop"() : () -> ()
          } else {
          }
          %and3A_224 = arith.constant true
          %and3A_225 = arith.andi %and3A, %and3A_224 : i1
          %add3A_226 = arith.constant 1 : i32
          %add3A_227 = arith.addi %while3A_174, %add3A_226 : i32
          %select_n3A_228 = arith.select %and3A_225, %add3A_227, %while3A_174 : i32
          %ne3A_229 = arith.cmpi ne, %add3A_188, %add3A_206 : i32
          %or3A_230 = arith.constant false
          %or3A_231 = arith.ori %or3A_230, %ne3A_229 : i1
          %sub3A_232 = arith.constant 2 : i32
          %sub3A_233 = arith.subi %mul3A_182, %sub3A_232 : i32
          %add3A_234 = arith.constant 1 : i32
          %add3A_235 = arith.addi %sub3A_233, %add3A_234 : i32
          %ge3A_236 = arith.cmpi sge, %while3A_173, %add3A_235 : i32
          %not3A_237 = arith.constant true
          %not3A_238 = arith.xori %ge3A_236, %not3A_237 : i1
          %and3A_239 = arith.andi %or3A_231, %not3A_238 : i1
          %convert_element_type3A_240 = arith.extui %and3A_239 : i1 to i32
          %cond3A_241 = arith.constant 0 : i32
          %cond3A_242 = arith.cmpi ne, %convert_element_type3A_240, %cond3A_241 : i32
          scf.if %cond3A_242 {
            "tpu.trace_start"() <{level = 10 : i32, message = "ep_copy_in"}> : () -> ()
            %rem3A_375 = arith.constant 2 : i32
            %rem3A_376 = arith.remui %while3A_176, %rem3A_375 : i32
            %mul3A_377 = arith.constant 1280 : i32
            %mul3A_378 = arith.muli %mul3A_377, %add3A_206 : i32
            %dma_start3A_379 = arith.constant 0 : i32
            %dma_start3A_380 = arith.constant 0 : i32
            %dma_start3A_381 = tpu.memref_slice %run_scoped3A_18[%rem3A_376, %dma_start3A_379, %dma_start3A_380] : memref<2x1x1280xi32, #tpu.memory_space<vmem>> -> memref<1x1x1280xi32, #tpu.memory_space<vmem>>
            %dma_start3A_382 = tpu.memref_squeeze %dma_start3A_381 : memref<1x1x1280xi32, #tpu.memory_space<vmem>> -> memref<1x1280xi32, #tpu.memory_space<vmem>>
            %dma_start3A_383 = arith.constant 1 : i32
            %dma_start3A_384 = tpu.memref_slice %arg5[%dma_start3A_383, %mul3A_378] : memref<2x320000xi32, #tpu.memory_space<hbm>> -> memref<1x1280xi32, #tpu.memory_space<hbm>>
            %dma_start3A_385 = tpu.memref_slice %run_scoped3A_19[%rem3A_376] : memref<2x!tpu.dma_semaphore, #tpu.memory_space<semaphore_mem>> -> memref<1x!tpu.dma_semaphore, #tpu.memory_space<semaphore_mem>>
            %dma_start3A_386 = tpu.memref_squeeze %dma_start3A_385 : memref<1x!tpu.dma_semaphore, #tpu.memory_space<semaphore_mem>> -> memref<!tpu.dma_semaphore, #tpu.memory_space<semaphore_mem>>
            %dma_start3A_387 = arith.constant 0 : i32
            %dma_start3A_388 = arith.constant 0 : i32
            %dma_start3A_389 = tpu.memref_slice %run_scoped3A_18[%rem3A_376, %dma_start3A_387, %dma_start3A_388] : memref<2x1x1280xi32, #tpu.memory_space<vmem>> -> memref<1x1x1280xi32, #tpu.memory_space<vmem>>
            %dma_start3A_390 = tpu.memref_squeeze %dma_start3A_389 : memref<1x1x1280xi32, #tpu.memory_space<vmem>> -> memref<1x1280xi32, #tpu.memory_space<vmem>>
            %dma_start3A_391 = arith.constant 1 : i32
            %dma_start3A_392 = tpu.memref_slice %arg5[%dma_start3A_391, %mul3A_378] : memref<2x320000xi32, #tpu.memory_space<hbm>> -> memref<1x1280xi32, #tpu.memory_space<hbm>>
            tpu.enqueue_dma source(%dma_start3A_392 : memref<1x1280xi32, #tpu.memory_space<hbm>>) target(%dma_start3A_390 : memref<1x1280xi32, #tpu.memory_space<vmem>>) target_semaphore(%dma_start3A_386 : memref<!tpu.dma_semaphore, #tpu.memory_space<semaphore_mem>>)
            "tpu.trace_stop"() : () -> ()
          } else {
          }
          %and3A_243 = arith.constant true
          %and3A_244 = arith.andi %and3A_239, %and3A_243 : i1
          %add3A_245 = arith.constant 1 : i32
          %add3A_246 = arith.addi %while3A_176, %add3A_245 : i32
          %select_n3A_247 = arith.select %and3A_244, %add3A_246, %while3A_176 : i32
          %ne3A_248 = arith.cmpi ne, %add3A_188, %add3A_206 : i32
          %or3A_249 = arith.constant false
          %or3A_250 = arith.ori %or3A_249, %ne3A_248 : i1
          %sub3A_251 = arith.constant 2 : i32
          %sub3A_252 = arith.subi %mul3A_182, %sub3A_251 : i32
          %add3A_253 = arith.constant 1 : i32
          %add3A_254 = arith.addi %sub3A_252, %add3A_253 : i32
          %ge3A_255 = arith.cmpi sge, %while3A_173, %add3A_254 : i32
          %not3A_256 = arith.constant true
          %not3A_257 = arith.xori %ge3A_255, %not3A_256 : i1
          %and3A_258 = arith.andi %or3A_250, %not3A_257 : i1
          %ne3A_259 = arith.cmpi ne, %add3A_188, %add3A_198 : i32
          %or3A_260 = arith.constant false
          %or3A_261 = arith.ori %or3A_260, %ne3A_259 : i1
          %or3A_262 = arith.ori %or3A_261, %eq3A_184 : i1
          %convert_element_type3A_263 = arith.extui %or3A_262 : i1 to i32
          %cond3A_264 = arith.constant 0 : i32
          %cond3A_265 = arith.cmpi ne, %convert_element_type3A_263, %cond3A_264 : i32
          scf.if %cond3A_265 {
            "tpu.trace_start"() <{level = 10 : i32, message = "ep_wait_in"}> : () -> ()
            %mul3A_375 = arith.constant 1280 : i32
            %mul3A_376 = arith.muli %mul3A_375, %add3A_188 : i32
            %rem3A_377 = arith.constant 2 : i32
            %rem3A_378 = arith.remui %while3A_175, %rem3A_377 : i32
            %dma_wait3A = arith.constant 0 : i32
            %dma_wait3A_379 = arith.constant 0 : i32
            %dma_wait3A_380 = tpu.memref_slice %run_scoped3A[%rem3A_378, %dma_wait3A, %dma_wait3A_379] : memref<2x1x1280xi32, #tpu.memory_space<vmem>> -> memref<1x1x1280xi32, #tpu.memory_space<vmem>>
            %dma_wait3A_381 = tpu.memref_squeeze %dma_wait3A_380 : memref<1x1x1280xi32, #tpu.memory_space<vmem>> -> memref<1x1280xi32, #tpu.memory_space<vmem>>
            %dma_wait3A_382 = arith.constant 0 : i32
            %dma_wait3A_383 = tpu.memref_slice %arg4[%dma_wait3A_382, %mul3A_376] : memref<2x320000xi32, #tpu.memory_space<hbm>> -> memref<1x1280xi32, #tpu.memory_space<hbm>>
            %dma_wait3A_384 = tpu.memref_slice %run_scoped3A_17[%rem3A_378] : memref<2x!tpu.dma_semaphore, #tpu.memory_space<semaphore_mem>> -> memref<1x!tpu.dma_semaphore, #tpu.memory_space<semaphore_mem>>
            %dma_wait3A_385 = tpu.memref_squeeze %dma_wait3A_384 : memref<1x!tpu.dma_semaphore, #tpu.memory_space<semaphore_mem>> -> memref<!tpu.dma_semaphore, #tpu.memory_space<semaphore_mem>>
            %dma_wait3A_386 = arith.constant 0 : i32
            %dma_wait3A_387 = arith.constant 0 : i32
            %dma_wait3A_388 = tpu.memref_slice %run_scoped3A[%rem3A_378, %dma_wait3A_386, %dma_wait3A_387] : memref<2x1x1280xi32, #tpu.memory_space<vmem>> -> memref<1x1x1280xi32, #tpu.memory_space<vmem>>
            %dma_wait3A_389 = tpu.memref_squeeze %dma_wait3A_388 : memref<1x1x1280xi32, #tpu.memory_space<vmem>> -> memref<1x1280xi32, #tpu.memory_space<vmem>>
            %dma_wait3A_390 = arith.constant 0 : i32
            %dma_wait3A_391 = tpu.memref_slice %arg4[%dma_wait3A_390, %mul3A_376] : memref<2x320000xi32, #tpu.memory_space<hbm>> -> memref<1x1280xi32, #tpu.memory_space<hbm>>
            tpu.wait_dma2 semaphore(%dma_wait3A_385 : memref<!tpu.dma_semaphore, #tpu.memory_space<semaphore_mem>>) src(%dma_wait3A_391 : memref<1x1280xi32, #tpu.memory_space<hbm>>) dst(%dma_wait3A_389 : memref<1x1280xi32, #tpu.memory_space<vmem>>)
            "tpu.trace_stop"() : () -> ()
          } else {
          }
          %ne3A_266 = arith.cmpi ne, %add3A_188, %add3A_198 : i32
          %or3A_267 = arith.constant false
          %or3A_268 = arith.ori %or3A_267, %ne3A_266 : i1
          %or3A_269 = arith.ori %or3A_268, %eq3A_184 : i1
          %convert_element_type3A_270 = arith.extui %or3A_269 : i1 to i32
          %cond3A_271 = arith.constant 0 : i32
          %cond3A_272 = arith.cmpi ne, %convert_element_type3A_270, %cond3A_271 : i32
          scf.if %cond3A_272 {
            "tpu.trace_start"() <{level = 10 : i32, message = "ep_wait_in"}> : () -> ()
            %mul3A_375 = arith.constant 1280 : i32
            %mul3A_376 = arith.muli %mul3A_375, %add3A_188 : i32
            %rem3A_377 = arith.constant 2 : i32
            %rem3A_378 = arith.remui %while3A_177, %rem3A_377 : i32
            %dma_wait3A = arith.constant 0 : i32
            %dma_wait3A_379 = arith.constant 0 : i32
            %dma_wait3A_380 = tpu.memref_slice %run_scoped3A_18[%rem3A_378, %dma_wait3A, %dma_wait3A_379] : memref<2x1x1280xi32, #tpu.memory_space<vmem>> -> memref<1x1x1280xi32, #tpu.memory_space<vmem>>
            %dma_wait3A_381 = tpu.memref_squeeze %dma_wait3A_380 : memref<1x1x1280xi32, #tpu.memory_space<vmem>> -> memref<1x1280xi32, #tpu.memory_space<vmem>>
            %dma_wait3A_382 = arith.constant 1 : i32
            %dma_wait3A_383 = tpu.memref_slice %arg5[%dma_wait3A_382, %mul3A_376] : memref<2x320000xi32, #tpu.memory_space<hbm>> -> memref<1x1280xi32, #tpu.memory_space<hbm>>
            %dma_wait3A_384 = tpu.memref_slice %run_scoped3A_19[%rem3A_378] : memref<2x!tpu.dma_semaphore, #tpu.memory_space<semaphore_mem>> -> memref<1x!tpu.dma_semaphore, #tpu.memory_space<semaphore_mem>>
            %dma_wait3A_385 = tpu.memref_squeeze %dma_wait3A_384 : memref<1x!tpu.dma_semaphore, #tpu.memory_space<semaphore_mem>> -> memref<!tpu.dma_semaphore, #tpu.memory_space<semaphore_mem>>
            %dma_wait3A_386 = arith.constant 0 : i32
            %dma_wait3A_387 = arith.constant 0 : i32
            %dma_wait3A_388 = tpu.memref_slice %run_scoped3A_18[%rem3A_378, %dma_wait3A_386, %dma_wait3A_387] : memref<2x1x1280xi32, #tpu.memory_space<vmem>> -> memref<1x1x1280xi32, #tpu.memory_space<vmem>>
            %dma_wait3A_389 = tpu.memref_squeeze %dma_wait3A_388 : memref<1x1x1280xi32, #tpu.memory_space<vmem>> -> memref<1x1280xi32, #tpu.memory_space<vmem>>
            %dma_wait3A_390 = arith.constant 1 : i32
            %dma_wait3A_391 = tpu.memref_slice %arg5[%dma_wait3A_390, %mul3A_376] : memref<2x320000xi32, #tpu.memory_space<hbm>> -> memref<1x1280xi32, #tpu.memory_space<hbm>>
            tpu.wait_dma2 semaphore(%dma_wait3A_385 : memref<!tpu.dma_semaphore, #tpu.memory_space<semaphore_mem>>) src(%dma_wait3A_391 : memref<1x1280xi32, #tpu.memory_space<hbm>>) dst(%dma_wait3A_389 : memref<1x1280xi32, #tpu.memory_space<vmem>>)
            "tpu.trace_stop"() : () -> ()
          } else {
          }
          %ne3A_273 = arith.cmpi ne, %add3A_188, %add3A_198 : i32
          %or3A_274 = arith.constant false
          %or3A_275 = arith.ori %or3A_274, %ne3A_273 : i1
          %or3A_276 = arith.ori %or3A_275, %eq3A_184 : i1
          %convert_element_type3A_277 = arith.extui %or3A_276 : i1 to i32
          %cond3A_278 = arith.constant 0 : i32
          %cond3A_279 = arith.cmpi ne, %convert_element_type3A_277, %cond3A_278 : i32
          scf.if %cond3A_279 {
          } else {
          }
          %rem3A_280 = arith.constant 2 : i32
          %rem3A_281 = arith.remui %while3A_175, %rem3A_280 : i32
          %rem3A_282 = arith.constant 2 : i32
          %rem3A_283 = arith.remui %while3A_177, %rem3A_282 : i32
          %rem3A_284 = arith.constant 2 : i32
          %rem3A_285 = arith.remui %while3A_178, %rem3A_284 : i32
          %parallel_loop3A = arith.constant 0 : i32
          %parallel_loop3A_286 = arith.constant 1280 : i32
          %parallel_loop3A_287 = arith.constant 16 : i32
          "tpu.trace_start"() <{level = 10 : i32, message = "ep_run_kernel"}> : () -> ()
          scf.for %parallel_loop3A_375 = %parallel_loop3A to %parallel_loop3A_286 step %parallel_loop3A_287  : i32 {
            %parallel_loop3A_376 = arith.constant 0 : i32
            %parallel_loop3A_377 = arith.constant 0 : i32
            %parallel_loop3A_378 = arith.constant 0 : i32
            %parallel_loop3A_379 = tpu.memref_slice %run_scoped3A[%rem3A_281, %parallel_loop3A_377, %parallel_loop3A_378] : memref<2x1x1280xi32, #tpu.memory_space<vmem>> -> memref<1x1x1280xi32, #tpu.memory_space<vmem>>
            %parallel_loop3A_380 = tpu.memref_squeeze %parallel_loop3A_379 : memref<1x1x1280xi32, #tpu.memory_space<vmem>> -> memref<1x1280xi32, #tpu.memory_space<vmem>>
            %parallel_loop3A_381 = arith.index_cast %parallel_loop3A_376 : i32 to index
            %parallel_loop3A_382 = arith.index_cast %parallel_loop3A_375 : i32 to index
            %parallel_loop3A_383 = tpu.vector_load %parallel_loop3A_380[%parallel_loop3A_381, %parallel_loop3A_382] {strides = array<i32>} : memref<1x1280xi32, #tpu.memory_space<vmem>>, vector<16xi32>,
            %parallel_loop3A_384 = arith.constant 4 : i32
            %parallel_loop3A_385 = vector.broadcast %parallel_loop3A_384 : i32 to vector<16xi32>
            %parallel_loop3A_386 = arith.muli %parallel_loop3A_383, %parallel_loop3A_385 : vector<16xi32>
            %parallel_loop3A_387 = arith.constant 0 : i32
            %parallel_loop3A_388 = arith.constant 0 : i32
            %parallel_loop3A_389 = arith.constant 0 : i32
            %parallel_loop3A_390 = tpu.memref_slice %run_scoped3A_18[%rem3A_283, %parallel_loop3A_388, %parallel_loop3A_389] : memref<2x1x1280xi32, #tpu.memory_space<vmem>> -> memref<1x1x1280xi32, #tpu.memory_space<vmem>>
            %parallel_loop3A_391 = tpu.memref_squeeze %parallel_loop3A_390 : memref<1x1x1280xi32, #tpu.memory_space<vmem>> -> memref<1x1280xi32, #tpu.memory_space<vmem>>
            %parallel_loop3A_392 = arith.index_cast %parallel_loop3A_387 : i32 to index
            %parallel_loop3A_393 = arith.index_cast %parallel_loop3A_375 : i32 to index
            %parallel_loop3A_394 = tpu.vector_load %parallel_loop3A_391[%parallel_loop3A_392, %parallel_loop3A_393] {strides = array<i32>} : memref<1x1280xi32, #tpu.memory_space<vmem>>, vector<16xi32>,
            %parallel_loop3A_395 = arith.constant 4 : i32
            %parallel_loop3A_396 = vector.broadcast %parallel_loop3A_395 : i32 to vector<16xi32>
            %parallel_loop3A_397 = arith.muli %parallel_loop3A_394, %parallel_loop3A_396 : vector<16xi32>
            %parallel_loop3A_398 = arith.constant 0 : i32
            %parallel_loop3A_399 = vector.broadcast %parallel_loop3A_398 : i32 to vector<16xi32>
            %parallel_loop3A_400 = arith.addi %parallel_loop3A_386, %parallel_loop3A_399 : vector<16xi32>
            %parallel_loop3A_401 = tpu.vector_load_idx %arg8[%parallel_loop3A_400] : memref<40000xi32, #tpu.memory_space<vmem>>[vector<16xi32>], vector<16xi32>,
            %parallel_loop3A_402 = arith.constant 1 : i32
            %parallel_loop3A_403 = vector.broadcast %parallel_loop3A_402 : i32 to vector<16xi32>
            %parallel_loop3A_404 = arith.addi %parallel_loop3A_386, %parallel_loop3A_403 : vector<16xi32>
            %parallel_loop3A_405 = tpu.vector_load_idx %arg8[%parallel_loop3A_404] : memref<40000xi32, #tpu.memory_space<vmem>>[vector<16xi32>], vector<16xi32>,
            %parallel_loop3A_406 = arith.constant 0 : i32
            %parallel_loop3A_407 = vector.broadcast %parallel_loop3A_406 : i32 to vector<16xi32>
            %parallel_loop3A_408 = arith.addi %parallel_loop3A_397, %parallel_loop3A_407 : vector<16xi32>
            %parallel_loop3A_409 = tpu.vector_load_idx %arg9[%parallel_loop3A_408] : memref<40000xi32, #tpu.memory_space<vmem>>[vector<16xi32>], vector<16xi32>,
            %parallel_loop3A_410 = arith.constant 1 : i32
            %parallel_loop3A_411 = vector.broadcast %parallel_loop3A_410 : i32 to vector<16xi32>
            %parallel_loop3A_412 = arith.addi %parallel_loop3A_397, %parallel_loop3A_411 : vector<16xi32>
            %parallel_loop3A_413 = tpu.vector_load_idx %arg9[%parallel_loop3A_412] : memref<40000xi32, #tpu.memory_space<vmem>>[vector<16xi32>], vector<16xi32>,
            %parallel_loop3A_414 = arith.constant 16 : i32
            %parallel_loop3A_415 = vector.broadcast %parallel_loop3A_414 : i32 to vector<16xi32>
            %parallel_loop3A_416 = arith.shli %parallel_loop3A_401, %parallel_loop3A_415 : vector<16xi32>
            %parallel_loop3A_417 = vector.bitcast %parallel_loop3A_416 : vector<16xi32> to vector<16xf32>
            %parallel_loop3A_418 = arith.constant -65536 : i32
            %parallel_loop3A_419 = vector.broadcast %parallel_loop3A_418 : i32 to vector<16xi32>
            %parallel_loop3A_420 = arith.andi %parallel_loop3A_401, %parallel_loop3A_419 : vector<16xi32>
            %parallel_loop3A_421 = vector.bitcast %parallel_loop3A_420 : vector<16xi32> to vector<16xf32>
            %parallel_loop3A_422 = arith.constant 16 : i32
            %parallel_loop3A_423 = vector.broadcast %parallel_loop3A_422 : i32 to vector<16xi32>
            %parallel_loop3A_424 = arith.shli %parallel_loop3A_405, %parallel_loop3A_423 : vector<16xi32>
            %parallel_loop3A_425 = vector.bitcast %parallel_loop3A_424 : vector<16xi32> to vector<16xf32>
            %parallel_loop3A_426 = arith.constant -65536 : i32
            %parallel_loop3A_427 = vector.broadcast %parallel_loop3A_426 : i32 to vector<16xi32>
            %parallel_loop3A_428 = arith.andi %parallel_loop3A_405, %parallel_loop3A_427 : vector<16xi32>
            %parallel_loop3A_429 = vector.bitcast %parallel_loop3A_428 : vector<16xi32> to vector<16xf32>
            %parallel_loop3A_430 = arith.constant 16 : i32
            %parallel_loop3A_431 = vector.broadcast %parallel_loop3A_430 : i32 to vector<16xi32>
            %parallel_loop3A_432 = arith.shli %parallel_loop3A_409, %parallel_loop3A_431 : vector<16xi32>
            %parallel_loop3A_433 = vector.bitcast %parallel_loop3A_432 : vector<16xi32> to vector<16xf32>
            %parallel_loop3A_434 = arith.constant -65536 : i32
            %parallel_loop3A_435 = vector.broadcast %parallel_loop3A_434 : i32 to vector<16xi32>
            %parallel_loop3A_436 = arith.andi %parallel_loop3A_409, %parallel_loop3A_435 : vector<16xi32>
            %parallel_loop3A_437 = vector.bitcast %parallel_loop3A_436 : vector<16xi32> to vector<16xf32>
            %parallel_loop3A_438 = arith.constant 16 : i32
            %parallel_loop3A_439 = vector.broadcast %parallel_loop3A_438 : i32 to vector<16xi32>
            %parallel_loop3A_440 = arith.shli %parallel_loop3A_413, %parallel_loop3A_439 : vector<16xi32>
            %parallel_loop3A_441 = vector.bitcast %parallel_loop3A_440 : vector<16xi32> to vector<16xf32>
            %parallel_loop3A_442 = arith.constant -65536 : i32
            %parallel_loop3A_443 = vector.broadcast %parallel_loop3A_442 : i32 to vector<16xi32>
            %parallel_loop3A_444 = arith.andi %parallel_loop3A_413, %parallel_loop3A_443 : vector<16xi32>
            %parallel_loop3A_445 = vector.bitcast %parallel_loop3A_444 : vector<16xi32> to vector<16xf32>
            %parallel_loop3A_446 = arith.addf %parallel_loop3A_417, %parallel_loop3A_433 : vector<16xf32>
            %parallel_loop3A_447 = arith.addf %parallel_loop3A_421, %parallel_loop3A_437 : vector<16xf32>
            %parallel_loop3A_448 = arith.addf %parallel_loop3A_425, %parallel_loop3A_441 : vector<16xf32>
            %parallel_loop3A_449 = arith.addf %parallel_loop3A_429, %parallel_loop3A_445 : vector<16xf32>
            %parallel_loop3A_450 = arith.constant 2 : i32
            %parallel_loop3A_451 = vector.broadcast %parallel_loop3A_450 : i32 to vector<16xi32>
            %parallel_loop3A_452 = arith.addi %parallel_loop3A_386, %parallel_loop3A_451 : vector<16xi32>
            %parallel_loop3A_453 = tpu.vector_load_idx %arg8[%parallel_loop3A_452] : memref<40000xi32, #tpu.memory_space<vmem>>[vector<16xi32>], vector<16xi32>,
            %parallel_loop3A_454 = vector.bitcast %parallel_loop3A_453 : vector<16xi32> to vector<16xf32>
            %parallel_loop3A_455 = arith.constant 2 : i32
            %parallel_loop3A_456 = vector.broadcast %parallel_loop3A_455 : i32 to vector<16xi32>
            %parallel_loop3A_457 = arith.addi %parallel_loop3A_397, %parallel_loop3A_456 : vector<16xi32>
            %parallel_loop3A_458 = tpu.vector_load_idx %arg9[%parallel_loop3A_457] : memref<40000xi32, #tpu.memory_space<vmem>>[vector<16xi32>], vector<16xi32>,
            %parallel_loop3A_459 = vector.bitcast %parallel_loop3A_458 : vector<16xi32> to vector<16xf32>
            %parallel_loop3A_460 = arith.addf %parallel_loop3A_454, %parallel_loop3A_459 : vector<16xf32>
            %parallel_loop3A_461 = arith.constant 3 : i32
            %parallel_loop3A_462 = vector.broadcast %parallel_loop3A_461 : i32 to vector<16xi32>
            %parallel_loop3A_463 = arith.addi %parallel_loop3A_386, %parallel_loop3A_462 : vector<16xi32>
            %parallel_loop3A_464 = tpu.vector_load_idx %arg8[%parallel_loop3A_463] : memref<40000xi32, #tpu.memory_space<vmem>>[vector<16xi32>], vector<16xi32>,
            %parallel_loop3A_465 = vector.bitcast %parallel_loop3A_464 : vector<16xi32> to vector<16xf32>
            %parallel_loop3A_466 = arith.constant 3 : i32
            %parallel_loop3A_467 = vector.broadcast %parallel_loop3A_466 : i32 to vector<16xi32>
            %parallel_loop3A_468 = arith.addi %parallel_loop3A_397, %parallel_loop3A_467 : vector<16xi32>
            %parallel_loop3A_469 = tpu.vector_load_idx %arg9[%parallel_loop3A_468] : memref<40000xi32, #tpu.memory_space<vmem>>[vector<16xi32>], vector<16xi32>,
            %parallel_loop3A_470 = vector.bitcast %parallel_loop3A_469 : vector<16xi32> to vector<16xf32>
            %parallel_loop3A_471 = arith.addf %parallel_loop3A_465, %parallel_loop3A_470 : vector<16xf32>
            %parallel_loop3A_472 = arith.constant 3.906250e-03 : f32
            %parallel_loop3A_473 = vector.broadcast %parallel_loop3A_472 : f32 to vector<16xf32>
            %parallel_loop3A_474 = arith.mulf %parallel_loop3A_460, %parallel_loop3A_473 : vector<16xf32>
            %parallel_loop3A_475 = arith.constant 3.906250e-03 : f32
            %parallel_loop3A_476 = vector.broadcast %parallel_loop3A_475 : f32 to vector<16xf32>
            %parallel_loop3A_477 = arith.mulf %parallel_loop3A_471, %parallel_loop3A_476 : vector<16xf32>
            %parallel_loop3A_478 = arith.mulf %parallel_loop3A_474, %parallel_loop3A_474 : vector<16xf32>
            %parallel_loop3A_479 = arith.subf %parallel_loop3A_477, %parallel_loop3A_478 : vector<16xf32>
            %parallel_loop3A_480 = arith.constant 9.99999974E-6 : f32
            %parallel_loop3A_481 = vector.broadcast %parallel_loop3A_480 : f32 to vector<16xf32>
            %parallel_loop3A_482 = arith.addf %parallel_loop3A_479, %parallel_loop3A_481 : vector<16xf32>
            %parallel_loop3A_483 = vector.bitcast %parallel_loop3A_482 : vector<16xf32> to vector<16xi32>
            %parallel_loop3A_484 = arith.constant 1 : i32
            %parallel_loop3A_485 = vector.broadcast %parallel_loop3A_484 : i32 to vector<16xi32>
            %parallel_loop3A_486 = arith.shrsi %parallel_loop3A_483, %parallel_loop3A_485 : vector<16xi32>
            %parallel_loop3A_487 = arith.constant 1597463007 : i32
            %parallel_loop3A_488 = vector.broadcast %parallel_loop3A_487 : i32 to vector<16xi32>
            %parallel_loop3A_489 = arith.subi %parallel_loop3A_488, %parallel_loop3A_486 : vector<16xi32>
            %parallel_loop3A_490 = vector.bitcast %parallel_loop3A_489 : vector<16xi32> to vector<16xf32>
            %parallel_loop3A_491 = arith.constant 5.000000e-01 : f32
            %parallel_loop3A_492 = vector.broadcast %parallel_loop3A_491 : f32 to vector<16xf32>
            %parallel_loop3A_493 = arith.mulf %parallel_loop3A_492, %parallel_loop3A_482 : vector<16xf32>
            %parallel_loop3A_494 = arith.mulf %parallel_loop3A_493, %parallel_loop3A_490 : vector<16xf32>
            %parallel_loop3A_495 = arith.mulf %parallel_loop3A_494, %parallel_loop3A_490 : vector<16xf32>
            %parallel_loop3A_496 = arith.constant 1.500000e+00 : f32
            %parallel_loop3A_497 = vector.broadcast %parallel_loop3A_496 : f32 to vector<16xf32>
            %parallel_loop3A_498 = arith.subf %parallel_loop3A_497, %parallel_loop3A_495 : vector<16xf32>
            %parallel_loop3A_499 = arith.mulf %parallel_loop3A_490, %parallel_loop3A_498 : vector<16xf32>
            %parallel_loop3A_500 = arith.constant 5.000000e-01 : f32
            %parallel_loop3A_501 = vector.broadcast %parallel_loop3A_500 : f32 to vector<16xf32>
            %parallel_loop3A_502 = arith.mulf %parallel_loop3A_501, %parallel_loop3A_482 : vector<16xf32>
            %parallel_loop3A_503 = arith.mulf %parallel_loop3A_502, %parallel_loop3A_499 : vector<16xf32>
            %parallel_loop3A_504 = arith.mulf %parallel_loop3A_503, %parallel_loop3A_499 : vector<16xf32>
            %parallel_loop3A_505 = arith.constant 1.500000e+00 : f32
            %parallel_loop3A_506 = vector.broadcast %parallel_loop3A_505 : f32 to vector<16xf32>
            %parallel_loop3A_507 = arith.subf %parallel_loop3A_506, %parallel_loop3A_504 : vector<16xf32>
            %parallel_loop3A_508 = arith.mulf %parallel_loop3A_499, %parallel_loop3A_507 : vector<16xf32>
            %parallel_loop3A_509 = arith.constant 0 : i32
            %parallel_loop3A_510 = vector.broadcast %parallel_loop3A_509 : i32 to vector<16xi32>
            %parallel_loop3A_511 = tpu.vector_load_idx %arg10[%parallel_loop3A_510] : memref<8xf32, #tpu.memory_space<vmem>>[vector<16xi32>], vector<16xf32>,
            %parallel_loop3A_512 = arith.mulf %parallel_loop3A_446, %parallel_loop3A_508 : vector<16xf32>
            %parallel_loop3A_513 = arith.addf %parallel_loop3A_512, %parallel_loop3A_511 : vector<16xf32>
            %parallel_loop3A_514 = arith.constant 0.000000e+00 : f32
            %parallel_loop3A_515 = vector.broadcast %parallel_loop3A_514 : f32 to vector<16xf32>
            %parallel_loop3A_516 = arith.subf %parallel_loop3A_515, %parallel_loop3A_513 : vector<16xf32>
            %parallel_loop3A_517 = math.exp %parallel_loop3A_516 : vector<16xf32>
            %parallel_loop3A_518 = arith.constant 1.000000e+00 : f32
            %parallel_loop3A_519 = vector.broadcast %parallel_loop3A_518 : f32 to vector<16xf32>
            %parallel_loop3A_520 = arith.addf %parallel_loop3A_519, %parallel_loop3A_517 : vector<16xf32>
            %parallel_loop3A_521 = arith.constant 1.000000e+00 : f32
            %parallel_loop3A_522 = vector.broadcast %parallel_loop3A_521 : f32 to vector<16xf32>
            %parallel_loop3A_523 = arith.divf %parallel_loop3A_522, %parallel_loop3A_520 : vector<16xf32>
            %parallel_loop3A_524 = arith.constant 0 : i32
            %parallel_loop3A_525 = arith.constant 0 : i32
            %parallel_loop3A_526 = arith.constant 0 : i32
            %parallel_loop3A_527 = tpu.memref_slice %run_scoped3A_20[%rem3A_285, %parallel_loop3A_525, %parallel_loop3A_526] : memref<2x4x1280xf32, #tpu.memory_space<vmem>> -> memref<1x4x1280xf32, #tpu.memory_space<vmem>>
            %parallel_loop3A_528 = tpu.memref_squeeze %parallel_loop3A_527 : memref<1x4x1280xf32, #tpu.memory_space<vmem>> -> memref<4x1280xf32, #tpu.memory_space<vmem>>
            %parallel_loop3A_529 = arith.index_cast %parallel_loop3A_524 : i32 to index
            %parallel_loop3A_530 = arith.index_cast %parallel_loop3A_375 : i32 to index
            %parallel_loop3A_531 = tpu.vector_load %parallel_loop3A_528[%parallel_loop3A_529, %parallel_loop3A_530] {strides = array<i32>} : memref<4x1280xf32, #tpu.memory_space<vmem>>, vector<16xf32>,
            tpu.vector_store %parallel_loop3A_528[%parallel_loop3A_529, %parallel_loop3A_530], %parallel_loop3A_523 {strides = array<i32>} : memref<4x1280xf32, #tpu.memory_space<vmem>>, vector<16xf32>,
            %parallel_loop3A_532 = arith.constant 1 : i32
            %parallel_loop3A_533 = vector.broadcast %parallel_loop3A_532 : i32 to vector<16xi32>
            %parallel_loop3A_534 = tpu.vector_load_idx %arg10[%parallel_loop3A_533] : memref<8xf32, #tpu.memory_space<vmem>>[vector<16xi32>], vector<16xf32>,
            %parallel_loop3A_535 = arith.mulf %parallel_loop3A_447, %parallel_loop3A_508 : vector<16xf32>
            %parallel_loop3A_536 = arith.addf %parallel_loop3A_535, %parallel_loop3A_534 : vector<16xf32>
            %parallel_loop3A_537 = arith.constant 0.000000e+00 : f32
            %parallel_loop3A_538 = vector.broadcast %parallel_loop3A_537 : f32 to vector<16xf32>
            %parallel_loop3A_539 = arith.subf %parallel_loop3A_538, %parallel_loop3A_536 : vector<16xf32>
            %parallel_loop3A_540 = math.exp %parallel_loop3A_539 : vector<16xf32>
            %parallel_loop3A_541 = arith.constant 1.000000e+00 : f32
            %parallel_loop3A_542 = vector.broadcast %parallel_loop3A_541 : f32 to vector<16xf32>
            %parallel_loop3A_543 = arith.addf %parallel_loop3A_542, %parallel_loop3A_540 : vector<16xf32>
            %parallel_loop3A_544 = arith.constant 1.000000e+00 : f32
            %parallel_loop3A_545 = vector.broadcast %parallel_loop3A_544 : f32 to vector<16xf32>
            %parallel_loop3A_546 = arith.divf %parallel_loop3A_545, %parallel_loop3A_543 : vector<16xf32>
            %parallel_loop3A_547 = arith.constant 1 : i32
            %parallel_loop3A_548 = arith.constant 0 : i32
            %parallel_loop3A_549 = arith.constant 0 : i32
            %parallel_loop3A_550 = tpu.memref_slice %run_scoped3A_20[%rem3A_285, %parallel_loop3A_548, %parallel_loop3A_549] : memref<2x4x1280xf32, #tpu.memory_space<vmem>> -> memref<1x4x1280xf32, #tpu.memory_space<vmem>>
            %parallel_loop3A_551 = tpu.memref_squeeze %parallel_loop3A_550 : memref<1x4x1280xf32, #tpu.memory_space<vmem>> -> memref<4x1280xf32, #tpu.memory_space<vmem>>
            %parallel_loop3A_552 = arith.index_cast %parallel_loop3A_547 : i32 to index
            %parallel_loop3A_553 = arith.index_cast %parallel_loop3A_375 : i32 to index
            %parallel_loop3A_554 = tpu.vector_load %parallel_loop3A_551[%parallel_loop3A_552, %parallel_loop3A_553] {strides = array<i32>} : memref<4x1280xf32, #tpu.memory_space<vmem>>, vector<16xf32>,
            tpu.vector_store %parallel_loop3A_551[%parallel_loop3A_552, %parallel_loop3A_553], %parallel_loop3A_546 {strides = array<i32>} : memref<4x1280xf32, #tpu.memory_space<vmem>>, vector<16xf32>,
            %parallel_loop3A_555 = arith.constant 2 : i32
            %parallel_loop3A_556 = vector.broadcast %parallel_loop3A_555 : i32 to vector<16xi32>
            %parallel_loop3A_557 = tpu.vector_load_idx %arg10[%parallel_loop3A_556] : memref<8xf32, #tpu.memory_space<vmem>>[vector<16xi32>], vector<16xf32>,
            %parallel_loop3A_558 = arith.mulf %parallel_loop3A_448, %parallel_loop3A_508 : vector<16xf32>
            %parallel_loop3A_559 = arith.addf %parallel_loop3A_558, %parallel_loop3A_557 : vector<16xf32>
            %parallel_loop3A_560 = arith.constant 0.000000e+00 : f32
            %parallel_loop3A_561 = vector.broadcast %parallel_loop3A_560 : f32 to vector<16xf32>
            %parallel_loop3A_562 = arith.subf %parallel_loop3A_561, %parallel_loop3A_559 : vector<16xf32>
            %parallel_loop3A_563 = math.exp %parallel_loop3A_562 : vector<16xf32>
            %parallel_loop3A_564 = arith.constant 1.000000e+00 : f32
            %parallel_loop3A_565 = vector.broadcast %parallel_loop3A_564 : f32 to vector<16xf32>
            %parallel_loop3A_566 = arith.addf %parallel_loop3A_565, %parallel_loop3A_563 : vector<16xf32>
            %parallel_loop3A_567 = arith.constant 1.000000e+00 : f32
            %parallel_loop3A_568 = vector.broadcast %parallel_loop3A_567 : f32 to vector<16xf32>
            %parallel_loop3A_569 = arith.divf %parallel_loop3A_568, %parallel_loop3A_566 : vector<16xf32>
            %parallel_loop3A_570 = arith.constant 2 : i32
            %parallel_loop3A_571 = arith.constant 0 : i32
            %parallel_loop3A_572 = arith.constant 0 : i32
            %parallel_loop3A_573 = tpu.memref_slice %run_scoped3A_20[%rem3A_285, %parallel_loop3A_571, %parallel_loop3A_572] : memref<2x4x1280xf32, #tpu.memory_space<vmem>> -> memref<1x4x1280xf32, #tpu.memory_space<vmem>>
            %parallel_loop3A_574 = tpu.memref_squeeze %parallel_loop3A_573 : memref<1x4x1280xf32, #tpu.memory_space<vmem>> -> memref<4x1280xf32, #tpu.memory_space<vmem>>
            %parallel_loop3A_575 = arith.index_cast %parallel_loop3A_570 : i32 to index
            %parallel_loop3A_576 = arith.index_cast %parallel_loop3A_375 : i32 to index
            %parallel_loop3A_577 = tpu.vector_load %parallel_loop3A_574[%parallel_loop3A_575, %parallel_loop3A_576] {strides = array<i32>} : memref<4x1280xf32, #tpu.memory_space<vmem>>, vector<16xf32>,
            tpu.vector_store %parallel_loop3A_574[%parallel_loop3A_575, %parallel_loop3A_576], %parallel_loop3A_569 {strides = array<i32>} : memref<4x1280xf32, #tpu.memory_space<vmem>>, vector<16xf32>,
            %parallel_loop3A_578 = arith.constant 3 : i32
            %parallel_loop3A_579 = vector.broadcast %parallel_loop3A_578 : i32 to vector<16xi32>
            %parallel_loop3A_580 = tpu.vector_load_idx %arg10[%parallel_loop3A_579] : memref<8xf32, #tpu.memory_space<vmem>>[vector<16xi32>], vector<16xf32>,
            %parallel_loop3A_581 = arith.mulf %parallel_loop3A_449, %parallel_loop3A_508 : vector<16xf32>
            %parallel_loop3A_582 = arith.addf %parallel_loop3A_581, %parallel_loop3A_580 : vector<16xf32>
            %parallel_loop3A_583 = arith.constant 0.000000e+00 : f32
            %parallel_loop3A_584 = vector.broadcast %parallel_loop3A_583 : f32 to vector<16xf32>
            %parallel_loop3A_585 = arith.subf %parallel_loop3A_584, %parallel_loop3A_582 : vector<16xf32>
            %parallel_loop3A_586 = math.exp %parallel_loop3A_585 : vector<16xf32>
            %parallel_loop3A_587 = arith.constant 1.000000e+00 : f32
            %parallel_loop3A_588 = vector.broadcast %parallel_loop3A_587 : f32 to vector<16xf32>
            %parallel_loop3A_589 = arith.addf %parallel_loop3A_588, %parallel_loop3A_586 : vector<16xf32>
            %parallel_loop3A_590 = arith.constant 1.000000e+00 : f32
            %parallel_loop3A_591 = vector.broadcast %parallel_loop3A_590 : f32 to vector<16xf32>
            %parallel_loop3A_592 = arith.divf %parallel_loop3A_591, %parallel_loop3A_589 : vector<16xf32>
            %parallel_loop3A_593 = arith.constant 3 : i32
            %parallel_loop3A_594 = arith.constant 0 : i32
            %parallel_loop3A_595 = arith.constant 0 : i32
            %parallel_loop3A_596 = tpu.memref_slice %run_scoped3A_20[%rem3A_285, %parallel_loop3A_594, %parallel_loop3A_595] : memref<2x4x1280xf32, #tpu.memory_space<vmem>> -> memref<1x4x1280xf32, #tpu.memory_space<vmem>>
            %parallel_loop3A_597 = tpu.memref_squeeze %parallel_loop3A_596 : memref<1x4x1280xf32, #tpu.memory_space<vmem>> -> memref<4x1280xf32, #tpu.memory_space<vmem>>
            %parallel_loop3A_598 = arith.index_cast %parallel_loop3A_593 : i32 to index
            %parallel_loop3A_599 = arith.index_cast %parallel_loop3A_375 : i32 to index
            %parallel_loop3A_600 = tpu.vector_load %parallel_loop3A_597[%parallel_loop3A_598, %parallel_loop3A_599] {strides = array<i32>} : memref<4x1280xf32, #tpu.memory_space<vmem>>, vector<16xf32>,
            tpu.vector_store %parallel_loop3A_597[%parallel_loop3A_598, %parallel_loop3A_599], %parallel_loop3A_592 {strides = array<i32>} : memref<4x1280xf32, #tpu.memory_space<vmem>>, vector<16xf32>,
          } {sc.loop_unroll_factor = 8 : i64, sc.parallel_access}
          "tpu.trace_stop"() : () -> ()
          %ne3A_288 = arith.cmpi ne, %add3A_188, %add3A_206 : i32
          %or3A_289 = arith.constant false
          %or3A_290 = arith.ori %or3A_289, %ne3A_288 : i1
          %or3A_291 = arith.ori %or3A_290, %eq3A_187 : i1
          %convert_element_type3A_292 = arith.extui %or3A_291 : i1 to i32
          %cond3A_293 = arith.constant 0 : i32
          %cond3A_294 = arith.cmpi ne, %convert_element_type3A_292, %cond3A_293 : i32
          scf.if %cond3A_294 {
          } else {
          }
          %and3A_295 = arith.constant false
          %and3A_296 = arith.andi %or3A_291, %and3A_295 : i1
          %ne3A_297 = arith.cmpi ne, %add3A_188, %add3A_206 : i32
          %or3A_298 = arith.constant false
          %or3A_299 = arith.ori %or3A_298, %ne3A_297 : i1
          %or3A_300 = arith.ori %or3A_299, %eq3A_187 : i1
          %convert_element_type3A_301 = arith.extui %or3A_300 : i1 to i32
          %cond3A_302 = arith.constant 0 : i32
          %cond3A_303 = arith.cmpi ne, %convert_element_type3A_301, %cond3A_302 : i32
          scf.if %cond3A_303 {
          } else {
          }
          %and3A_304 = arith.constant false
          %and3A_305 = arith.andi %or3A_300, %and3A_304 : i1
          %ne3A_306 = arith.cmpi ne, %add3A_188, %add3A_206 : i32
          %or3A_307 = arith.constant false
          %or3A_308 = arith.ori %or3A_307, %ne3A_306 : i1
          %or3A_309 = arith.ori %or3A_308, %eq3A_187 : i1
          %convert_element_type3A_310 = arith.extui %or3A_309 : i1 to i32
          %cond3A_311 = arith.constant 0 : i32
          %cond3A_312 = arith.cmpi ne, %convert_element_type3A_310, %cond3A_311 : i32
          scf.if %cond3A_312 {
            "tpu.trace_start"() <{level = 10 : i32, message = "ep_copy_out"}> : () -> ()
            %rem3A_375 = arith.constant 2 : i32
            %rem3A_376 = arith.remui %while3A_178, %rem3A_375 : i32
            %mul3A_377 = arith.constant 1280 : i32
            %mul3A_378 = arith.muli %mul3A_377, %add3A_188 : i32
            %dma_start3A_379 = arith.constant 0 : i32
            %dma_start3A_380 = arith.constant 0 : i32
            %dma_start3A_381 = tpu.memref_slice %run_scoped3A_20[%rem3A_376, %dma_start3A_379, %dma_start3A_380] : memref<2x4x1280xf32, #tpu.memory_space<vmem>> -> memref<1x4x1280xf32, #tpu.memory_space<vmem>>
            %dma_start3A_382 = tpu.memref_squeeze %dma_start3A_381 : memref<1x4x1280xf32, #tpu.memory_space<vmem>> -> memref<4x1280xf32, #tpu.memory_space<vmem>>
            %dma_start3A_383 = arith.constant 0 : i32
            %dma_start3A_384 = tpu.memref_slice %arg7[%dma_start3A_383, %mul3A_378] : memref<4x320000xf32, #tpu.memory_space<hbm>> -> memref<4x1280xf32, #tpu.memory_space<hbm>>
            %dma_start3A_385 = tpu.memref_slice %run_scoped3A_21[%rem3A_376] : memref<2x!tpu.dma_semaphore, #tpu.memory_space<semaphore_mem>> -> memref<1x!tpu.dma_semaphore, #tpu.memory_space<semaphore_mem>>
            %dma_start3A_386 = tpu.memref_squeeze %dma_start3A_385 : memref<1x!tpu.dma_semaphore, #tpu.memory_space<semaphore_mem>> -> memref<!tpu.dma_semaphore, #tpu.memory_space<semaphore_mem>>
            %dma_start3A_387 = arith.constant 0 : i32
            %dma_start3A_388 = tpu.memref_slice %arg7[%dma_start3A_387, %mul3A_378] : memref<4x320000xf32, #tpu.memory_space<hbm>> -> memref<4x1280xf32, #tpu.memory_space<hbm>>
            %dma_start3A_389 = arith.constant 0 : i32
            %dma_start3A_390 = arith.constant 0 : i32
            %dma_start3A_391 = tpu.memref_slice %run_scoped3A_20[%rem3A_376, %dma_start3A_389, %dma_start3A_390] : memref<2x4x1280xf32, #tpu.memory_space<vmem>> -> memref<1x4x1280xf32, #tpu.memory_space<vmem>>
            %dma_start3A_392 = tpu.memref_squeeze %dma_start3A_391 : memref<1x4x1280xf32, #tpu.memory_space<vmem>> -> memref<4x1280xf32, #tpu.memory_space<vmem>>
            tpu.enqueue_dma source(%dma_start3A_392 : memref<4x1280xf32, #tpu.memory_space<vmem>>) target(%dma_start3A_388 : memref<4x1280xf32, #tpu.memory_space<hbm>>) target_semaphore(%dma_start3A_386 : memref<!tpu.dma_semaphore, #tpu.memory_space<semaphore_mem>>)
            "tpu.trace_stop"() : () -> ()
          } else {
          }
          %and3A_313 = arith.constant true
          %and3A_314 = arith.andi %or3A_309, %and3A_313 : i1
          %add3A_315 = arith.constant 1 : i32
          %add3A_316 = arith.addi %while3A_178, %add3A_315 : i32
          %select_n3A_317 = arith.select %and3A_314, %add3A_316, %while3A_178 : i32
          %ne3A_318 = arith.cmpi ne, %add3A_188, %add3A_198 : i32
          %or3A_319 = arith.constant false
          %or3A_320 = arith.ori %or3A_319, %ne3A_318 : i1
          %not3A_321 = arith.constant true
          %not3A_322 = arith.xori %eq3A_184, %not3A_321 : i1
          %and3A_323 = arith.andi %or3A_320, %not3A_322 : i1
          %convert_element_type3A_324 = arith.extui %and3A_323 : i1 to i32
          %cond3A_325 = arith.constant 0 : i32
          %cond3A_326 = arith.cmpi ne, %convert_element_type3A_324, %cond3A_325 : i32
          scf.if %cond3A_326 {
          } else {
          }
          %and3A_327 = arith.constant false
          %and3A_328 = arith.andi %and3A_323, %and3A_327 : i1
          %ne3A_329 = arith.cmpi ne, %add3A_188, %add3A_198 : i32
          %or3A_330 = arith.constant false
          %or3A_331 = arith.ori %or3A_330, %ne3A_329 : i1
          %not3A_332 = arith.constant true
          %not3A_333 = arith.xori %eq3A_184, %not3A_332 : i1
          %and3A_334 = arith.andi %or3A_331, %not3A_333 : i1
          %convert_element_type3A_335 = arith.extui %and3A_334 : i1 to i32
          %cond3A_336 = arith.constant 0 : i32
          %cond3A_337 = arith.cmpi ne, %convert_element_type3A_335, %cond3A_336 : i32
          scf.if %cond3A_337 {
          } else {
          }
          %and3A_338 = arith.constant false
          %and3A_339 = arith.andi %and3A_334, %and3A_338 : i1
          %ne3A_340 = arith.cmpi ne, %add3A_188, %add3A_198 : i32
          %or3A_341 = arith.constant false
          %or3A_342 = arith.ori %or3A_341, %ne3A_340 : i1
          %not3A_343 = arith.constant true
          %not3A_344 = arith.xori %eq3A_184, %not3A_343 : i1
          %and3A_345 = arith.andi %or3A_342, %not3A_344 : i1
          %convert_element_type3A_346 = arith.extui %and3A_345 : i1 to i32
          %cond3A_347 = arith.constant 0 : i32
          %cond3A_348 = arith.cmpi ne, %convert_element_type3A_346, %cond3A_347 : i32
          scf.if %cond3A_348 {
            "tpu.trace_start"() <{level = 10 : i32, message = "ep_wait_out"}> : () -> ()
            %rem3A_375 = arith.constant 2 : i32
            %rem3A_376 = arith.remui %while3A_179, %rem3A_375 : i32
            %mul3A_377 = arith.constant 1280 : i32
            %mul3A_378 = arith.muli %mul3A_377, %add3A_198 : i32
            %dma_wait3A = arith.constant 0 : i32
            %dma_wait3A_379 = arith.constant 0 : i32
            %dma_wait3A_380 = tpu.memref_slice %run_scoped3A_20[%rem3A_376, %dma_wait3A, %dma_wait3A_379] : memref<2x4x1280xf32, #tpu.memory_space<vmem>> -> memref<1x4x1280xf32, #tpu.memory_space<vmem>>
            %dma_wait3A_381 = tpu.memref_squeeze %dma_wait3A_380 : memref<1x4x1280xf32, #tpu.memory_space<vmem>> -> memref<4x1280xf32, #tpu.memory_space<vmem>>
            %dma_wait3A_382 = arith.constant 0 : i32
            %dma_wait3A_383 = tpu.memref_slice %arg7[%dma_wait3A_382, %mul3A_378] : memref<4x320000xf32, #tpu.memory_space<hbm>> -> memref<4x1280xf32, #tpu.memory_space<hbm>>
            %dma_wait3A_384 = tpu.memref_slice %run_scoped3A_21[%rem3A_376] : memref<2x!tpu.dma_semaphore, #tpu.memory_space<semaphore_mem>> -> memref<1x!tpu.dma_semaphore, #tpu.memory_space<semaphore_mem>>
            %dma_wait3A_385 = tpu.memref_squeeze %dma_wait3A_384 : memref<1x!tpu.dma_semaphore, #tpu.memory_space<semaphore_mem>> -> memref<!tpu.dma_semaphore, #tpu.memory_space<semaphore_mem>>
            %dma_wait3A_386 = arith.constant 0 : i32
            %dma_wait3A_387 = tpu.memref_slice %arg7[%dma_wait3A_386, %mul3A_378] : memref<4x320000xf32, #tpu.memory_space<hbm>> -> memref<4x1280xf32, #tpu.memory_space<hbm>>
            %dma_wait3A_388 = arith.constant 0 : i32
            %dma_wait3A_389 = arith.constant 0 : i32
            %dma_wait3A_390 = tpu.memref_slice %run_scoped3A_20[%rem3A_376, %dma_wait3A_388, %dma_wait3A_389] : memref<2x4x1280xf32, #tpu.memory_space<vmem>> -> memref<1x4x1280xf32, #tpu.memory_space<vmem>>
            %dma_wait3A_391 = tpu.memref_squeeze %dma_wait3A_390 : memref<1x4x1280xf32, #tpu.memory_space<vmem>> -> memref<4x1280xf32, #tpu.memory_space<vmem>>
            tpu.wait_dma2 semaphore(%dma_wait3A_385 : memref<!tpu.dma_semaphore, #tpu.memory_space<semaphore_mem>>) src(%dma_wait3A_391 : memref<4x1280xf32, #tpu.memory_space<vmem>>) dst(%dma_wait3A_387 : memref<4x1280xf32, #tpu.memory_space<hbm>>)
            "tpu.trace_stop"() : () -> ()
          } else {
          }
          %and3A_349 = arith.constant true
          %and3A_350 = arith.andi %and3A_345, %and3A_349 : i1
          %add3A_351 = arith.constant 1 : i32
          %add3A_352 = arith.addi %while3A_179, %add3A_351 : i32
          %select_n3A_353 = arith.select %and3A_350, %add3A_352, %while3A_179 : i32
          %ne3A_354 = arith.cmpi ne, %add3A_188, %add3A_206 : i32
          %or3A_355 = arith.constant false
          %or3A_356 = arith.ori %or3A_355, %ne3A_354 : i1
          %or3A_357 = arith.ori %or3A_356, %eq3A_187 : i1
          %add3A_358 = arith.constant 1 : i32
          %add3A_359 = arith.addi %while3A_175, %add3A_358 : i32
          %select_n3A_360 = arith.select %or3A_357, %add3A_359, %while3A_175 : i32
          %ne3A_361 = arith.cmpi ne, %add3A_188, %add3A_206 : i32
          %or3A_362 = arith.constant false
          %or3A_363 = arith.ori %or3A_362, %ne3A_361 : i1
          %or3A_364 = arith.ori %or3A_363, %eq3A_187 : i1
          %add3A_365 = arith.constant 1 : i32
          %add3A_366 = arith.addi %while3A_177, %add3A_365 : i32
          %select_n3A_367 = arith.select %or3A_364, %add3A_366, %while3A_177 : i32
          %add3A_368 = arith.constant 1 : i32
          %add3A_369 = arith.addi %while3A_180, %add3A_368 : i32
          %select_n3A_370 = arith.constant true
          %select_n3A_371 = arith.select %select_n3A_370, %add3A_369, %while3A_180 : i32
          %eq3A_372 = arith.cmpi eq, %select_n3A_371, %select_n3A : i32
          %select_n3A_373 = arith.constant 0 : i32
          %select_n3A_374 = arith.select %eq3A_372, %select_n3A_373, %select_n3A_371 : i32
          scf.yield %select_n3A_228, %select_n3A_360, %select_n3A_247, %select_n3A_367, %select_n3A_317, %select_n3A_353, %select_n3A_374 : i32, i32, i32, i32, i32, i32, i32
        }
        %sub3A_119 = arith.constant 1 : i32
        %sub3A_120 = arith.subi %while3A_118#6, %sub3A_119 : i32
        %select_n3A_121 = arith.constant true
        %select_n3A_122 = arith.select %select_n3A_121, %sub3A_120, %while3A_118#6 : i32
        %eq3A_123 = arith.constant -1 : i32
        %eq3A_124 = arith.cmpi eq, %select_n3A_122, %eq3A_123 : i32
        %sub3A_125 = arith.constant 1 : i32
        %sub3A_126 = arith.subi %select_n3A, %sub3A_125 : i32
        %select_n3A_127 = arith.select %eq3A_124, %sub3A_126, %select_n3A_122 : i32
        %sub3A_128 = arith.constant 1 : i32
        %sub3A_129 = arith.subi %mul3A_16, %sub3A_128 : i32
        %mul3A_130 = arith.constant 1 : i32
        %mul3A_131 = arith.muli %mul3A_130, %select_n3A : i32
        %eq3A_132 = arith.constant 0 : i32
        %eq3A_133 = arith.cmpi eq, %sub3A_129, %eq3A_132 : i32
        %sub3A_134 = arith.constant 1 : i32
        %sub3A_135 = arith.subi %mul3A_131, %sub3A_134 : i32
        %eq3A_136 = arith.cmpi eq, %sub3A_129, %sub3A_135 : i32
        %add3A_137 = arith.addi %select_n3A_127, %select_n3A_14 : i32
        %sub3A_138 = arith.constant 1 : i32
        %sub3A_139 = arith.subi %select_n3A_127, %sub3A_138 : i32
        %select_n3A_140 = arith.constant true
        %select_n3A_141 = arith.select %select_n3A_140, %sub3A_139, %select_n3A_127 : i32
        %eq3A_142 = arith.constant -1 : i32
        %eq3A_143 = arith.cmpi eq, %select_n3A_141, %eq3A_142 : i32
        %sub3A_144 = arith.constant 1 : i32
        %sub3A_145 = arith.subi %select_n3A, %sub3A_144 : i32
        %select_n3A_146 = arith.select %eq3A_143, %sub3A_145, %select_n3A_141 : i32
        %add3A_147 = arith.addi %select_n3A_146, %select_n3A_14 : i32
        %add3A_148 = arith.constant 1 : i32
        %add3A_149 = arith.addi %select_n3A_127, %add3A_148 : i32
        %select_n3A_150 = arith.constant true
        %select_n3A_151 = arith.select %select_n3A_150, %add3A_149, %select_n3A_127 : i32
        %eq3A_152 = arith.cmpi eq, %select_n3A_151, %select_n3A : i32
        %select_n3A_153 = arith.constant 0 : i32
        %select_n3A_154 = arith.select %eq3A_152, %select_n3A_153, %select_n3A_151 : i32
        %add3A_155 = arith.addi %select_n3A_154, %select_n3A_14 : i32
        %add3A_156 = arith.constant 1 : i32
        %add3A_157 = arith.addi %select_n3A_154, %add3A_156 : i32
        %select_n3A_158 = arith.constant true
        %select_n3A_159 = arith.select %select_n3A_158, %add3A_157, %select_n3A_154 : i32
        %eq3A_160 = arith.cmpi eq, %select_n3A_159, %select_n3A : i32
        %select_n3A_161 = arith.constant 0 : i32
        %select_n3A_162 = arith.select %eq3A_160, %select_n3A_161, %select_n3A_159 : i32
        %add3A_163 = arith.addi %select_n3A_162, %select_n3A_14 : i32
        %convert_element_type3A_164 = arith.extui %eq3A_136 : i1 to i32
        %cond3A_165 = arith.constant 0 : i32
        %cond3A_166 = arith.cmpi ne, %convert_element_type3A_164, %cond3A_165 : i32
        scf.if %cond3A_166 {
        } else {
        }
        %convert_element_type3A_167 = arith.extui %eq3A_136 : i1 to i32
        %cond3A_168 = arith.constant 0 : i32
        %cond3A_169 = arith.cmpi ne, %convert_element_type3A_167, %cond3A_168 : i32
        scf.if %cond3A_169 {
        } else {
        }
        %convert_element_type3A_170 = arith.extui %eq3A_136 : i1 to i32
        %cond3A_171 = arith.constant 0 : i32
        %cond3A_172 = arith.cmpi ne, %convert_element_type3A_170, %cond3A_171 : i32
        scf.if %cond3A_172 {
          "tpu.trace_start"() <{level = 10 : i32, message = "ep_finalize"}> : () -> ()
          %rem3A_173 = arith.constant 2 : i32
          %rem3A_174 = arith.remui %while3A_118#5, %rem3A_173 : i32
          %mul3A_175 = arith.constant 1280 : i32
          %mul3A_176 = arith.muli %mul3A_175, %add3A_137 : i32
          %dma_wait3A = arith.constant 0 : i32
          %dma_wait3A_177 = arith.constant 0 : i32
          %dma_wait3A_178 = tpu.memref_slice %run_scoped3A_20[%rem3A_174, %dma_wait3A, %dma_wait3A_177] : memref<2x4x1280xf32, #tpu.memory_space<vmem>> -> memref<1x4x1280xf32, #tpu.memory_space<vmem>>
          %dma_wait3A_179 = tpu.memref_squeeze %dma_wait3A_178 : memref<1x4x1280xf32, #tpu.memory_space<vmem>> -> memref<4x1280xf32, #tpu.memory_space<vmem>>
          %dma_wait3A_180 = arith.constant 0 : i32
          %dma_wait3A_181 = tpu.memref_slice %arg7[%dma_wait3A_180, %mul3A_176] : memref<4x320000xf32, #tpu.memory_space<hbm>> -> memref<4x1280xf32, #tpu.memory_space<hbm>>
          %dma_wait3A_182 = tpu.memref_slice %run_scoped3A_21[%rem3A_174] : memref<2x!tpu.dma_semaphore, #tpu.memory_space<semaphore_mem>> -> memref<1x!tpu.dma_semaphore, #tpu.memory_space<semaphore_mem>>
          %dma_wait3A_183 = tpu.memref_squeeze %dma_wait3A_182 : memref<1x!tpu.dma_semaphore, #tpu.memory_space<semaphore_mem>> -> memref<!tpu.dma_semaphore, #tpu.memory_space<semaphore_mem>>
          %dma_wait3A_184 = arith.constant 0 : i32
          %dma_wait3A_185 = tpu.memref_slice %arg7[%dma_wait3A_184, %mul3A_176] : memref<4x320000xf32, #tpu.memory_space<hbm>> -> memref<4x1280xf32, #tpu.memory_space<hbm>>
          %dma_wait3A_186 = arith.constant 0 : i32
          %dma_wait3A_187 = arith.constant 0 : i32
          %dma_wait3A_188 = tpu.memref_slice %run_scoped3A_20[%rem3A_174, %dma_wait3A_186, %dma_wait3A_187] : memref<2x4x1280xf32, #tpu.memory_space<vmem>> -> memref<1x4x1280xf32, #tpu.memory_space<vmem>>
          %dma_wait3A_189 = tpu.memref_squeeze %dma_wait3A_188 : memref<1x4x1280xf32, #tpu.memory_space<vmem>> -> memref<4x1280xf32, #tpu.memory_space<vmem>>
          tpu.wait_dma2 semaphore(%dma_wait3A_183 : memref<!tpu.dma_semaphore, #tpu.memory_space<semaphore_mem>>) src(%dma_wait3A_189 : memref<4x1280xf32, #tpu.memory_space<vmem>>) dst(%dma_wait3A_185 : memref<4x1280xf32, #tpu.memory_space<hbm>>)
          "tpu.trace_stop"() : () -> ()
        } else {
        }
      } else {
      }
      tpu.yield
    }) : () -> ()
    return
  }
}

module attributes {stable_mosaic.version = 14 : i64} {
  func.func @_tables_body(%arg0: i32, %arg1: memref<8000x128xf32, #tpu.memory_space<vmem>>, %arg2: memref<8000x128xf32, #tpu.memory_space<vmem>>, %arg3: memref<128x6xf32, #tpu.memory_space<vmem>>, %arg4: memref<128x6xf32, #tpu.memory_space<vmem>>, %arg5: memref<10000x4xi32, #tpu.memory_space<vmem>>, %arg6: memref<10000x4xi32, #tpu.memory_space<vmem>>) attributes {dimension_semantics = [#tpu.dimension_semantics<arbitrary>], iteration_bounds = array<i64: 5>, scalar_prefetch = 0 : i64, scratch_operands = 0 : i64, tpu.core_type = #tpu.core_type<tc>, window_params = [{transform_indices = @transform_0, window_bounds = array<i64: 8000, 128>}, {transform_indices = @transform_1, window_bounds = array<i64: 8000, 128>}, {pipeline_mode = #tpu.pipeline_mode<synchronous>, transform_indices = @transform_2, window_bounds = array<i64: 128, 6>}, {pipeline_mode = #tpu.pipeline_mode<synchronous>, transform_indices = @transform_3, window_bounds = array<i64: 128, 6>}, {pipeline_mode = #tpu.pipeline_mode<synchronous>, transform_indices = @transform_4, window_bounds = array<i64: 10000, 4>}, {pipeline_mode = #tpu.pipeline_mode<synchronous>, transform_indices = @transform_5, window_bounds = array<i64: 10000, 4>}]} {
    %get3A = arith.constant 0 : index
    %get3A_0 = arith.constant 0 : index
    %get3A_1 = tpu.strided_load %arg1[%get3A, %get3A_0] {strides = array<i32: 4, 1>} : memref<8000x128xf32, #tpu.memory_space<vmem>>, vector<2000x128xf32>
    %get3A_2 = arith.constant 1 : index
    %get3A_3 = arith.constant 0 : index
    %get3A_4 = tpu.strided_load %arg1[%get3A_2, %get3A_3] {strides = array<i32: 4, 1>} : memref<8000x128xf32, #tpu.memory_space<vmem>>, vector<2000x128xf32>
    %add3A = arith.addf %get3A_1, %get3A_4 : vector<2000x128xf32>
    %get3A_5 = arith.constant 2 : index
    %get3A_6 = arith.constant 0 : index
    %get3A_7 = tpu.strided_load %arg1[%get3A_5, %get3A_6] {strides = array<i32: 4, 1>} : memref<8000x128xf32, #tpu.memory_space<vmem>>, vector<2000x128xf32>
    %add3A_8 = arith.addf %add3A, %get3A_7 : vector<2000x128xf32>
    %get3A_9 = arith.constant 3 : index
    %get3A_10 = arith.constant 0 : index
    %get3A_11 = tpu.strided_load %arg1[%get3A_9, %get3A_10] {strides = array<i32: 4, 1>} : memref<8000x128xf32, #tpu.memory_space<vmem>>, vector<2000x128xf32>
    %add3A_12 = arith.addf %add3A_8, %get3A_11 : vector<2000x128xf32>
    %mul3A = arith.constant 2.500000e-01 : f32
    %mul3A_13 = vector.broadcast %mul3A : f32 to vector<2000x128xf32>
    %mul3A_14 = arith.mulf %add3A_12, %mul3A_13 : vector<2000x128xf32>
    %get3A_15 = arith.constant 0 : index
    %get3A_16 = arith.constant 0 : index
    %get3A_17 = vector.load %arg3[%get3A_15, %get3A_16] : memref<128x6xf32, #tpu.memory_space<vmem>>, vector<128x6xf32>
    %dot_general3A = arith.constant dense<0.000000e+00> : vector<2000x6xf32>
    %dot_general3A_18 = tpu.matmul %mul3A_14, %get3A_17, %dot_general3A {dimension_numbers = #tpu.dot_dimension_numbers<[1], [0], [0], [1], [0, 0, 1, 1], [], []>, precision = #tpu.contract_precision<fp32>, transpose_lhs_hint = false} : vector<2000x128xf32>, vector<128x6xf32>, vector<2000x6xf32> -> vector<2000x6xf32>
    %mul3A_19 = arith.mulf %mul3A_14, %mul3A_14 : vector<2000x128xf32>
    %reduce_sum3A = arith.constant dense<0.000000e+00> : vector<2000xf32>
    %reduce_sum3A_20 = vector.multi_reduction <add>, %mul3A_19, %reduce_sum3A [1] : vector<2000x128xf32> to vector<2000xf32>
    %broadcast_in_dim3A = vector.shape_cast %reduce_sum3A_20 : vector<2000xf32> to vector<2000x1xf32>
    %iota3A = tpu.iota {dimensions = array<i32: 1>} : vector<2000x6xi32>
    %eq3A = arith.constant 5 : i32
    %eq3A_21 = vector.broadcast %eq3A : i32 to vector<2000x6xi32>
    %eq3A_22 = arith.cmpi eq, %iota3A, %eq3A_21 : vector<2000x6xi32>
    %jit3A = arith.constant 0.000000e+00 : f32
    %broadcast_in_dim3A_23 = vector.shape_cast %broadcast_in_dim3A : vector<2000x1xf32> to vector<2000x1xf32>
    %broadcast_in_dim3A_24 = vector.broadcast %broadcast_in_dim3A_23 : vector<2000x1xf32> to vector<2000x6xf32>
    %broadcast_in_dim3A_25 = vector.broadcast %jit3A : f32 to vector<2000x6xf32>
    %select_n3A = arith.select %eq3A_22, %broadcast_in_dim3A_24, %broadcast_in_dim3A_25 : vector<2000x6xi1>, vector<2000x6xf32>
    %add3A_26 = arith.addf %dot_general3A_18, %select_n3A : vector<2000x6xf32>
    %slice3A = vector.extract_strided_slice %add3A_26 {offsets = [0, 0], sizes = [2000, 4], strides = [1, 1]} : vector<2000x6xf32> to vector<2000x4xf32>
    %bitcast_convert_type3A = tpu.bitcast %slice3A : vector<2000x4xf32> -> vector<2000x4xi32>
    %shift_right_logical3A = arith.constant 16 : i32
    %shift_right_logical3A_27 = vector.broadcast %shift_right_logical3A : i32 to vector<2000x4xi32>
    %shift_right_logical3A_28 = arith.shrui %bitcast_convert_type3A, %shift_right_logical3A_27 : vector<2000x4xi32>
    %and3A = arith.constant 1 : i32
    %and3A_29 = vector.broadcast %and3A : i32 to vector<2000x4xi32>
    %and3A_30 = arith.andi %shift_right_logical3A_28, %and3A_29 : vector<2000x4xi32>
    %add3A_31 = arith.constant 32767 : i32
    %add3A_32 = vector.broadcast %add3A_31 : i32 to vector<2000x4xi32>
    %add3A_33 = arith.addi %add3A_32, %and3A_30 : vector<2000x4xi32>
    %add3A_34 = arith.addi %bitcast_convert_type3A, %add3A_33 : vector<2000x4xi32>
    %and3A_35 = arith.constant -65536 : i32
    %and3A_36 = vector.broadcast %and3A_35 : i32 to vector<2000x4xi32>
    %and3A_37 = arith.andi %add3A_34, %and3A_36 : vector<2000x4xi32>
    %slice3A_38 = vector.extract_strided_slice %and3A_37 {offsets = [0, 0], sizes = [2000, 1], strides = [1, 1]} : vector<2000x4xi32> to vector<2000x1xi32>
    %shift_right_logical3A_39 = arith.constant 16 : i32
    %shift_right_logical3A_40 = vector.broadcast %shift_right_logical3A_39 : i32 to vector<2000x1xi32>
    %shift_right_logical3A_41 = arith.shrui %slice3A_38, %shift_right_logical3A_40 : vector<2000x1xi32>
    %slice3A_42 = vector.extract_strided_slice %and3A_37 {offsets = [0, 1], sizes = [2000, 1], strides = [1, 1]} : vector<2000x4xi32> to vector<2000x1xi32>
    %or3A = arith.ori %shift_right_logical3A_41, %slice3A_42 : vector<2000x1xi32>
    %slice3A_43 = vector.extract_strided_slice %and3A_37 {offsets = [0, 2], sizes = [2000, 1], strides = [1, 1]} : vector<2000x4xi32> to vector<2000x1xi32>
    %shift_right_logical3A_44 = arith.constant 16 : i32
    %shift_right_logical3A_45 = vector.broadcast %shift_right_logical3A_44 : i32 to vector<2000x1xi32>
    %shift_right_logical3A_46 = arith.shrui %slice3A_43, %shift_right_logical3A_45 : vector<2000x1xi32>
    %slice3A_47 = vector.extract_strided_slice %and3A_37 {offsets = [0, 3], sizes = [2000, 1], strides = [1, 1]} : vector<2000x4xi32> to vector<2000x1xi32>
    %or3A_48 = arith.ori %shift_right_logical3A_46, %slice3A_47 : vector<2000x1xi32>
    %slice3A_49 = vector.extract_strided_slice %add3A_26 {offsets = [0, 4], sizes = [2000, 2], strides = [1, 1]} : vector<2000x6xf32> to vector<2000x2xf32>
    %bitcast_convert_type3A_50 = tpu.bitcast %slice3A_49 : vector<2000x2xf32> -> vector<2000x2xi32>
    %concatenate3A = tpu.concatenate %or3A, %or3A_48, %bitcast_convert_type3A_50 in 1 : vector<2000x1xi32>, vector<2000x1xi32>, vector<2000x2xi32> -> vector<2000x4xi32>
    %mul3A_51 = arith.constant 2000 : i32
    %mul3A_52 = arith.muli %arg0, %mul3A_51 : i32
    %swap3A = arith.index_cast %mul3A_52 : i32 to index
    %swap3A_53 = arith.constant 0 : index
    %swap3A_54 = vector.load %arg5[%swap3A, %swap3A_53] : memref<10000x4xi32, #tpu.memory_space<vmem>>, vector<2000x4xi32>
    tpu.vector_store %arg5[%swap3A, %swap3A_53], %concatenate3A {strides = array<i32>} : memref<10000x4xi32, #tpu.memory_space<vmem>>, vector<2000x4xi32>,
    %get3A_55 = arith.constant 0 : index
    %get3A_56 = arith.constant 0 : index
    %get3A_57 = tpu.strided_load %arg2[%get3A_55, %get3A_56] {strides = array<i32: 4, 1>} : memref<8000x128xf32, #tpu.memory_space<vmem>>, vector<2000x128xf32>
    %get3A_58 = arith.constant 1 : index
    %get3A_59 = arith.constant 0 : index
    %get3A_60 = tpu.strided_load %arg2[%get3A_58, %get3A_59] {strides = array<i32: 4, 1>} : memref<8000x128xf32, #tpu.memory_space<vmem>>, vector<2000x128xf32>
    %add3A_61 = arith.addf %get3A_57, %get3A_60 : vector<2000x128xf32>
    %get3A_62 = arith.constant 2 : index
    %get3A_63 = arith.constant 0 : index
    %get3A_64 = tpu.strided_load %arg2[%get3A_62, %get3A_63] {strides = array<i32: 4, 1>} : memref<8000x128xf32, #tpu.memory_space<vmem>>, vector<2000x128xf32>
    %add3A_65 = arith.addf %add3A_61, %get3A_64 : vector<2000x128xf32>
    %get3A_66 = arith.constant 3 : index
    %get3A_67 = arith.constant 0 : index
    %get3A_68 = tpu.strided_load %arg2[%get3A_66, %get3A_67] {strides = array<i32: 4, 1>} : memref<8000x128xf32, #tpu.memory_space<vmem>>, vector<2000x128xf32>
    %add3A_69 = arith.addf %add3A_65, %get3A_68 : vector<2000x128xf32>
    %mul3A_70 = arith.constant 2.500000e-01 : f32
    %mul3A_71 = vector.broadcast %mul3A_70 : f32 to vector<2000x128xf32>
    %mul3A_72 = arith.mulf %add3A_69, %mul3A_71 : vector<2000x128xf32>
    %get3A_73 = arith.constant 0 : index
    %get3A_74 = arith.constant 0 : index
    %get3A_75 = vector.load %arg4[%get3A_73, %get3A_74] : memref<128x6xf32, #tpu.memory_space<vmem>>, vector<128x6xf32>
    %dot_general3A_76 = arith.constant dense<0.000000e+00> : vector<2000x6xf32>
    %dot_general3A_77 = tpu.matmul %mul3A_72, %get3A_75, %dot_general3A_76 {dimension_numbers = #tpu.dot_dimension_numbers<[1], [0], [0], [1], [0, 0, 1, 1], [], []>, precision = #tpu.contract_precision<fp32>, transpose_lhs_hint = false} : vector<2000x128xf32>, vector<128x6xf32>, vector<2000x6xf32> -> vector<2000x6xf32>
    %mul3A_78 = arith.mulf %mul3A_72, %mul3A_72 : vector<2000x128xf32>
    %reduce_sum3A_79 = arith.constant dense<0.000000e+00> : vector<2000xf32>
    %reduce_sum3A_80 = vector.multi_reduction <add>, %mul3A_78, %reduce_sum3A_79 [1] : vector<2000x128xf32> to vector<2000xf32>
    %broadcast_in_dim3A_81 = vector.shape_cast %reduce_sum3A_80 : vector<2000xf32> to vector<2000x1xf32>
    %iota3A_82 = tpu.iota {dimensions = array<i32: 1>} : vector<2000x6xi32>
    %eq3A_83 = arith.constant 5 : i32
    %eq3A_84 = vector.broadcast %eq3A_83 : i32 to vector<2000x6xi32>
    %eq3A_85 = arith.cmpi eq, %iota3A_82, %eq3A_84 : vector<2000x6xi32>
    %jit3A_86 = arith.constant 0.000000e+00 : f32
    %broadcast_in_dim3A_87 = vector.shape_cast %broadcast_in_dim3A_81 : vector<2000x1xf32> to vector<2000x1xf32>
    %broadcast_in_dim3A_88 = vector.broadcast %broadcast_in_dim3A_87 : vector<2000x1xf32> to vector<2000x6xf32>
    %broadcast_in_dim3A_89 = vector.broadcast %jit3A_86 : f32 to vector<2000x6xf32>
    %select_n3A_90 = arith.select %eq3A_85, %broadcast_in_dim3A_88, %broadcast_in_dim3A_89 : vector<2000x6xi1>, vector<2000x6xf32>
    %add3A_91 = arith.addf %dot_general3A_77, %select_n3A_90 : vector<2000x6xf32>
    %slice3A_92 = vector.extract_strided_slice %add3A_91 {offsets = [0, 0], sizes = [2000, 4], strides = [1, 1]} : vector<2000x6xf32> to vector<2000x4xf32>
    %bitcast_convert_type3A_93 = tpu.bitcast %slice3A_92 : vector<2000x4xf32> -> vector<2000x4xi32>
    %shift_right_logical3A_94 = arith.constant 16 : i32
    %shift_right_logical3A_95 = vector.broadcast %shift_right_logical3A_94 : i32 to vector<2000x4xi32>
    %shift_right_logical3A_96 = arith.shrui %bitcast_convert_type3A_93, %shift_right_logical3A_95 : vector<2000x4xi32>
    %and3A_97 = arith.constant 1 : i32
    %and3A_98 = vector.broadcast %and3A_97 : i32 to vector<2000x4xi32>
    %and3A_99 = arith.andi %shift_right_logical3A_96, %and3A_98 : vector<2000x4xi32>
    %add3A_100 = arith.constant 32767 : i32
    %add3A_101 = vector.broadcast %add3A_100 : i32 to vector<2000x4xi32>
    %add3A_102 = arith.addi %add3A_101, %and3A_99 : vector<2000x4xi32>
    %add3A_103 = arith.addi %bitcast_convert_type3A_93, %add3A_102 : vector<2000x4xi32>
    %and3A_104 = arith.constant -65536 : i32
    %and3A_105 = vector.broadcast %and3A_104 : i32 to vector<2000x4xi32>
    %and3A_106 = arith.andi %add3A_103, %and3A_105 : vector<2000x4xi32>
    %slice3A_107 = vector.extract_strided_slice %and3A_106 {offsets = [0, 0], sizes = [2000, 1], strides = [1, 1]} : vector<2000x4xi32> to vector<2000x1xi32>
    %shift_right_logical3A_108 = arith.constant 16 : i32
    %shift_right_logical3A_109 = vector.broadcast %shift_right_logical3A_108 : i32 to vector<2000x1xi32>
    %shift_right_logical3A_110 = arith.shrui %slice3A_107, %shift_right_logical3A_109 : vector<2000x1xi32>
    %slice3A_111 = vector.extract_strided_slice %and3A_106 {offsets = [0, 1], sizes = [2000, 1], strides = [1, 1]} : vector<2000x4xi32> to vector<2000x1xi32>
    %or3A_112 = arith.ori %shift_right_logical3A_110, %slice3A_111 : vector<2000x1xi32>
    %slice3A_113 = vector.extract_strided_slice %and3A_106 {offsets = [0, 2], sizes = [2000, 1], strides = [1, 1]} : vector<2000x4xi32> to vector<2000x1xi32>
    %shift_right_logical3A_114 = arith.constant 16 : i32
    %shift_right_logical3A_115 = vector.broadcast %shift_right_logical3A_114 : i32 to vector<2000x1xi32>
    %shift_right_logical3A_116 = arith.shrui %slice3A_113, %shift_right_logical3A_115 : vector<2000x1xi32>
    %slice3A_117 = vector.extract_strided_slice %and3A_106 {offsets = [0, 3], sizes = [2000, 1], strides = [1, 1]} : vector<2000x4xi32> to vector<2000x1xi32>
    %or3A_118 = arith.ori %shift_right_logical3A_116, %slice3A_117 : vector<2000x1xi32>
    %slice3A_119 = vector.extract_strided_slice %add3A_91 {offsets = [0, 4], sizes = [2000, 2], strides = [1, 1]} : vector<2000x6xf32> to vector<2000x2xf32>
    %bitcast_convert_type3A_120 = tpu.bitcast %slice3A_119 : vector<2000x2xf32> -> vector<2000x2xi32>
    %concatenate3A_121 = tpu.concatenate %or3A_112, %or3A_118, %bitcast_convert_type3A_120 in 1 : vector<2000x1xi32>, vector<2000x1xi32>, vector<2000x2xi32> -> vector<2000x4xi32>
    %mul3A_122 = arith.constant 2000 : i32
    %mul3A_123 = arith.muli %arg0, %mul3A_122 : i32
    %swap3A_124 = arith.index_cast %mul3A_123 : i32 to index
    %swap3A_125 = arith.constant 0 : index
    %swap3A_126 = vector.load %arg6[%swap3A_124, %swap3A_125] : memref<10000x4xi32, #tpu.memory_space<vmem>>, vector<2000x4xi32>
    tpu.vector_store %arg6[%swap3A_124, %swap3A_125], %concatenate3A_121 {strides = array<i32>} : memref<10000x4xi32, #tpu.memory_space<vmem>>, vector<2000x4xi32>,
    return
  }
  func.func @transform_0(%arg0: i32) -> (i32, i32) {
    %c0_i32 = arith.constant 0 : i32
    %c0_i32_0 = arith.constant 0 : i32
    return %arg0, %c0_i32 : i32, i32
  }
  func.func @transform_1(%arg0: i32) -> (i32, i32) {
    %c0_i32 = arith.constant 0 : i32
    %c0_i32_0 = arith.constant 0 : i32
    return %arg0, %c0_i32 : i32, i32
  }
  func.func @transform_2(%arg0: i32) -> (i32, i32) {
    %c0_i32 = arith.constant 0 : i32
    %c0_i32_0 = arith.constant 0 : i32
    %c0_i32_1 = arith.constant 0 : i32
    return %c0_i32, %c0_i32_0 : i32, i32
  }
  func.func @transform_3(%arg0: i32) -> (i32, i32) {
    %c0_i32 = arith.constant 0 : i32
    %c0_i32_0 = arith.constant 0 : i32
    %c0_i32_1 = arith.constant 0 : i32
    return %c0_i32, %c0_i32_0 : i32, i32
  }
  func.func @transform_4(%arg0: i32) -> (i32, i32) {
    %c0_i32 = arith.constant 0 : i32
    %c0_i32_0 = arith.constant 0 : i32
    %c0_i32_1 = arith.constant 0 : i32
    return %c0_i32, %c0_i32_0 : i32, i32
  }
  func.func @transform_5(%arg0: i32) -> (i32, i32) {
    %c0_i32 = arith.constant 0 : i32
    %c0_i32_0 = arith.constant 0 : i32
    %c0_i32_1 = arith.constant 0 : i32
    return %c0_i32, %c0_i32_0 : i32, i32
  }
}

</mosaic_0001>

<sc_bundles>
// kernel: kernel.4.cloned.1.call-start
scs
__scs_entry_jumppad:
0x0: {  	(pc) =	sbr.rel $0x88, $3  }
0x1: {  	(tag) =	ssettag $0x0;
	lr =	simm.s32 $0x1  }
0x2: {  	[smem:$0x3F9A] =	sst lr;
	_ =	strace $0xD0000000  }
0x3: {  	_ = 	snop  }
0x4: {  	_ = 	snop  }
0x5: {  	_ = 	snop  }
0x6: {  	_ = 	snop  }
0x7: {  	_ = 	snop  }
__scs_overlays_trampoline_lowered:
0x8: {  	[smem:$0x3FA9] =	sst s0  }
0x9: {  	[smem:$0x3FAA] =	sst s1  }
0xa: {  	[smem:$0x3FAB] =	sst s2  }
0xb: {  	[smem:$0x3FAC] =	sst s3  }
0xc: {  	[smem:$0x3FAD] =	sst s4  }
0xd: {  	[smem:$0x3FAE] =	sst s5  }
0xe: {  	[smem:$0x3FAF] =	sst s6  }
0xf: {  	[smem:$0x3FB0] =	sst s7  }
0x10: {  	[smem:$0x3FB1] =	sst s8  }
0x11: {  	[smem:$0x3FB2] =	sst s9;
	s0 =	simm.s32 @!p0 $0x0  }
0x12: {  	s1 =	sld [smem:$0x3F98];
	s0 =	simm.s32 @p0 $0x1  }
0x13: {  	[smem:$0x3FB3] =	sst s0;
	s0 =	simm.s32 @!p1 $0x0  }
0x14: {  	s2 =	sld [smem:$0x3F97];
	s0 =	simm.s32 @p1 $0x1  }
0x15: {  	[smem:$0x3FB4] =	sst s0;
	s0 =	simm.s32 @!p2 $0x0  }
0x16: {  	s3 =	sld [smem:$0x3FDB];
	s0 =	simm.s32 @p2 $0x1  }
0x17: {  	s4 =	simm.s32 $0x1BF5;
	[smem:$0x3FB6] =	sst s0  }
0x18: {  	s0 =	sld [smem:$0x3F99];
	_ =	swait.ge [sflag:s4], $0x0  }
0x19: {  	s7 =	sld [smem:$0x3F9A]  }
0x1a: {  	s8 =	sadd.s32 $0xFFFFE003, lr  }
0x1b: {  	s9 =	sadd.s32 $0xFFFFFEF7, lr;
	s5 =	simm.s32 $0xFFFFFFFF;
	p2 =	slt.u32 s8, $0xFFFFF086  }
0x1c: {  	p1 =	slt.u32 s9, $0xF7A;
	s5 =	simm.s32 @!p2 $0x0  }
0x1d: {  	s5 =	simm.s32 @p1 $0x1;
	p0 =	seq.s32 s7, s2  }
0x1e: {  	s7 =	smul.u32 @!p0 $0xF7A, s2;
	p2 =	seq.s32 @!p0 s5, $0x0  }
0x1f: {  	s9 =	smul.u32 $0xF7A, s1;
	s8 =	simm.s32 @!p0 $0x1BF5;
	p2 =	por !p2, p0  }
0x20: {  	[sflag:s8] =	ssyncset.s32 @!p0 $0xFFFFF086;
	s6 =	sadd.s32 @!p0 s3, s7;
	s7 =	simm.s32 @!p0 $0x108  }
0x21: {  	s3 =	sadd.s32 s3, s9;
	s6 =	sadd.s32 @!p0 $0x88, s6;
	s7 =	simm.s32 @p2 $0x1082  }
0x22: {  	[simem:s7], [sflag:s8] =	dma.local @!p0 [hbm:s6], $0xF7A  }
0x23: {  	s9 =	sor.u32 $0xD0000000, s2;
	s6 =	simm.s32 $0x108;
	_ =	swait.ge @!p0 [sflag:s8], $0x0  }
0x24: {  	s3 =	sadd.s32 $0x88, s3;
	s6 =	simm.s32 @!p1 $0x1082;
	[sflag:s4] =	ssyncset.s32 $0xFFFFF086  }
0x25: {  	[simem:s6], [sflag:s4] =	dma.local [hbm:s3], $0xF7A  }
0x26: {  	[smem:$0x3F9A] =	sst s1;
	(tag) =	ssettag s2;
	_ =	strace s9  }
0x27: {  	s1 =	sld [smem:$0x3FAA]  }
0x28: {  	s2 =	sld [smem:$0x3FAB]  }
0x29: {  	s4 =	sld [smem:$0x3FAD]  }
0x2a: {  	p0 =	seq.s32 s5, $0x0;
	s5 =	sld [smem:$0x3FAE]  }
0x2b: {  	s6 =	sld [smem:$0x3FAF]  }
0x2c: {  	s7 =	sld [smem:$0x3FB0]  }
0x2d: {  	s3 =	simm.s32 $0x108;
	s8 =	sld [smem:$0x3FB1]  }
0x2e: {  	s3 =	simm.s32 @!p0 $0x1082;
	s9 =	sld [smem:$0x3FB2]  }
0x2f: {  	lr =	sadd.s32 s0, s3;
	s0 =	sld [smem:$0x3FA9]  }
0x30: {  	s3 =	sld [smem:$0x3FAC]  }
0x31: {  	[smem:$0x3FB5] =	sst s10  }
0x32: {  	s10 =	sld [smem:$0x3FB3];
	_ =	sdelay $0x3  }
0x33: {  	p0 =	seq.s32 s10, $0x1;
	s10 =	sld [smem:$0x3FB5];
	_ =	sdelay $0x3  }
0x34: {  	[smem:$0x3FB5] =	sst s10  }
0x35: {  	s10 =	sld [smem:$0x3FB4];
	_ =	sdelay $0x3  }
0x36: {  	p1 =	seq.s32 s10, $0x1;
	s10 =	sld [smem:$0x3FB5];
	_ =	sdelay $0x3  }
0x37: {  	[smem:$0x3FB5] =	sst s10  }
0x38: {  	s10 =	sld [smem:$0x3FB6]  }
0x39: {  	_ = 	snop;
	(pc) =	sbr.ind lr, $3  }
0x3a: {  	_ = 	snop  }
0x3b: {  	_ = 	snop  }
0x3c: {  	p2 =	seq.s32 s10, $0x1;
	s10 =	sld [smem:$0x3FB5]  }
0x3d: {  	_ =	shalt  }
0x3e: {  	_ =	shalt  }
0x3f: {  	_ =	shalt  }
0x40: {  	_ =	shalt  }
0x41: {  	_ =	shalt  }
0x42: {  	_ =	shalt  }
0x43: {  	_ =	shalt  }
0x44: {  	_ =	shalt  }
0x45: {  	_ =	shalt  }
0x46: {  	_ =	shalt  }
0x47: {  	_ =	shalt  }
0x48: {  	_ =	shalt  }
0x49: {  	_ =	shalt  }
0x4a: {  	_ =	shalt  }
0x4b: {  	_ =	shalt  }
0x4c: {  	_ =	shalt  }
0x4d: {  	_ =	shalt  }
0x4e: {  	_ =	shalt  }
0x4f: {  	_ =	shalt  }
0x50: {  	_ =	shalt  }
0x51: {  	_ =	shalt  }
0x52: {  	_ =	shalt  }
0x53: {  	_ =	shalt  }
0x54: {  	_ =	shalt  }
0x55: {  	_ =	shalt  }
0x56: {  	_ =	shalt  }
0x57: {  	_ =	shalt  }
0x58: {  	_ =	shalt  }
0x59: {  	_ =	shalt  }
0x5a: {  	_ =	shalt  }
0x5b: {  	_ =	shalt  }
0x5c: {  	_ =	shalt  }
0x5d: {  	_ =	shalt  }
0x5e: {  	_ =	shalt  }
0x5f: {  	_ =	shalt  }
0x60: {  	_ =	shalt  }
0x61: {  	_ =	shalt  }
0x62: {  	_ =	shalt  }
0x63: {  	_ =	shalt  }
0x64: {  	_ =	shalt  }
0x65: {  	_ =	shalt  }
0x66: {  	_ =	shalt  }
0x67: {  	_ =	shalt  }
0x68: {  	_ =	shalt  }
0x69: {  	_ =	shalt  }
0x6a: {  	_ =	shalt  }
0x6b: {  	_ =	shalt  }
0x6c: {  	_ =	shalt  }
0x6d: {  	_ =	shalt  }
0x6e: {  	_ =	shalt  }
0x6f: {  	_ =	shalt  }
0x70: {  	_ =	shalt  }
0x71: {  	_ =	shalt  }
0x72: {  	_ =	shalt  }
0x73: {  	_ =	shalt  }
0x74: {  	_ =	shalt  }
0x75: {  	_ =	shalt  }
0x76: {  	_ =	shalt  }
0x77: {  	_ =	shalt  }
0x78: {  	_ =	shalt  }
0x79: {  	_ =	shalt  }
0x7a: {  	_ =	shalt  }
0x7b: {  	_ =	shalt  }
0x7c: {  	_ =	shalt  }
0x7d: {  	_ =	shalt  }
0x7e: {  	_ =	shalt  }
0x7f: {  	_ =	shalt  }
0x80: {  	_ =	shalt  }
0x81: {  	_ =	shalt  }
0x82: {  	_ =	shalt  }
0x83: {  	_ =	shalt  }
0x84: {  	_ =	shalt  }
0x85: {  	_ =	shalt  }
0x86: {  	_ =	shalt  }
0x87: {  	_ =	shalt  }
.Lfunc_end0:
.L_simem_size_0:
called_computation_lowered:
.L_overlay_start_0:
0x88: {  	s2 =	sld [smem:$0x3FD9]  }
0x89: {  	s3 =	sld [smem:$0x3FFE];
	_ =	sdelay $0x1  }
0x8a: {  	s1 =	srdreg.scid  }
0x8b: {  	s0 =	sand.u32 $0x1, s1  }
0x8c: {  	s17 =	sshll.u32 s0, $0xA;
	s2 =	sadd.s32 s3, s2  }
0x8d: {  	s2 =	sadd.s32 s2, s17  }
0x8e: {  	[smem:$0x3FC1] =	sst s2  }
0x8f: {  	_ = 	snop  }
0x90: {  	s2 =	sld [smem:$0x3FC7]  }
0x91: {  	s18 =	sld [smem:$0x3FD0];
	(tm) =	ssettm $0x1  }
0x92: {  	s4 =	sld [smem:$0x3FFB];
	_ =	sdelay $0x3  }
0x93: {  	_ =	strace s4  }
0x94: {  	s4 =	sld [smem:$0x3FFC];
	_ =	sdelay $0x3  }
0x95: {  	_ =	strace s4  }
0x96: {  	s4 =	sld [smem:$0x3FFD];
	_ =	sdelay $0x3  }
0x97: {  	_ =	strace s4  }
0x98: {  	_ =	strace $0x8FFFFFFF  }
0x99: {  	s19 =	sld [smem:$0x3FDB];
	_ =	sdelay $0x1  }
0x9a: {  	s5 =	simm.s32 $_scs_section_size  }
0x9b: {  	s6 =	simm.s32 $_size__tile_overlayer_lowered;
	s7 =	simm.s32 $_tile_overlayer_lowered  }
0x9c: {  	s22 =	simm.s32 $0x1BFF;
	s21 =	sshll.u32 s7, $0x1;
	s4 =	sadd.s32 s5, s19  }
0x9d: {  	s8 =	simm.s32 $0x0;
	s20 =	sshll.u32 s6, $0x1;
	s6 =	sadd.s32 s21, s4  }
0x9e: {  	[timem:s8], [sflag:s22] =	dma.local [hbm:s6], s20  }
0x9f: {  	_ =	swait.ge [sflag:s22], s20  }
0xa0: {  	s5 =	ssub.s32 $0x0, s20;
	[sflag:s22] =	ssyncset.done $0x0  }
0xa1: {  	[sflag:s22] =	ssyncadd.s32 s5;
	_ =	sdelay $0x1  }
0xa2: {  	s23 =	simm.s32 $0x1B8B  }
0xa3: {  	_ =	swait.ge [sflag:s23], $0x1  }
0xa4: {  	[sflag:s23] =	ssyncset.done $0x0  }
0xa5: {  	s25 =	simm.s32 $0x1B8E;
	s24 =	sld [smem:$0x3FFE];
	[sflag:s23] =	ssyncadd.s32 $0xFFFFFFFF  }
0xa6: {  	s26 =	simm.s32 $execute0_lowered;
	[smem:$0x3FD2] =	sst s25  }
0xa7: {  	s6 =	sshll.u32 s26, $0x1;
	_ =	strace $0x80000046;
	[dreg:$0x1] =	wrdreg $0xFFFFFFFF  }
0xa8: {  	s28 =	simm.s32 $_size_execute0_lowered;
	s4 =	sadd.s32 s4, s6;
	[dreg:$0x0] =	wrdreg $0x0  }
0xa9: {  	s6 =	sshll.u32 s28, $0x1;
	[dreg:$0x2] =	wrdreg s4  }
0xaa: {  	[dreg:$0x3] =	wrdreg s6  }
0xab: {  	[dreg:$0x4] =	wrdreg $0xC0  }
0xac: {  	_ =	task [dreg:s8], $0x5FFFF  }
0xad: {  	[dreg:$0x1] =	wrdreg $0xFFFFFFFF  }
0xae: {  	[dreg:$0x0] =	wrdreg $0x60  }
0xaf: {  	[dreg:$0x2] =	wrdreg s24  }
0xb0: {  	[dreg:$0x3] =	wrdreg s2  }
0xb1: {  	[dreg:$0x4] =	wrdreg s18  }
0xb2: {  	[dreg:$0x5] =	wrdreg $0x9  }
0xb3: {  	_ =	task.clear_ibuf [dreg:s8], $0x6FFFF;
	_ =	strace $0x90000046  }
0xb4: {  	s29 =	simm.s32 $0x9;
	_ =	strace $0x80000051  }
0xb5: {  	_ =	swait.ge [sflag:s29], $0x1  }
0xb6: {  	[sflag:s29] =	ssyncadd.s32 $0xFFFFFFFF  }
0xb7: {  	_ =	strace $0x90000051  }
0xb8: {  	_ =	sfence  }
0xb9: {  	s30 =	sld [smem:$0x0];
	_ =	sdelay $0x2  }
0xba: {  	s31 =	sshll.u32 s1, $0xD;
	s1 =	sshrl.u32 s1, $0x2  }
0xbb: {  	s3 =	sand.u32 $0x4000, s31;
	s1 =	sadd.s32 s1, s30  }
0xbc: {  	s0 =	sor.u32 s3, s0;
	s1 =	sshll.u32 s1, $0x11  }
0xbd: {  	s0 =	sor.u32 s1, s0  }
0xbe: {  	s0 =	sadd.s32 $0x8F2B, s0  }
0xbf: {  	[sflag:s0] =	ssyncadd.remote.s32 $0x1  }
0xc0: {  	_ =	sfence.sel $0xFFFF  }
0xc1: {  	[dreg:$0x0] =	wrdreg $0xFFFFFFFF;
	(pc) =	sbr.abs _section_cstart, $3  }
0xc2: {  	[dreg:$0x1] =	wrdreg $0xFFFFFFFF  }
0xc3: {  	_ =	task.clear_ibuf [dreg:s8], $0x2FFFF;
	_ =	strace $0x9FFFFFFF  }
0xc4: {  	(tm) =	ssettm $0x7FFFFFFF  }
0xc5: {  	_ =	shalt  }
tec
execute0_lowered:
.L_overlay_start_1:
0x0: {  	(tag) =	ssettag $0x1  }
0x1: {  	s0 =	rddreg [dreg:$0x0]  }
0x2: {  	s1 =	srdreg.scid;
	s2 =	rddreg [dreg:$0x1]  }
0x3: {  	s3 =	rddreg [dreg:$0x2];
	s6 =	stileid.u32;
	s4 =	simm.s32 $0x0  }
0x4: {  	s9 =	simm.s32 $0x8;
	s15 =	simm.s32 $0x9C80;
	s1 =	sand.u32 $0x1, s1  }
0x5: {  	s16 =	simm.s32 $0x13900;
	s17 =	simm.s32 $0x3;
	s5 =	sshll.u32 s1, $0x4  }
0x6: {  	s18 =	simm.s32 $0x2;
	[smem:$0x7FF] =	sst s4;
	s5 =	sor.u32 s6, s5  }
0x7: {  	s7 =	sadd.s32 $0x1000, s0;
	s28 =	sadd.s32 $0x2400, s0;
	s6 =	smul.u32 $0x7, s5  }
0x8: {  	s0 =	sadd.s32 $0x3800, s0;
	_ =	strace $0x80000047;
	s1 =	ssub.s32 $0x2, s1  }
0x9: {  	p0 =	slt.u32 s5, $0x1A;
	s5 =	sshll.u32 s5, $0x3;
	s6 =	sadd.s32 $0x1A, s6  }
0xa: {  	[dreg:$0x4] =	wrdreg s7;
	s29 =	sshrl.u32 s1, $0x1;
	s6 =	smov.u32 @p0 s5  }
0xb: {  	[dreg:$0x6] =	wrdreg s0;
	s0 =	ssub.s32 s1, s29;
	s5 =	smul.u32 $0x140, s6  }
0xc: {  	s23 =	simm.s32 $0x1;
	[dreg:$0x5] =	wrdreg s28;
	s0 =	smax.u32 s0, $0x1  }
0xd: {  	s10 =	sadd.s32 $0x10, s2;
	[dreg:$0x9] =	wrdreg s0;
	s30 =	sadd.s32 s2, s5  }
0xe: {  	s9 =	simm.s32 @!p0 $0x7;
	s31 =	sadd.s32 s5, s10;
	[dreg:$0x7] =	wrdreg s30  }
0xf: {  	v0 =	vimm.s32 $0x2;
	v1 =	vimm.s32 $0x1;
	s24 =	simm.s32 $0x0;
	s13 =	sadd.s32 $0xFFFFFFFF, s9;
	[dreg:$0x8] =	wrdreg s31  }
.LBB2_1:
0x10: {  	s0 =	rddreg [dreg:$0x4]  }
0x11: {  	[tilespmem:s4], [sflag:$0x1] =	stream.linear.gather [hbm4b:s0+s4], $0x9C80, $0x38;
	[tilespmem:$0x17580] =	vst v63  }
0x12: {  	s21 =	rddreg [dreg:$0x5]  }
0x13: {  	[tilespmem:s15], [sflag:$0x2] =	stream.linear.gather [hbm4b:s21+s4], $0x9C80, $0x38;
	[tilespmem:$0x17580] =	vst v63  }
0x14: {  	s22 =	rddreg [dreg:$0x6]  }
0x15: {  	[tilespmem:s16], [sflag:$0x3] =	stream.linear.gather [hbm4b:s22+s4], $0x80, $0x38;
	[tilespmem:$0x17580] =	vst v63  }
0x16: {  	_ =	swait.ge [sflag:s17], $0x80  }
0x17: {  	[sflag:s17] =	ssyncset.done $0x0  }
0x18: {  	[sflag:s17] =	ssyncadd.s32 $0xFFFFFF80  }
0x19: {  	_ =	swait.ge [sflag:s23], $0x9C80  }
0x1a: {  	[sflag:s23] =	ssyncset.done $0x0  }
0x1b: {  	[sflag:s23] =	ssyncadd.s32 $0xFFFF6380  }
0x1c: {  	_ =	swait.ge [sflag:s18], $0x9C80  }
0x1d: {  	s1 =	simm.s32 $0x80;
	s5 =	simm.s32 $0x100;
	[sflag:s18] =	ssyncset.done $0x0  }
0x1e: {  	s7 =	simm.s32 $0x13980;
	s31 =	simm.s32 $0x14380;
	[sflag:s18] =	ssyncadd.s32 $0xFFFF6380  }
0x1f: {  	s28 =	simm.s32 $0x0;
	s29 =	simm.s32 $0x1;
	_ =	strace $0x80000048  }
0x20: {  	s30 =	simm.s32 $0x0;
	s0 =	simm.s32 $0x0;
	s25 =	rddreg [dreg:$0x7]  }
0x21: {  	[tilespmem:s7], [sflag:$0x3] =	stream.strided.gather [hbm4b:s25+s1], $0x500, s5, s1, $0x200038;
	[tilespmem:$0x17580] =	vst v63  }
0x22: {  	s21 =	simm.s32 $0x0;
	s26 =	rddreg [dreg:$0x8];
	s25 =	simm.s32 $0x0  }
0x23: {  	[tilespmem:s31], [sflag:$0x5] =	stream.strided.gather [hbm4b:s26+s1], $0x500, s5, s1, $0x200038;
	[tilespmem:$0x17580] =	vst v63  }
0x24: {  	s7 =	simm.s32 $0x1;
	s26 =	simm.s32 $0x0;
	_ =	strace $0x90000048  }
.LBB2_2:
0x25: {  	s1 =	sadd.s32 $0x1, s21  }
0x26: {  	p0 =	seq.s32 s1, s9  }
0x27: {  	s1 =	simm.s32 @p0 $0x0;
	p0 =	sge.s32 s0, s13  }
0x28: {  	p1 =	seq.s32 @!p0 s21, s1  }
0x29: {  	p2 =	por p1, p0  }
0x2a: {  	s5 =	sand.u32 @!p2 $0x1, s7  }
0x2b: {  	s8 =	sadd.s32 @!p2 s6, s1;
	s11 =	smul.u32 @!p2 $0x1400, s5  }
0x2c: {  	s8 =	smul.u32 @!p2 $0xA00, s8  }
0x2d: {  	_ =	strace @!p2 $0x80000049;
	s14 =	simm.s32 @!p2 $0x80  }
0x2e: {  	s19 =	simm.s32 @!p2 $0x100;
	s11 =	sshrl.u32 @!p2 s11, $0x2;
	s8 =	sshrl.u32 @!p2 s8, $0x3  }
0x2f: {  	s5 =	sadd.s32 @!p2 $0x3, s5;
	s11 =	sadd.s32 @!p2 $0x13980, s11;
	s12 =	sadd.s32 @!p2 s2, s8  }
0x30: {  	[tilespmem:s11], [sflag:s5] =	stream.strided.gather @!p2 [hbm4b:s12+s14], $0x500, s19, s14, $0x200038;
	[tilespmem:$0x17580] =	vst v63  }
0x31: {  	s5 =	sand.u32 @!p2 $0x1, s29  }
0x32: {  	s11 =	smul.u32 @!p2 $0x1400, s5;
	_ =	sdelay $0x1  }
0x33: {  	s8 =	sadd.s32 @!p2 s8, s10;
	_ =	strace @!p2 $0x90000049;
	s11 =	sshrl.u32 @!p2 s11, $0x2  }
0x34: {  	s5 =	sadd.s32 @!p2 $0x5, s5;
	_ =	strace @!p2 $0x8000004A;
	s11 =	sadd.s32 @!p2 $0x14380, s11  }
0x35: {  	[tilespmem:s11], [sflag:s5] =	stream.strided.gather @!p2 [hbm4b:s8+s14], $0x500, s19, s14, $0x200038;
	[tilespmem:$0x17580] =	vst v63  }
0x36: {  	s22 =	sand.u32 $0x1, s30;
	_ =	strace @!p2 $0x9000004A  }
0x37: {  	s12 =	sadd.s32 $0x3, s22;
	_ =	strace $0x8000004B  }
0x38: {  	_ =	swait.ge [sflag:s12], $0x500  }
0x39: {  	[sflag:s12] =	ssyncset.done $0x0  }
0x3a: {  	[sflag:s12] =	ssyncadd.s32 $0xFFFFFB00  }
0x3b: {  	s14 =	sand.u32 $0x1, s28;
	_ =	strace $0x9000004B  }
0x3c: {  	s19 =	sadd.s32 $0x5, s14;
	_ =	strace $0x8000004C  }
0x3d: {  	_ =	swait.ge [sflag:s19], $0x500  }
0x3e: {  	[sflag:s19] =	ssyncset.done $0x0  }
0x3f: {  	p3 =	seq.s32 s22, $0x1;
	[sflag:s19] =	ssyncadd.s32 $0xFFFFFB00  }
0x40: {  	s11 =	simm.s32 $0x13EC0;
	s5 =	simm.s32 $0x148C0;
	_ =	strace $0x9000004C  }
0x41: {  	s11 =	simm.s32 @!p3 $0x139C0;
	p3 =	seq.s32 s14, $0x1;
	_ =	strace $0x8000004D  }
0x42: {  	s5 =	simm.s32 @!p3 $0x143C0;
	v3 =	vld [tilespmem:s11+$0x30]  }
0x43: {  	v4 =	vld [tilespmem:s5+$0x30]  }
0x44: {  	v6 =	vld [tilespmem:s5+$0xFFFFFFC0]  }
0x45: {  	v7 =	vld [tilespmem:s11+$0xFFFFFFD0]  }
0x46: {  	v51 =	vld [tilespmem:s5+$0xFFFFFFD0]  }
0x47: {  	v10 =	vld [tilespmem:s11+$0xFFFFFFE0];
	v5 =	vshll.u32 v3, $0x2  }
0x48: {  	v14 =	vld [tilespmem:s5+$0xFFFFFFE0];
	v4 =	vshll.u32 v4, $0x2;
	v8 =	vor.u32 $0x2, v5  }
0x49: {  	v15 =	vld [tilespmem:s11+$0xFFFFFFF0];
	v9 =	vor.u32 $0x2, v4  }
0x4a: {  	v16 =	vld [tilespmem:s5+$0xFFFFFFF0];
	v11 =	vor.u32 $0x3, v5  }
0x4b: {  	v52 =	vld [tilespmem:s11+$0x0];
	v12 =	vor.u32 $0x3, v4  }
0x4c: {  	v24 =	vld [tilespmem:s11+$0xFFFFFFC0]  }
0x4d: {  	v8 =	vld.idx.msk [tilespmem:v8+s4+$0x0], $0xffff  }
0x4e: {  	v17 =	vld.idx.msk [tilespmem:v9+s15+$0x0], $0xffff  }
0x4f: {  	v18 =	vld.idx.msk [tilespmem:v11+s4+$0x0], $0xffff  }
0x50: {  	v14 =	vshll.u32 v14, $0x2;
	v19 =	vld.idx.msk [tilespmem:v12+s15+$0x0], $0xffff  }
0x51: {  	v21 =	vld [tilespmem:s5+$0x0];
	v24 =	vshll.u32 v24, $0x2;
	v25 =	vor.u32 $0x2, v14  }
0x52: {  	v53 =	vld [tilespmem:s11+$0x10];
	v13 =	vshll.u32 v7, $0x2;
	v31 =	vor.u32 $0x2, v24  }
0x53: {  	v23 =	vld [tilespmem:s11+$0x20];
	v58 =	vor.u32 $0x3, v24;
	v11 =	vshll.u32 v6, $0x2;
	v54 =	vadd.f32 v17, v8  }
0x54: {  	v26 =	vld [tilespmem:s5+$0x20];
	v38 =	vor.u32 $0x3, v13;
	v20 =	vor.u32 $0x2, v11  }
0x55: {  	v12 =	vshll.u32 v10, $0x2;
	v10 =	vld [tilespmem:s5+$0x10];
	v18 =	vadd.f32 v19, v18;
	v7 =	vmul.f32 $3.906250000e-03, v54  }
0x56: {  	v9 =	vshll.u32 v51, $0x2;
	v25 =	vld.idx.msk [tilespmem:v25+s15+$0x0], $0xffff;
	v8 =	vor.u32 $0x2, v13;
	v19 =	vor.u32 $0x2, v12  }
0x57: {  	v31 =	vld.idx.msk [tilespmem:v31+s4+$0x0], $0xffff;
	v17 =	vshll.u32 v15, $0x2;
	v15 =	vmul.f32 $3.906250000e-03, v18;
	v7 =	vmul.f32 v7, v7  }
0x58: {  	v16 =	vshll.u32 v16, $0x2;
	v60 =	vld.idx.msk [tilespmem:v58+s4+$0x0], $0xffff;
	v22 =	vor.u32 $0x2, v9  }
0x59: {  	v28 =	vld.idx.msk [tilespmem:v20+s15+$0x0], $0xffff;
	v20 =	vor.u32 $0x2, v16;
	v55 =	vsub.f32 v15, v7  }
0x5a: {  	v38 =	vld.idx.msk [tilespmem:v38+s4+$0x0], $0xffff;
	v37 =	vor.u32 $0x3, v11  }
0x5b: {  	v39 =	vor.u32 $0x3, v9;
	v29 =	vld.idx.msk [tilespmem:v8+s4+$0x0], $0xffff;
	v7 =	vshll.u32 v53, $0x2;
	v8 =	vadd.f32 $9.999999740e-06, v55  }
0x5c: {  	v56 =	vld.idx.msk [tilespmem:v19+s4+$0x0], $0xffff;
	v19 =	vor.u32 $0x2, v7  }
0x5d: {  	v40 =	vor.u32 $0x3, v12;
	v22 =	vld.idx.msk [tilespmem:v22+s15+$0x0], $0xffff;
	v32 =	vshra.s32 v8, $0x1;
	v33 =	vmul.f32 $5.000000000e-01, v8  }
0x5e: {  	v27 =	vor.u32 $0x2, v17;
	v18 =	vshll.u32 v52, $0x2;
	v34 =	vld.idx.msk [tilespmem:v20+s15+$0x0], $0xffff;
	v20 =	vsub.s32 $0x5F3759DF, v32  }
0x5f: {  	v37 =	vld.idx.msk [tilespmem:v37+s15+$0x0], $0xffff;
	v15 =	vshll.u32 v21, $0x2;
	v21 =	vor.u32 $0x2, v18;
	v32 =	vmul.f32 v20, v33  }
0x60: {  	v63 =	vld.idx.msk [tilespmem:v39+s15+$0x0], $0xffff;
	v30 =	vor.u32 $0x2, v15  }
0x61: {  	v36 =	vld.idx.msk [tilespmem:v19+s4+$0x0], $0xffff;
	v19 =	vmul.f32 v20, v32  }
0x62: {  	v42 =	vor.u32 $0x3, v14;
	v44 =	vor.u32 $0x3, v16;
	v6 =	vshll.u32 v10, $0x2;
	v40 =	vld.idx.msk [tilespmem:v40+s4+$0x0], $0xffff  }
0x63: {  	v10 =	vshll.u32 v23, $0x2;
	v23 =	vor.u32 $0x2, v6;
	v27 =	vld.idx.msk [tilespmem:v27+s4+$0x0], $0xffff;
	v19 =	vsub.f32 $1.500000000e+00, v19  }
0x64: {  	v57 =	vor.u32 $0x2, v10;
	v43 =	vor.u32 $0x3, v17;
	v28 =	vadd.f32 v28, v31;
	v21 =	vld.idx.msk [tilespmem:v21+s4+$0x0], $0xffff  }
0x65: {  	v61 =	vor.u32 $0x3, v6;
	v47 =	vor.u32 $0x3, v10;
	v30 =	vld.idx.msk [tilespmem:v30+s15+$0x0], $0xffff;
	v41 =	vmul.f32 v20, v19  }
0x66: {  	v45 =	vor.u32 $0x3, v18;
	v46 =	vor.u32 $0x3, v7;
	v28 =	vmul.f32 $3.906250000e-03, v28;
	v19 =	vld.idx.msk [tilespmem:v5+s4+$0x0], $0xffff  }
0x67: {  	v8 =	vshll.u32 v26, $0x2;
	v22 =	vadd.f32 v22, v29;
	v20 =	vld.idx.msk [tilespmem:v4+s15+$0x0], $0xffff;
	v29 =	vmul.f32 v41, v33  }
0x68: {  	v52 =	vld.idx.msk [tilespmem:v44+s15+$0x0], $0xffff;
	v3 =	vadd.f32 v25, v56;
	v25 =	vadd.f32 v37, v60;
	v28 =	vmul.f32 v28, v28  }
0x69: {  	v31 =	vld.idx.msk [tilespmem:v42+s15+$0x0], $0xffff;
	v35 =	vor.u32 $0x2, v8;
	v48 =	vor.u32 $0x3, v8;
	v29 =	vmul.f32 v29, v41  }
0x6a: {  	v23 =	vld.idx.msk [tilespmem:v23+s15+$0x0], $0xffff;
	v62 =	vadd.f32 v34, v27;
	v34 =	vadd.f32 v63, v38;
	v22 =	vmul.f32 $3.906250000e-03, v22  }
0x6b: {  	v51 =	vld.idx.msk [tilespmem:v43+s4+$0x0], $0xffff;
	v49 =	vmul.f32 $3.906250000e-03, v3;
	v25 =	vmul.f32 $3.906250000e-03, v25;
	v29 =	vsub.f32 $1.500000000e+00, v29  }
0x6c: {  	v27 =	vld.msk [tilespmem:s16+$0x0], $0xffff;
	v21 =	vadd.f32 v30, v21;
	v30 =	vshll.u32 v19, $0x10;
	v2 =	vshll.u32 v20, $0x10  }
0x6d: {  	v25 =	vsub.f32 v25, v28;
	v28 =	vld.idx.msk [tilespmem:v46+s4+$0x0], $0xffff;
	v30 =	vadd.f32 v2, v30;
	v2 =	vmul.f32 v29, v41  }
0x6e: {  	v31 =	vadd.f32 v31, v40;
	v34 =	vmul.f32 $3.906250000e-03, v34;
	v22 =	vmul.f32 v22, v22;
	v32 =	vld.idx.msk [tilespmem:v61+s15+$0x0], $0xffff  }
0x6f: {  	v54 =	vld.idx.msk [tilespmem:v47+s4+$0x0], $0xffff;
	v59 =	vor.u32 $0x3, v15;
	v50 =	vmul.f32 $3.906250000e-03, v62;
	v30 =	vmul.f32 v2, v30  }
0x70: {  	v26 =	vld.idx.msk [tilespmem:v57+s4+$0x0], $0xffff;
	v31 =	vmul.f32 $3.906250000e-03, v31;
	v22 =	vsub.f32 v34, v22;
	v23 =	vadd.f32 v23, v36  }
0x71: {  	v50 =	vmul.f32 v50, v50;
	v35 =	vld.idx.msk [tilespmem:v35+s15+$0x0], $0xffff;
	v25 =	vadd.f32 $9.999999740e-06, v25;
	v30 =	vadd.f32 v30, v27  }
0x72: {  	v55 =	vld.idx.msk [tilespmem:v48+s15+$0x0], $0xffff;
	v36 =	vadd.f32 v52, v51;
	v22 =	vadd.f32 $9.999999740e-06, v22;
	v23 =	vmul.f32 $3.906250000e-03, v23  }
0x73: {  	v38 =	vmul.f32 $5.000000000e-01, v25;
	v28 =	vadd.f32 v32, v28;
	v30 =	vsub.f32 $0.0e+00, v30  }
0x74: {  	v5 =	vor.u32 $0x1, v5;
	v21 =	vmul.f32 $3.906250000e-03, v21;
	v23 =	vmul.f32 v23, v23  }
0x75: {  	v4 =	vor.u32 $0x1, v4;
	v33 =	vld.idx.msk [tilespmem:v59+s15+$0x0], $0xffff;
	v59 =	vmul.f32 $3.906250000e-03, v28;
	v30 =	vmul.f32 $1.442695020e+00, v30  }
0x76: {  	v53 =	vld.idx.msk [tilespmem:v45+s4+$0x0], $0xffff;
	v57 =	vshra.s32 v22, $0x1;
	v22 =	vmul.f32 $5.000000000e-01, v22;
	v26 =	vadd.f32 v35, v26  }
0x77: {  	v32 =	vld.idx.msk [tilespmem:v12+s4+$0x0], $0xffff;
	v28 =	vadd.f32 v55, v54;
	v23 =	vsub.f32 v59, v23;
	(erf) = vpow2.f32 v30  }
0x78: {  	v12 =	vor.u32 $0x1, v12;
	v21 =	vmul.f32 v21, v21;
	v26 =	vmul.f32 $3.906250000e-03, v26  }
0x79: {  	v60 =	vmul.f32 $3.906250000e-03, v28;
	v23 =	vadd.f32 $9.999999740e-06, v23;
	v29 =	vmul.f32 v49, v49  }
0x7a: {  	v28 =	vld.idx.msk [tilespmem:v24+s4+$0x0], $0xffff;
	v19 =	vand.u32 $0xFFFF0000, v19;
	v20 =	vand.u32 $0xFFFF0000, v20;
	v24 =	vor.u32 $0x1, v24  }
0x7b: {  	v43 =	vmul.f32 $5.000000000e-01, v23;
	v23 =	vshra.s32 v23, $0x1;
	v29 =	vsub.f32 v31, v29  }
0x7c: {  	v55 =	vshll.u32 v32, $0x10;
	v56 =	vadd.f32 v33, v53;
	v23 =	vsub.s32 $0x5F3759DF, v23  }
0x7d: {  	v19 =	vadd.f32 v20, v19;
	v59 =	vmul.f32 v23, v43;
	v29 =	vadd.f32 $9.999999740e-06, v29  }
0x7e: {  	v31 =	vmul.f32 $3.906250000e-03, v36;
	v30 =	vshra.s32 v25, $0x1;
	v25 =	vmul.f32 $3.906250000e-03, v56  }
0x7f: {  	v26 =	vmul.f32 v26, v26;
	v48 =	vmul.f32 v23, v59;
	v58 =	vshra.s32 v29, $0x1  }
0x80: {  	v40 =	vmul.f32 $5.000000000e-01, v29;
	v29 =	vsub.f32 v31, v50;
	v21 =	vsub.f32 v25, v21;
	v61 =	vpop (erf)  }
0x81: {  	v36 =	vsub.s32 $0x5F3759DF, v57;
	v25 =	vsub.f32 v60, v26;
	v26 =	vadd.f32 $1.000000000e+00, v61  }
0x82: {  	v19 =	vmul.f32 v2, v19;
	v63 =	vmul.f32 v36, v22;
	v48 =	vsub.f32 $1.500000000e+00, v48  }
0x83: {  	v37 =	vsub.s32 $0x5F3759DF, v58;
	v29 =	vadd.f32 $9.999999740e-06, v29;
	(erf) = vrcp.f32 v26  }
0x84: {  	v47 =	vshll.u32 v28, $0x10;
	v48 =	vmul.f32 v23, v48;
	v56 =	vmul.f32 v37, v40  }
0x85: {  	v31 =	vld.idx.msk [tilespmem:v9+s15+$0x0], $0xffff;
	v39 =	vmul.f32 $5.000000000e-01, v29;
	v35 =	vsub.s32 $0x5F3759DF, v30;
	v30 =	vshra.s32 v29, $0x1  }
0x86: {  	v43 =	vmul.f32 v48, v43;
	v41 =	vsub.s32 $0x5F3759DF, v30;
	v34 =	vmul.f32 v37, v56  }
0x87: {  	v62 =	vmul.f32 v35, v38;
	v57 =	vmul.f32 v41, v39;
	v21 =	vadd.f32 $9.999999740e-06, v21  }
0x88: {  	s22 =	sand.u32 $0x1, s26;
	v33 =	vld.idx.msk [tilespmem:v14+s15+$0x0], $0xffff;
	v43 =	vmul.f32 v43, v48;
	v25 =	vadd.f32 $9.999999740e-06, v25;
	v56 =	vsub.f32 $1.500000000e+00, v34  }
0x89: {  	s20 =	smul.u32 $0x5000, s22;
	v30 =	vld.idx.msk [tilespmem:v13+s4+$0x0], $0xffff;
	v45 =	vmul.f32 v41, v57;
	v29 =	vshra.s32 v21, $0x1;
	v21 =	vmul.f32 $5.000000000e-01, v21  }
0x8a: {  	v53 =	vshll.u32 v31, $0x10;
	v44 =	vmul.f32 $5.000000000e-01, v25;
	v56 =	vmul.f32 v37, v56;
	v37 =	vld.idx.msk [tilespmem:v15+s15+$0x0], $0xffff  }
0x8b: {  	s8 =	sshrl.u32 s20, $0x2;
	v25 =	vshra.s32 v25, $0x1;
	v42 =	vsub.s32 $0x5F3759DF, v29;
	v29 =	vld.idx.msk [tilespmem:v11+s15+$0x0], $0xffff;
	v26 =	vmul.f32 v36, v63  }
0x8c: {  	s19 =	sadd.s32 $0x14E80, s8;
	v51 =	vmul.f32 v35, v62;
	v46 =	vsub.s32 $0x5F3759DF, v25;
	v25 =	vld.idx.msk [tilespmem:v5+s4+$0x0], $0xffff;
	v45 =	vsub.f32 $1.500000000e+00, v45;
	v57 =	vpop (erf)  }
0x8d: {  	v58 =	vmul.f32 v42, v21;
	v60 =	vmul.f32 v46, v44;
	v61 =	vsub.f32 $1.500000000e+00, v26;
	v26 =	vld.idx.msk [tilespmem:v4+s15+$0x0], $0xffff;
	[tilespmem:s19+$0xFFFFFF70] =	vst v57  }
0x8e: {  	v43 =	vsub.f32 $1.500000000e+00, v43;
	v51 =	vsub.f32 $1.500000000e+00, v51;
	v45 =	vmul.f32 v41, v45;
	v63 =	vld.idx.msk [tilespmem:v1+s16+$0x0], $0xffff  }
0x8f: {  	v52 =	vshll.u32 v30, $0x10;
	v54 =	vmul.f32 v42, v58;
	v50 =	vmul.f32 v46, v60  }
0x90: {  	v53 =	vadd.f32 v53, v52;
	v3 =	vmul.f32 v45, v39;
	v59 =	vshll.u32 v37, $0x10  }
0x91: {  	v34 =	vld.idx.msk [tilespmem:v17+s4+$0x0], $0xffff;
	v49 =	vshll.u32 v29, $0x10;
	v62 =	vsub.f32 $1.500000000e+00, v54;
	v20 =	vsub.f32 $1.500000000e+00, v50  }
0x92: {  	v41 =	vld.idx.msk [tilespmem:v10+s4+$0x0], $0xffff;
	v50 =	vshll.u32 v33, $0x10;
	v47 =	vadd.f32 v49, v47;
	v4 =	vmul.f32 v35, v51  }
0x93: {  	v35 =	vld.idx.msk [tilespmem:v16+s15+$0x0], $0xffff;
	v42 =	vmul.f32 v42, v62;
	v46 =	vmul.f32 v46, v20;
	v19 =	vadd.f32 v19, v63  }
0x94: {  	v50 =	vadd.f32 v50, v55;
	v5 =	vmul.f32 v36, v61;
	v23 =	vmul.f32 v4, v38  }
0x95: {  	v36 =	vld.idx.msk [tilespmem:v18+s4+$0x0], $0xffff;
	v21 =	vmul.f32 v42, v21;
	v44 =	vmul.f32 v46, v44;
	v19 =	vsub.f32 $0.0e+00, v19  }
0x96: {  	v51 =	vshll.u32 v34, $0x10;
	v38 =	vld.idx.msk [tilespmem:v7+s4+$0x0], $0xffff;
	v20 =	vmul.f32 v5, v22;
	v22 =	vmul.f32 v56, v40  }
0x97: {  	v39 =	vld.idx.msk [tilespmem:v8+s15+$0x0], $0xffff;
	v62 =	vshll.u32 v41, $0x10;
	v23 =	vmul.f32 v23, v4;
	v19 =	vmul.f32 $1.442695020e+00, v19  }
0x98: {  	v21 =	vmul.f32 v21, v42;
	v54 =	vshll.u32 v35, $0x10;
	v20 =	vmul.f32 v20, v5  }
0x99: {  	v22 =	vmul.f32 v22, v56;
	v23 =	vsub.f32 $1.500000000e+00, v23;
	(erf) = vpow2.f32 v19  }
0x9a: {  	v61 =	vsub.f32 $1.500000000e+00, v21;
	v55 =	vadd.f32 v54, v51;
	v58 =	vshll.u32 v36, $0x10  }
0x9b: {  	v40 =	vld.idx.msk [tilespmem:v6+s15+$0x0], $0xffff;
	v60 =	vshll.u32 v38, $0x10;
	v57 =	vmul.f32 v3, v45;
	v22 =	vsub.f32 $1.500000000e+00, v22  }
0x9c: {  	v23 =	vmul.f32 v23, v4;
	v58 =	vadd.f32 v59, v58;
	v63 =	vshll.u32 v39, $0x10  }
0x9d: {  	v19 =	vsub.f32 $1.500000000e+00, v20;
	v20 =	vmul.f32 v44, v46;
	v44 =	vsub.f32 $1.500000000e+00, v57  }
0x9e: {  	v22 =	vmul.f32 v22, v56;
	v56 =	vmul.f32 v23, v47;
	v62 =	vadd.f32 v63, v62  }
0x9f: {  	v3 =	vsub.f32 $1.500000000e+00, v20;
	v21 =	vmul.f32 v19, v5;
	v20 =	vmul.f32 v44, v45  }
0xa0: {  	v57 =	vshll.u32 v40, $0x10;
	v19 =	vmul.f32 v61, v42;
	v5 =	vmul.f32 v43, v48  }
0xa1: {  	v59 =	vadd.f32 v57, v60;
	v61 =	vmul.f32 v22, v50;
	v60 =	vmul.f32 v21, v53  }
0xa2: {  	v4 =	vmul.f32 v3, v46;
	v3 =	vadd.f32 v56, v27;
	v42 =	vmul.f32 v20, v55;
	v63 =	vpop (erf)  }
0xa3: {  	v43 =	vmul.f32 v19, v58;
	v45 =	vadd.f32 v60, v27;
	v48 =	vadd.f32 $1.000000000e+00, v63  }
0xa4: {  	v44 =	vmul.f32 v5, v59;
	v46 =	vadd.f32 v61, v27;
	v3 =	vsub.f32 $0.0e+00, v3  }
0xa5: {  	v47 =	vmul.f32 v4, v62;
	v45 =	vsub.f32 $0.0e+00, v45;
	(erf) = vrcp.f32 v48  }
0xa6: {  	v42 =	vadd.f32 v42, v27;
	v46 =	vsub.f32 $0.0e+00, v46;
	v3 =	vmul.f32 $1.442695020e+00, v3  }
0xa7: {  	v43 =	vadd.f32 v43, v27;
	v44 =	vadd.f32 v44, v27;
	v45 =	vmul.f32 $1.442695020e+00, v45  }
0xa8: {  	v42 =	vsub.f32 $0.0e+00, v42;
	v46 =	vmul.f32 $1.442695020e+00, v46;
	(erf) = vpow2.f32 v3  }
0xa9: {  	v43 =	vsub.f32 $0.0e+00, v43;
	v27 =	vadd.f32 v47, v27;
	(erf) = vpow2.f32 v45  }
0xaa: {  	v52 =	vsub.f32 $0.0e+00, v44;
	v42 =	vmul.f32 $1.442695020e+00, v42;
	(erf) = vpow2.f32 v46  }
0xab: {  	v54 =	vor.u32 $0x1, v11;
	v43 =	vmul.f32 $1.442695020e+00, v43;
	v27 =	vsub.f32 $0.0e+00, v27  }
0xac: {  	v57 =	vshll.u32 v26, $0x10;
	v3 =	vmul.f32 $1.442695020e+00, v52;
	(erf) = vpow2.f32 v42  }
0xad: {  	v56 =	vshll.u32 v25, $0x10;
	v11 =	vmul.f32 $1.442695020e+00, v27;
	(erf) = vpow2.f32 v43  }
0xae: {  	v58 =	vor.u32 $0x1, v9;
	v9 =	vadd.f32 v57, v56;
	(erf) = vpow2.f32 v3;
	v53 =	vpop (erf)  }
0xaf: {  	v13 =	vor.u32 $0x1, v13;
	[tilespmem:s19+$0xFFFFFFF0] =	vst v53  }
0xb0: {  	(erf) = vpow2.f32 v11;
	v55 =	vld.idx.msk [tilespmem:v0+s16+$0x0], $0xffff  }
0xb1: {  	v59 =	vor.u32 $0x1, v17;
	v11 =	vpop (erf)  }
0xb2: {  	v12 =	vld.idx.msk [tilespmem:v12+s4+$0x0], $0xffff;
	v61 =	vor.u32 $0x1, v16;
	v60 =	vmul.f32 v2, v9;
	v11 =	vadd.f32 $1.000000000e+00, v11;
	v9 =	vpop (erf)  }
0xb3: {  	v14 =	vor.u32 $0x1, v14;
	v17 =	vld.idx.msk [tilespmem:v24+s4+$0x0], $0xffff;
	v62 =	vadd.f32 $1.000000000e+00, v9;
	v63 =	vpop (erf)  }
0xb4: {  	v18 =	vor.u32 $0x1, v18;
	v9 =	vld.idx.msk [tilespmem:v13+s4+$0x0], $0xffff;
	v13 =	vadd.f32 $1.000000000e+00, v63;
	(erf) = vrcp.f32 v11  }
0xb5: {  	v15 =	vor.u32 $0x1, v15;
	v16 =	vld.idx.msk [tilespmem:v54+s15+$0x0], $0xffff;
	v48 =	vpop (erf);
	(erf) = vrcp.f32 v62;
	v24 =	vadd.f32 v60, v55  }
0xb6: {  	v51 =	vor.u32 $0x1, v7;
	v7 =	vld.idx.msk [tilespmem:v59+s4+$0x0], $0xffff;
	v27 =	vadd.f32 $1.000000000e+00, v48;
	v49 =	vpop (erf);
	(erf) = vrcp.f32 v13  }
0xb7: {  	v52 =	vor.u32 $0x1, v6;
	v6 =	vld.idx.msk [tilespmem:v61+s15+$0x0], $0xffff;
	v3 =	vadd.f32 $1.000000000e+00, v49;
	v50 =	vpop (erf);
	v24 =	vsub.f32 $0.0e+00, v24  }
0xb8: {  	v53 =	vor.u32 $0x1, v10;
	v13 =	vld.idx.msk [tilespmem:v14+s15+$0x0], $0xffff;
	v14 =	vadd.f32 $1.000000000e+00, v50;
	(erf) = vrcp.f32 v27  }
0xb9: {  	v10 =	vld.idx.msk [tilespmem:v18+s4+$0x0], $0xffff;
	v54 =	vpop (erf);
	v55 =	vor.u32 $0x1, v8;
	(erf) = vrcp.f32 v3;
	v24 =	vmul.f32 $1.442695020e+00, v24  }
0xba: {  	v11 =	vld.idx.msk [tilespmem:v58+s15+$0x0], $0xffff;
	v18 =	vadd.f32 $1.000000000e+00, v54;
	(erf) = vrcp.f32 v14  }
0xbb: {  	v28 =	vand.u32 $0xFFFF0000, v28;
	v29 =	vand.u32 $0xFFFF0000, v29;
	v8 =	vld.idx.msk [tilespmem:v15+s15+$0x0], $0xffff;
	(erf) = vpow2.f32 v24  }
0xbc: {  	v28 =	vadd.f32 v29, v28;
	v15 =	vld.idx.msk [tilespmem:v52+s15+$0x0], $0xffff;
	(erf) = vrcp.f32 v18  }
0xbd: {  	v14 =	vld.idx.msk [tilespmem:v51+s4+$0x0], $0xffff;
	v58 =	vpop (erf)  }
0xbe: {  	v30 =	vand.u32 $0xFFFF0000, v30;
	v41 =	vand.u32 $0xFFFF0000, v41;
	v28 =	vmul.f32 v23, v28;
	v24 =	vld.idx.msk [tilespmem:v55+s15+$0x0], $0xffff;
	[tilespmem:s19+$0xFFFFFF00] =	vst v58;
	v62 =	vpop (erf)  }
0xbf: {  	v56 =	vand.u32 $0xFFFF0000, v31;
	v31 =	vand.u32 $0xFFFF0000, v32;
	v57 =	vand.u32 $0xFFFF0000, v33;
	v46 =	vld.idx.msk [tilespmem:v1+s16+$0x0], $0xffff;
	[tilespmem:s19+$0xFFFFFF10] =	vst v62;
	v47 =	vpop (erf)  }
0xc0: {  	v31 =	vadd.f32 v57, v31;
	v44 =	vand.u32 $0xFFFF0000, v38;
	v59 =	vand.u32 $0xFFFF0000, v34;
	v29 =	vld.idx.msk [tilespmem:v1+s16+$0x0], $0xffff;
	[tilespmem:s19+$0xFFFFFF20] =	vst v47  }
0xc1: {  	v61 =	vand.u32 $0xFFFF0000, v36;
	v48 =	vand.u32 $0xFFFF0000, v39;
	v27 =	vadd.f32 v56, v30;
	v30 =	vpop (erf);
	v49 =	vld.idx.msk [tilespmem:v1+s16+$0x0], $0xffff  }
0xc2: {  	v45 =	vand.u32 $0xFFFF0000, v40;
	v63 =	vand.u32 $0xFFFF0000, v37;
	v33 =	vadd.f32 v48, v41;
	v18 =	vld.idx.msk [tilespmem:v53+s4+$0x0], $0xffff;
	[tilespmem:s19+$0xFFFFFF30] =	vst v30;
	v30 =	vpop (erf)  }
0xc3: {  	v60 =	vand.u32 $0xFFFF0000, v35;
	v50 =	vadd.f32 v63, v61;
	v27 =	vmul.f32 v21, v27;
	v52 =	vld.idx.msk [tilespmem:v1+s16+$0x0], $0xffff;
	v53 =	vpop (erf);
	[tilespmem:s19+$0xFFFFFF40] =	vst v30  }
0xc4: {  	v31 =	vmul.f32 v22, v31;
	v3 =	vadd.f32 v60, v59;
	v51 =	vadd.f32 v45, v44;
	v55 =	vld.idx.msk [tilespmem:v1+s16+$0x0], $0xffff;
	v30 =	vpop (erf)  }
0xc5: {  	v57 =	vmul.f32 v4, v33;
	[tilespmem:s19+$0xFFFFFF50] =	vst v53;
	v28 =	vadd.f32 v28, v46;
	v27 =	vadd.f32 v27, v29;
	v56 =	vpop (erf)  }
0xc6: {  	v3 =	vmul.f32 v20, v3;
	v37 =	vld.idx.msk [tilespmem:v1+s16+$0x0], $0xffff;
	v29 =	vadd.f32 v31, v49;
	v30 =	vadd.f32 $1.000000000e+00, v30;
	[tilespmem:s19+$0xFFFFFF60] =	vst v56  }
0xc7: {  	v34 =	vmul.f32 v19, v50;
	v28 =	vsub.f32 $0.0e+00, v28;
	v27 =	vsub.f32 $0.0e+00, v27;
	v31 =	vld.idx.msk [tilespmem:v1+s16+$0x0], $0xffff  }
0xc8: {  	v3 =	vadd.f32 v3, v52;
	v29 =	vsub.f32 $0.0e+00, v29;
	(erf) = vrcp.f32 v30  }
0xc9: {  	v28 =	vmul.f32 $1.442695020e+00, v28;
	v58 =	vadd.f32 v34, v55;
	v30 =	vmul.f32 v5, v51  }
0xca: {  	v27 =	vmul.f32 $1.442695020e+00, v27;
	v3 =	vsub.f32 $0.0e+00, v3;
	v29 =	vmul.f32 $1.442695020e+00, v29  }
0xcb: {  	(erf) = vpow2.f32 v28;
	v28 =	vsub.f32 $0.0e+00, v58;
	v30 =	vadd.f32 v30, v37  }
0xcc: {  	v3 =	vmul.f32 $1.442695020e+00, v3;
	(erf) = vpow2.f32 v27;
	v31 =	vadd.f32 v57, v31  }
0xcd: {  	v43 =	vimm.s32 $0x3;
	(erf) = vpow2.f32 v29;
	v29 =	vsub.f32 $0.0e+00, v30  }
0xce: {  	v28 =	vmul.f32 $1.442695020e+00, v28;
	(erf) = vpow2.f32 v3;
	v31 =	vsub.f32 $0.0e+00, v31  }
0xcf: {  	v26 =	vand.u32 $0xFFFF0000, v26;
	v25 =	vand.u32 $0xFFFF0000, v25;
	v29 =	vmul.f32 $1.442695020e+00, v29  }
0xd0: {  	v25 =	vadd.f32 v26, v25;
	(erf) = vpow2.f32 v28;
	v31 =	vmul.f32 $1.442695020e+00, v31  }
0xd1: {  	(erf) = vpow2.f32 v29;
	v62 =	vpop (erf)  }
0xd2: {  	v25 =	vmul.f32 v2, v25;
	[tilespmem:s19+$0x70] =	vst v62;
	(erf) = vpow2.f32 v31  }
0xd3: {  	v61 =	vshll.u32 v12, $0x10;
	v63 =	vshll.u32 v7, $0x10;
	v12 =	vand.u32 $0xFFFF0000, v12;
	v33 =	vld.idx.msk [tilespmem:v43+s16+$0x0], $0xffff  }
0xd4: {  	v7 =	vand.u32 $0xFFFF0000, v7;
	v54 =	vshll.u32 v17, $0x10;
	v59 =	vshll.u32 v16, $0x10;
	v46 =	vpop (erf)  }
0xd5: {  	v60 =	vshll.u32 v9, $0x10;
	v17 =	vand.u32 $0xFFFF0000, v17;
	v36 =	vadd.f32 $1.000000000e+00, v46;
	v48 =	vpop (erf)  }
0xd6: {  	v16 =	vand.u32 $0xFFFF0000, v16;
	v9 =	vand.u32 $0xFFFF0000, v9;
	v39 =	vadd.f32 $1.000000000e+00, v48;
	v50 =	vpop (erf)  }
0xd7: {  	v30 =	vshll.u32 v11, $0x10;
	(erf) = vrcp.f32 v36;
	v51 =	vadd.f32 $1.000000000e+00, v50;
	v52 =	vpop (erf)  }
0xd8: {  	v36 =	vadd.f32 $1.000000000e+00, v52;
	(erf) = vrcp.f32 v39;
	v25 =	vadd.f32 v25, v33  }
0xd9: {  	v27 =	vadd.f32 v59, v54;
	v3 =	vadd.f32 v30, v60;
	v54 =	vpop (erf);
	(erf) = vrcp.f32 v51  }
0xda: {  	v30 =	vadd.f32 $1.000000000e+00, v54;
	(erf) = vrcp.f32 v36;
	v55 =	vpop (erf);
	v25 =	vsub.f32 $0.0e+00, v25  }
0xdb: {  	v44 =	vshll.u32 v10, $0x10;
	v45 =	vshll.u32 v14, $0x10;
	v47 =	vshll.u32 v15, $0x10;
	v56 =	vpop (erf)  }
0xdc: {  	(erf) = vrcp.f32 v30;
	v25 =	vmul.f32 $1.442695020e+00, v25;
	v30 =	vadd.f32 $1.000000000e+00, v56  }
0xdd: {  	v53 =	vshll.u32 v24, $0x10;
	v49 =	vshll.u32 v18, $0x10;
	v32 =	vadd.f32 $1.000000000e+00, v55  }
0xde: {  	v27 =	vmul.f32 v23, v27;
	v29 =	vshll.u32 v6, $0x10;
	(erf) = vpow2.f32 v25  }
0xdf: {  	v60 =	vand.u32 $0xFFFF0000, v8;
	v29 =	vadd.f32 v29, v63;
	(erf) = vrcp.f32 v32  }
0xe0: {  	s14 =	sadd.s32 $0x80, s11;
	v31 =	vshll.u32 v8, $0x10;
	v8 =	vadd.f32 v16, v17;
	(erf) = vrcp.f32 v30;
	v30 =	vpop (erf)  }
0xe1: {  	v11 =	vand.u32 $0xFFFF0000, v11;
	v63 =	vld [tilespmem:s14+$0x30];
	v26 =	vadd.f32 v31, v44;
	v31 =	vadd.f32 v53, v49;
	[tilespmem:s19+$0xFFFFFF80] =	vst v30;
	v30 =	vpop (erf)  }
0xe2: {  	v28 =	vshll.u32 v13, $0x10;
	v57 =	vadd.f32 v47, v45;
	v9 =	vadd.f32 v11, v9;
	v58 =	vld.idx.msk [tilespmem:v0+s16+$0x0], $0xffff;
	[tilespmem:s19+$0xFFFFFF90] =	vst v30;
	v30 =	vpop (erf)  }
0xe3: {  	v13 =	vand.u32 $0xFFFF0000, v13;
	v8 =	vmul.f32 v23, v8;
	v59 =	vmul.f32 v4, v31;
	v31 =	vld.idx.msk [tilespmem:v0+s16+$0x0], $0xffff;
	[tilespmem:s19+$0xFFFFFFA0] =	vst v30;
	v30 =	vpop (erf)  }
0xe4: {  	v10 =	vand.u32 $0xFFFF0000, v10;
	v28 =	vadd.f32 v28, v61;
	v12 =	vadd.f32 v13, v12;
	v61 =	vld.idx.msk [tilespmem:v0+s16+$0x0], $0xffff;
	[tilespmem:s19+$0xFFFFFFB0] =	vst v30  }
0xe5: {  	v14 =	vand.u32 $0xFFFF0000, v14;
	v10 =	vadd.f32 v60, v10;
	v11 =	vpop (erf);
	v16 =	vld.idx.msk [tilespmem:v0+s16+$0x0], $0xffff;
	[tilespmem:$0x1FFD0] =	vst v8;
	v8 =	vmul.f32 v21, v9  }
0xe6: {  	s20 =	sadd.s32 $0x80, s5;
	v3 =	vmul.f32 v21, v3;
	v28 =	vmul.f32 v22, v28;
	v6 =	vand.u32 $0xFFFF0000, v6;
	[tilespmem:s19+$0xFFFFFFC0] =	vst v11  }
0xe7: {  	v6 =	vadd.f32 v6, v7;
	v29 =	vmul.f32 v20, v29;
	v26 =	vmul.f32 v19, v26;
	v62 =	vpop (erf);
	v33 =	vld [tilespmem:s20+$0x30];
	[tilespmem:$0x1FFE0] =	vst v8  }
0xe8: {  	v25 =	vmul.f32 v5, v57;
	v23 =	vadd.f32 v27, v58;
	v7 =	vadd.f32 $1.000000000e+00, v62;
	v21 =	vld.idx.msk [tilespmem:v0+s16+$0x0], $0xffff  }
0xe9: {  	v11 =	vmul.f32 v22, v12;
	v12 =	vmul.f32 v20, v6;
	v13 =	vpop (erf);
	v3 =	vadd.f32 v3, v31;
	v22 =	vld [tilespmem:s14+$0xFFFFFFD0]  }
0xea: {  	[tilespmem:s19+$0xFFFFFFD0] =	vst v13;
	v13 =	vpop (erf);
	v31 =	vshll.u32 v63, $0x2;
	v39 =	vld [tilespmem:s14+$0xFFFFFFE0];
	v20 =	vsub.f32 $0.0e+00, v23;
	(erf) = vrcp.f32 v7  }
0xeb: {  	v41 =	vld [tilespmem:s20+$0xFFFFFFE0];
	[tilespmem:s19+$0xFFFFFFE0] =	vst v13;
	v13 =	vmul.f32 v19, v10;
	v10 =	vadd.f32 v28, v61;
	v23 =	vor.u32 $0x2, v31  }
0xec: {  	v36 =	vld.idx.msk [tilespmem:v0+s16+$0x0], $0xffff;
	v40 =	vor.u32 $0x3, v31;
	v3 =	vsub.f32 $0.0e+00, v3;
	v16 =	vadd.f32 v29, v16  }
0xed: {  	v37 =	vld.idx.msk [tilespmem:v0+s16+$0x0], $0xffff;
	v19 =	vmul.f32 $1.442695020e+00, v20;
	v33 =	vshll.u32 v33, $0x2;
	v10 =	vsub.f32 $0.0e+00, v10  }
0xee: {  	v29 =	vld [tilespmem:s14+$0xFFFFFFF0];
	v38 =	vor.u32 $0x2, v33;
	v3 =	vmul.f32 $1.442695020e+00, v3;
	v16 =	vsub.f32 $0.0e+00, v16  }
0xef: {  	v20 =	vld [tilespmem:s20+$0xFFFFFFC0];
	v28 =	vor.u32 $0x3, v33;
	(erf) = vpow2.f32 v19;
	v10 =	vmul.f32 $1.442695020e+00, v10  }
0xf0: {  	v19 =	vld [tilespmem:s20+$0xFFFFFFD0];
	v21 =	vadd.f32 v26, v21;
	v16 =	vmul.f32 $1.442695020e+00, v16;
	(erf) = vpow2.f32 v3  }
0xf1: {  	v15 =	vand.u32 $0xFFFF0000, v15;
	v18 =	vand.u32 $0xFFFF0000, v18;
	v43 =	vld.idx.msk [tilespmem:v23+s4+$0x0], $0xffff;
	(erf) = vpow2.f32 v10  }
0xf2: {  	v6 =	vadd.f32 v25, v36;
	v21 =	vsub.f32 $0.0e+00, v21;
	(erf) = vpow2.f32 v16;
	v16 =	vld.idx.msk [tilespmem:v40+s4+$0x0], $0xffff  }
0xf3: {  	v17 =	vand.u32 $0xFFFF0000, v24;
	v7 =	vadd.f32 v59, v37;
	v10 =	vadd.f32 v15, v14;
	v23 =	vld.idx.msk [tilespmem:v38+s15+$0x0], $0xffff;
	v44 =	vpop (erf)  }
0xf4: {  	v15 =	vadd.f32 v17, v18;
	v24 =	vshll.u32 v29, $0x2;
	v42 =	vsub.f32 $0.0e+00, v6;
	v17 =	vld.idx.msk [tilespmem:v28+s15+$0x0], $0xffff;
	[tilespmem:$0x1FFF0] =	vst v44  }
0xf5: {  	v8 =	vshll.u32 v20, $0x2;
	v20 =	vshll.u32 v22, $0x2;
	v22 =	vshll.u32 v39, $0x2;
	v45 =	vld [tilespmem:s20+$0xFFFFFFF0]  }
0xf6: {  	v55 =	vor.u32 $0x2, v24;
	v21 =	vmul.f32 $1.442695020e+00, v21;
	v7 =	vsub.f32 $0.0e+00, v7;
	v47 =	vld [tilespmem:s14+$0x0]  }
0xf7: {  	v14 =	vmul.f32 v5, v10;
	v48 =	vor.u32 $0x2, v8;
	v3 =	vmul.f32 $1.442695020e+00, v42;
	v18 =	vld [tilespmem:s20+$0x0]  }
0xf8: {  	(erf) = vpow2.f32 v21;
	v7 =	vmul.f32 $1.442695020e+00, v7;
	v21 =	vshll.u32 v19, $0x2;
	v19 =	vld [tilespmem:s14+$0x10]  }
0xf9: {  	v15 =	vmul.f32 v4, v15;
	v30 =	vor.u32 $0x2, v20;
	(erf) = vpow2.f32 v3;
	v49 =	vld [tilespmem:s20+$0x10]  }
0xfa: {  	v52 =	vor.u32 $0x2, v22;
	v53 =	vld [tilespmem:s20+$0x20];
	(erf) = vpow2.f32 v7;
	v6 =	vadd.f32 v23, v43  }
0xfb: {  	v29 =	vld [tilespmem:s14+$0xFFFFFFC0];
	v46 =	vpop (erf);
	v16 =	vadd.f32 v17, v16;
	v17 =	vor.u32 $0x2, v21;
	v23 =	vshll.u32 v41, $0x2  }
0xfc: {  	v39 =	vld.idx.msk [tilespmem:v48+s15+$0x0], $0xffff;
	v48 =	vor.u32 $0x3, v8;
	v4 =	vadd.f32 $1.000000000e+00, v46;
	v51 =	vpop (erf);
	v54 =	vor.u32 $0x2, v23  }
0xfd: {  	v36 =	vld.idx.msk [tilespmem:v33+s15+$0x0], $0xffff;
	v6 =	vmul.f32 $3.906250000e-03, v6;
	v16 =	vmul.f32 $3.906250000e-03, v16;
	v37 =	vadd.f32 $1.000000000e+00, v51  }
0xfe: {  	v51 =	vor.u32 $0x3, v22;
	v25 =	vshll.u32 v45, $0x2;
	v28 =	vshll.u32 v47, $0x2  }
0xff: {  	v50 =	vld [tilespmem:s14+$0x20];
	v26 =	vshll.u32 v18, $0x2;
	v27 =	vshll.u32 v19, $0x2;
	v6 =	vmul.f32 v6, v6  }
0x100: {  	v35 =	vld.idx.msk [tilespmem:v31+s4+$0x0], $0xffff;
	v57 =	vpop (erf);
	(erf) = vrcp.f32 v4;
	v32 =	vshll.u32 v29, $0x2;
	v29 =	vshll.u32 v49, $0x2  }
0x101: {  	v3 =	vld.idx.msk [tilespmem:v55+s4+$0x0], $0xffff;
	v41 =	vadd.f32 $1.000000000e+00, v57;
	v49 =	vor.u32 $0x3, v20;
	v6 =	vsub.f32 v16, v6  }
0x102: {  	v7 =	vld.idx.msk [tilespmem:v30+s4+$0x0], $0xffff;
	v34 =	vshll.u32 v53, $0x2;
	v5 =	vshll.u32 v36, $0x10;
	v18 =	vor.u32 $0x2, v28  }
0x103: {  	v40 =	vld.idx.msk [tilespmem:v52+s4+$0x0], $0xffff;
	v36 =	vand.u32 $0xFFFF0000, v36;
	v56 =	vor.u32 $0x2, v26;
	v6 =	vadd.f32 $9.999999740e-06, v6  }
0x104: {  	v19 =	vor.u32 $0x2, v27;
	v58 =	vor.u32 $0x2, v32;
	v60 =	vor.u32 $0x2, v29;
	v17 =	vld.idx.msk [tilespmem:v17+s15+$0x0], $0xffff  }
0x105: {  	v59 =	vpop (erf);
	v16 =	vor.u32 $0x2, v25;
	v38 =	vld.idx.msk [tilespmem:v54+s15+$0x0], $0xffff;
	v30 =	vshra.s32 v6, $0x1;
	v6 =	vmul.f32 $5.000000000e-01, v6  }
0x106: {  	v45 =	vadd.f32 $1.000000000e+00, v59;
	v62 =	vpop (erf);
	(erf) = vrcp.f32 v37;
	v37 =	vld.idx.msk [tilespmem:v48+s15+$0x0], $0xffff;
	v43 =	vsub.s32 $0x5F3759DF, v30  }
0x107: {  	v2 =	vor.u32 $0x2, v34;
	v42 =	vor.u32 $0x3, v32;
	v18 =	vld.idx.msk [tilespmem:v18+s4+$0x0], $0xffff;
	v61 =	vmul.f32 v43, v6  }
0x108: {  	v57 =	vor.u32 $0x3, v28;
	v59 =	vor.u32 $0x3, v27;
	v54 =	vor.u32 $0x3, v24;
	v4 =	vld.idx.msk [tilespmem:v56+s15+$0x0], $0xffff  }
0x109: {  	v47 =	vadd.f32 $1.000000000e+00, v62;
	(erf) = vrcp.f32 v41;
	v53 =	vld.idx.msk [tilespmem:v58+s4+$0x0], $0xffff;
	v44 =	vmul.f32 v43, v61  }
0x10a: {  	(erf) = vrcp.f32 v45;
	v56 =	vor.u32 $0x3, v25;
	v58 =	vor.u32 $0x3, v26;
	v16 =	vld.idx.msk [tilespmem:v16+s15+$0x0], $0xffff  }
0x10b: {  	v55 =	vld.idx.msk [tilespmem:v60+s15+$0x0], $0xffff;
	v30 =	vshll.u32 v50, $0x2;
	v50 =	vor.u32 $0x3, v21;
	v61 =	vsub.f32 $1.500000000e+00, v44  }
0x10c: {  	v60 =	vor.u32 $0x3, v34;
	v52 =	vld.idx.msk [tilespmem:v2+s15+$0x0], $0xffff;
	v2 =	vshll.u32 v35, $0x10;
	v63 =	vor.u32 $0x2, v30  }
0x10d: {  	v19 =	vld.idx.msk [tilespmem:v19+s4+$0x0], $0xffff;
	v38 =	vadd.f32 v38, v40;
	v40 =	vor.u32 $0x3, v30;
	v43 =	vmul.f32 v43, v61  }
0x10e: {  	(erf) = vrcp.f32 v47;
	v7 =	vadd.f32 v17, v7;
	v4 =	vadd.f32 v4, v18;
	v18 =	vld.idx.msk [tilespmem:v49+s4+$0x0], $0xffff  }
0x10f: {  	v35 =	vand.u32 $0xFFFF0000, v35;
	v3 =	vadd.f32 v16, v3;
	v16 =	vld.idx.msk [tilespmem:v42+s4+$0x0], $0xffff;
	v6 =	vmul.f32 v43, v6  }
0x110: {  	v17 =	vor.u32 $0x3, v29;
	v35 =	vadd.f32 v36, v35;
	v7 =	vmul.f32 $3.906250000e-03, v7;
	v41 =	vld.idx.msk [tilespmem:v50+s15+$0x0], $0xffff  }
0x111: {  	v38 =	vmul.f32 $3.906250000e-03, v38;
	v44 =	vor.u32 $0x3, v23;
	v46 =	vld.idx.msk [tilespmem:v63+s4+$0x0], $0xffff;
	v6 =	vmul.f32 v6, v43  }
0x112: {  	v7 =	vmul.f32 v7, v7;
	v39 =	vadd.f32 v39, v53;
	v19 =	vadd.f32 v55, v19;
	v40 =	vld.idx.msk [tilespmem:v40+s4+$0x0], $0xffff  }
0x113: {  	v4 =	vmul.f32 $3.906250000e-03, v4;
	v62 =	vmul.f32 $3.906250000e-03, v3;
	v3 =	vld.idx.msk [tilespmem:v60+s15+$0x0], $0xffff;
	v63 =	vsub.f32 $1.500000000e+00, v6  }
0x114: {  	v42 =	vld.msk [tilespmem:s16+$0x0], $0xffff;
	v39 =	vmul.f32 $3.906250000e-03, v39;
	v53 =	vmul.f32 $3.906250000e-03, v19;
	v16 =	vadd.f32 v37, v16  }
0x115: {  	v57 =	vld.idx.msk [tilespmem:v57+s4+$0x0], $0xffff;
	v6 =	vmul.f32 v38, v38;
	v38 =	vadd.f32 v5, v2;
	v9 =	vmul.f32 v63, v43  }
0x116: {  	v39 =	vmul.f32 v39, v39;
	v61 =	vpop (erf);
	v44 =	vld.idx.msk [tilespmem:v44+s15+$0x0], $0xffff;
	v18 =	vadd.f32 v41, v18;
	v16 =	vmul.f32 $3.906250000e-03, v16  }
0x117: {  	v61 =	vadd.f32 $1.000000000e+00, v61;
	v43 =	vmul.f32 v62, v62;
	v62 =	vld.idx.msk [tilespmem:v51+s4+$0x0], $0xffff;
	v38 =	vmul.f32 v9, v38  }
0x118: {  	v19 =	vld.idx.msk [tilespmem:v54+s4+$0x0], $0xffff;
	v49 =	vmul.f32 v4, v4;
	v18 =	vmul.f32 $3.906250000e-03, v18;
	v40 =	vadd.f32 v3, v40  }
0x119: {  	(erf) = vrcp.f32 v61;
	v61 =	vld.idx.msk [tilespmem:v58+s15+$0x0], $0xffff;
	v16 =	vsub.f32 v16, v39;
	v54 =	vadd.f32 v38, v42  }
0x11a: {  	v55 =	vadd.f32 v52, v46;
	v7 =	vsub.f32 v18, v7;
	v40 =	vmul.f32 $3.906250000e-03, v40  }
0x11b: {  	v16 =	vadd.f32 $9.999999740e-06, v16;
	v63 =	vpop (erf);
	v35 =	vmul.f32 v9, v35;
	v37 =	vsub.f32 $0.0e+00, v54  }
0x11c: {  	v56 =	vld.idx.msk [tilespmem:v56+s15+$0x0], $0xffff;
	v2 =	vadd.f32 $1.000000000e+00, v63;
	v63 =	vmul.f32 v53, v53;
	v44 =	vadd.f32 v44, v62  }
0x11d: {  	v7 =	vadd.f32 $9.999999740e-06, v7;
	v47 =	vmul.f32 $5.000000000e-01, v16;
	v37 =	vmul.f32 $1.442695020e+00, v37  }
0x11e: {  	v41 =	vadd.f32 v61, v57;
	(erf) = vrcp.f32 v2;
	v44 =	vmul.f32 $3.906250000e-03, v44  }
0x11f: {  	v31 =	vor.u32 $0x1, v31;
	v17 =	vld.idx.msk [tilespmem:v17+s15+$0x0], $0xffff;
	v38 =	vmul.f32 $3.906250000e-03, v55;
	(erf) = vpow2.f32 v37  }
0x120: {  	v55 =	vshra.s32 v7, $0x1;
	v41 =	vmul.f32 $3.906250000e-03, v41;
	v62 =	vld.idx.msk [tilespmem:v59+s4+$0x0], $0xffff;
	v6 =	vsub.f32 v44, v6  }
0x121: {  	v10 =	vpop (erf);
	v50 =	vmul.f32 $5.000000000e-01, v7;
	v2 =	vadd.f32 v56, v19;
	v48 =	vsub.s32 $0x5F3759DF, v55  }
0x122: {  	v19 =	vpop (erf);
	v54 =	vshra.s32 v16, $0x1;
	v41 =	vsub.f32 v41, v49;
	v16 =	vadd.f32 $9.999999740e-06, v6  }
0x123: {  	v33 =	vor.u32 $0x1, v33;
	v38 =	vmul.f32 v38, v38;
	v18 =	vpop (erf);
	v46 =	vmul.f32 v48, v50  }
0x124: {  	v45 =	vmul.f32 $3.906250000e-03, v2;
	v49 =	vsub.s32 $0x5F3759DF, v54;
	v41 =	vadd.f32 $9.999999740e-06, v41;
	v6 =	vpop (erf)  }
0x125: {  	v38 =	vsub.f32 v40, v38;
	v46 =	vmul.f32 v48, v46;
	v56 =	vadd.f32 v17, v62;
	v17 =	vpop (erf)  }
0x126: {  	v43 =	vsub.f32 v45, v43;
	v57 =	vshra.s32 v16, $0x1;
	v51 =	vmul.f32 $5.000000000e-01, v16;
	v16 =	vpop (erf)  }
0x127: {  	v45 =	vmul.f32 v49, v47;
	v44 =	vld.idx.msk [tilespmem:v8+s15+$0x0], $0xffff;
	v8 =	vor.u32 $0x1, v8;
	v62 =	vshra.s32 v41, $0x1;
	v7 =	vpop (erf)  }
0x128: {  	v41 =	vmul.f32 $5.000000000e-01, v41;
	v38 =	vadd.f32 $9.999999740e-06, v38;
	v43 =	vadd.f32 $9.999999740e-06, v43;
	v59 =	vpop (erf)  }
0x129: {  	v53 =	vsub.s32 $0x5F3759DF, v62;
	v45 =	vmul.f32 v49, v45;
	v61 =	vadd.f32 $1.000000000e+00, v59  }
0x12a: {  	v58 =	vmul.f32 $3.906250000e-03, v56;
	v4 =	vmul.f32 v53, v41;
	v60 =	vshra.s32 v43, $0x1  }
0x12b: {  	v52 =	vmul.f32 $5.000000000e-01, v43;
	v43 =	vld.idx.msk [tilespmem:v32+s4+$0x0], $0xffff;
	v32 =	vor.u32 $0x1, v32;
	(erf) = vrcp.f32 v61  }
0x12c: {  	v37 =	vsub.f32 v58, v63;
	v39 =	vsub.s32 $0x5F3759DF, v57;
	v40 =	vsub.s32 $0x5F3759DF, v60  }
0x12d: {  	v63 =	vshra.s32 v38, $0x1;
	v38 =	vmul.f32 $5.000000000e-01, v38;
	v62 =	vshll.u32 v44, $0x10  }
0x12e: {  	v58 =	vmul.f32 v53, v4;
	v4 =	vsub.f32 $1.500000000e+00, v46;
	v46 =	vld.idx.msk [tilespmem:v21+s15+$0x0], $0xffff;
	v21 =	vor.u32 $0x1, v21  }
0x12f: {  	v44 =	vand.u32 $0xFFFF0000, v44;
	v2 =	vmul.f32 v39, v51;
	v3 =	vmul.f32 v40, v52  }
0x130: {  	v55 =	vsub.s32 $0x5F3759DF, v63;
	v63 =	vsub.f32 $1.500000000e+00, v45;
	v37 =	vadd.f32 $9.999999740e-06, v37  }
0x131: {  	v60 =	vmul.f32 v55, v38;
	v58 =	vsub.f32 $1.500000000e+00, v58;
	v4 =	vmul.f32 v48, v4  }
0x132: {  	v31 =	vld.idx.msk [tilespmem:v31+s4+$0x0], $0xffff;
	v56 =	vmul.f32 v39, v2;
	v54 =	vmul.f32 $5.000000000e-01, v37;
	v37 =	vshra.s32 v37, $0x1  }
0x133: {  	v33 =	vld.idx.msk [tilespmem:v33+s15+$0x0], $0xffff;
	v57 =	vmul.f32 v40, v3;
	v49 =	vmul.f32 v49, v63;
	v37 =	vsub.s32 $0x5F3759DF, v37  }
0x134: {  	s5 =	sadd.s32 $0x200, s19;
	v45 =	vld.idx.msk [tilespmem:v20+s4+$0x0], $0xffff;
	v20 =	vor.u32 $0x1, v20;
	v60 =	vmul.f32 v55, v60;
	v5 =	vmul.f32 v37, v54;
	v3 =	vpop (erf)  }
0x135: {  	v48 =	vld.idx.msk [tilespmem:v22+s4+$0x0], $0xffff;
	v22 =	vor.u32 $0x1, v22;
	v53 =	vmul.f32 v53, v58;
	v50 =	vmul.f32 v4, v50;
	[tilespmem:s5+$0xFFFFFF70] =	vst v3  }
0x136: {  	v56 =	vsub.f32 $1.500000000e+00, v56;
	v59 =	vmul.f32 v37, v5;
	v3 =	vsub.f32 $1.500000000e+00, v57;
	v57 =	vld.idx.msk [tilespmem:v1+s16+$0x0], $0xffff  }
0x137: {  	v58 =	vld.idx.msk [tilespmem:v25+s15+$0x0], $0xffff;
	v25 =	vor.u32 $0x1, v25;
	v60 =	vsub.f32 $1.500000000e+00, v60;
	v41 =	vmul.f32 v53, v41  }
0x138: {  	v50 =	vmul.f32 v50, v4;
	v39 =	vmul.f32 v39, v56;
	v63 =	vsub.f32 $1.500000000e+00, v59  }
0x139: {  	v56 =	vld.idx.msk [tilespmem:v24+s4+$0x0], $0xffff;
	v24 =	vor.u32 $0x1, v24;
	v61 =	vshll.u32 v43, $0x10;
	v41 =	vmul.f32 v41, v53  }
0x13a: {  	v50 =	vsub.f32 $1.500000000e+00, v50;
	v36 =	vmul.f32 v37, v63;
	v63 =	vmul.f32 v49, v47  }
0x13b: {  	v51 =	vmul.f32 v39, v51;
	v41 =	vsub.f32 $1.500000000e+00, v41;
	v35 =	vadd.f32 v35, v57  }
0x13c: {  	v61 =	vadd.f32 v62, v61;
	v47 =	vmul.f32 v55, v60;
	v37 =	vmul.f32 v63, v49  }
0x13d: {  	v51 =	vmul.f32 v51, v39;
	v41 =	vmul.f32 v41, v53;
	v35 =	vsub.f32 $0.0e+00, v35  }
0x13e: {  	v59 =	vld.idx.msk [tilespmem:v23+s15+$0x0], $0xffff;
	v54 =	vmul.f32 v36, v54;
	v38 =	vmul.f32 v47, v38;
	v37 =	vsub.f32 $1.500000000e+00, v37  }
0x13f: {  	v55 =	vshll.u32 v46, $0x10;
	v3 =	vmul.f32 v40, v3;
	v35 =	vmul.f32 $1.442695020e+00, v35  }
0x140: {  	v2 =	vsub.f32 $1.500000000e+00, v51;
	v54 =	vmul.f32 v54, v36;
	v49 =	vmul.f32 v37, v49  }
0x141: {  	v5 =	vld.idx.msk [tilespmem:v27+s4+$0x0], $0xffff;
	v40 =	vshll.u32 v45, $0x10;
	v52 =	vmul.f32 v3, v52;
	(erf) = vpow2.f32 v35  }
0x142: {  	v37 =	vmul.f32 v38, v47;
	v51 =	vadd.f32 v55, v40;
	v40 =	vmul.f32 v50, v4;
	v4 =	vld.idx.msk [tilespmem:v29+s15+$0x0], $0xffff  }
0x143: {  	v60 =	vshll.u32 v59, $0x10;
	v39 =	vmul.f32 v2, v39;
	v52 =	vmul.f32 v52, v3  }
0x144: {  	v62 =	vld.idx.msk [tilespmem:v26+s15+$0x0], $0xffff;
	v54 =	vsub.f32 $1.500000000e+00, v54;
	v37 =	vsub.f32 $1.500000000e+00, v37;
	v51 =	vmul.f32 v40, v51  }
0x145: {  	v63 =	vld.idx.msk [tilespmem:v28+s4+$0x0], $0xffff;
	v50 =	vshll.u32 v58, $0x10;
	v57 =	vshll.u32 v48, $0x10;
	v52 =	vsub.f32 $1.500000000e+00, v52  }
0x146: {  	v55 =	vld.idx.msk [tilespmem:v30+s4+$0x0], $0xffff;
	v57 =	vadd.f32 v60, v57;
	v60 =	vshll.u32 v5, $0x10;
	v51 =	vadd.f32 v51, v42  }
0x147: {  	v2 =	vshll.u32 v4, $0x10;
	v38 =	vmul.f32 v52, v3;
	v3 =	vld.idx.msk [tilespmem:v34+s15+$0x0], $0xffff;
	v35 =	vshll.u32 v56, $0x10  }
0x148: {  	v50 =	vadd.f32 v50, v35;
	v35 =	vmul.f32 v37, v47;
	v37 =	vmul.f32 v49, v61  }
0x149: {  	v53 =	vshll.u32 v62, $0x10;
	v36 =	vmul.f32 v54, v36;
	v54 =	vadd.f32 v2, v60  }
0x14a: {  	v51 =	vsub.f32 $0.0e+00, v51;
	v52 =	vshll.u32 v63, $0x10;
	v37 =	vadd.f32 v37, v42;
	v61 =	vpop (erf)  }
0x14b: {  	v57 =	vmul.f32 v39, v57;
	v47 =	vadd.f32 v53, v52;
	v52 =	vadd.f32 $1.000000000e+00, v61  }
0x14c: {  	v53 =	vshll.u32 v55, $0x10;
	v2 =	vshll.u32 v3, $0x10;
	v37 =	vsub.f32 $0.0e+00, v37  }
0x14d: {  	v50 =	vmul.f32 v38, v50;
	(erf) = vrcp.f32 v52;
	v52 =	vadd.f32 v57, v42  }
0x14e: {  	v47 =	vmul.f32 v41, v47;
	v53 =	vadd.f32 v2, v53;
	v37 =	vmul.f32 $1.442695020e+00, v37  }
0x14f: {  	v51 =	vmul.f32 $1.442695020e+00, v51;
	v50 =	vadd.f32 v50, v42;
	v2 =	vsub.f32 $0.0e+00, v52  }
0x150: {  	v54 =	vmul.f32 v36, v54;
	v60 =	vadd.f32 v47, v42;
	(erf) = vpow2.f32 v37  }
0x151: {  	v50 =	vsub.f32 $0.0e+00, v50;
	(erf) = vpow2.f32 v51;
	v51 =	vmul.f32 $1.442695020e+00, v2  }
0x152: {  	v27 =	vor.u32 $0x1, v27;
	v53 =	vmul.f32 v35, v53;
	v61 =	vadd.f32 v54, v42  }
0x153: {  	v50 =	vmul.f32 $1.442695020e+00, v50;
	v37 =	vsub.f32 $0.0e+00, v60;
	(erf) = vpow2.f32 v51  }
0x154: {  	v43 =	vand.u32 $0xFFFF0000, v43;
	v26 =	vor.u32 $0x1, v26;
	v47 =	vsub.f32 $0.0e+00, v61  }
0x155: {  	v42 =	vadd.f32 v53, v42;
	v37 =	vmul.f32 $1.442695020e+00, v37;
	(erf) = vpow2.f32 v50  }
0x156: {  	v23 =	vor.u32 $0x1, v23;
	v46 =	vand.u32 $0xFFFF0000, v46;
	v47 =	vmul.f32 $1.442695020e+00, v47  }
0x157: {  	v28 =	vor.u32 $0x1, v28;
	v42 =	vsub.f32 $0.0e+00, v42;
	(erf) = vpow2.f32 v37  }
0x158: {  	v45 =	vand.u32 $0xFFFF0000, v45;
	v29 =	vor.u32 $0x1, v29;
	v53 =	vpop (erf);
	(erf) = vpow2.f32 v47  }
0x159: {  	v30 =	vor.u32 $0x1, v30;
	v48 =	vand.u32 $0xFFFF0000, v48;
	v52 =	vmul.f32 $1.442695020e+00, v42;
	[tilespmem:s5+$0xFFFFFFF0] =	vst v53;
	v60 =	vpop (erf)  }
0x15a: {  	v54 =	vshll.u32 v31, $0x10;
	v57 =	vshll.u32 v33, $0x10;
	v42 =	vld.idx.msk [tilespmem:v0+s16+$0x0], $0xffff;
	v47 =	vadd.f32 $1.000000000e+00, v60;
	v61 =	vpop (erf)  }
0x15b: {  	v37 =	vadd.f32 v57, v54;
	(erf) = vpow2.f32 v52;
	v52 =	vadd.f32 $1.000000000e+00, v61  }
0x15c: {  	v5 =	vand.u32 $0xFFFF0000, v5;
	v4 =	vand.u32 $0xFFFF0000, v4;
	(erf) = vrcp.f32 v47;
	v2 =	vpop (erf)  }
0x15d: {  	v37 =	vmul.f32 v9, v37;
	v47 =	vld.idx.msk [tilespmem:v20+s4+$0x0], $0xffff;
	(erf) = vrcp.f32 v52;
	v20 =	vadd.f32 $1.000000000e+00, v2  }
0x15e: {  	v8 =	vld.idx.msk [tilespmem:v8+s15+$0x0], $0xffff;
	v4 =	vadd.f32 v4, v5;
	v55 =	vand.u32 $0xFFFF0000, v55;
	v53 =	vand.u32 $0xFFFF0000, v58;
	v58 =	vpop (erf)  }
0x15f: {  	v3 =	vand.u32 $0xFFFF0000, v3;
	v52 =	vld.idx.msk [tilespmem:v21+s15+$0x0], $0xffff;
	v37 =	vadd.f32 v37, v42;
	v21 =	vadd.f32 $1.000000000e+00, v58  }
0x160: {  	v22 =	vld.idx.msk [tilespmem:v22+s4+$0x0], $0xffff;
	v3 =	vadd.f32 v3, v55;
	v50 =	vand.u32 $0xFFFF0000, v59;
	v59 =	vpop (erf);
	(erf) = vrcp.f32 v20  }
0x161: {  	v32 =	vld.idx.msk [tilespmem:v32+s4+$0x0], $0xffff;
	v42 =	vadd.f32 $1.000000000e+00, v59;
	v37 =	vsub.f32 $0.0e+00, v37;
	(erf) = vrcp.f32 v21;
	v20 =	vpop (erf)  }
0x162: {  	v25 =	vld.idx.msk [tilespmem:v25+s15+$0x0], $0xffff;
	v51 =	vand.u32 $0xFFFF0000, v56;
	v54 =	vand.u32 $0xFFFF0000, v63;
	v20 =	vadd.f32 $1.000000000e+00, v20  }
0x163: {  	v24 =	vld.idx.msk [tilespmem:v24+s4+$0x0], $0xffff;
	v63 =	vand.u32 $0xFFFF0000, v62;
	v37 =	vmul.f32 $1.442695020e+00, v37;
	(erf) = vrcp.f32 v42  }
0x164: {  	v26 =	vld.idx.msk [tilespmem:v26+s15+$0x0], $0xffff;
	v60 =	vadd.f32 v44, v43;
	v44 =	vadd.f32 v50, v48;
	v21 =	vpop (erf);
	(erf) = vrcp.f32 v20  }
0x165: {  	v23 =	vld.idx.msk [tilespmem:v23+s15+$0x0], $0xffff;
	v43 =	vshll.u32 v8, $0x10;
	v50 =	vshll.u32 v22, $0x10;
	v62 =	vpop (erf);
	(erf) = vpow2.f32 v37  }
0x166: {  	v28 =	vld.idx.msk [tilespmem:v28+s4+$0x0], $0xffff;
	v61 =	vadd.f32 v46, v45;
	v45 =	vadd.f32 v63, v54;
	v2 =	vshll.u32 v47, $0x10;
	[tilespmem:s5+$0xFFFFFF00] =	vst v62;
	v63 =	vpop (erf)  }
0x167: {  	v42 =	vshll.u32 v32, $0x10;
	v21 =	vadd.f32 $1.000000000e+00, v21;
	v37 =	vadd.f32 v53, v51;
	v51 =	vld.idx.msk [tilespmem:v1+s16+$0x0], $0xffff;
	[tilespmem:s5+$0xFFFFFF10] =	vst v63  }
0x168: {  	v5 =	vmul.f32 v49, v60;
	v60 =	vshll.u32 v52, $0x10;
	v42 =	vadd.f32 v43, v42;
	v56 =	vld.idx.msk [tilespmem:v1+s16+$0x0], $0xffff  }
0x169: {  	(erf) = vrcp.f32 v21;
	v21 =	vld.idx.msk [tilespmem:v29+s15+$0x0], $0xffff;
	v29 =	vmul.f32 v40, v61;
	v61 =	vshll.u32 v25, $0x10;
	v62 =	vpop (erf)  }
0x16a: {  	v43 =	vadd.f32 v60, v2;
	v20 =	vld.idx.msk [tilespmem:v27+s4+$0x0], $0xffff;
	v27 =	vshll.u32 v23, $0x10;
	v53 =	vshll.u32 v24, $0x10;
	[tilespmem:s5+$0xFFFFFF20] =	vst v62;
	v2 =	vpop (erf)  }
0x16b: {  	v34 =	vor.u32 $0x1, v34;
	v27 =	vadd.f32 v27, v50;
	v50 =	vadd.f32 v61, v53;
	v53 =	vld.idx.msk [tilespmem:v1+s16+$0x0], $0xffff;
	[tilespmem:s5+$0xFFFFFF30] =	vst v2  }
0x16c: {  	v44 =	vmul.f32 v39, v44;
	v45 =	vmul.f32 v41, v45;
	v61 =	vpop (erf);
	v5 =	vadd.f32 v5, v51;
	v58 =	vld.idx.msk [tilespmem:v1+s16+$0x0], $0xffff  }
0x16d: {  	v60 =	vshll.u32 v26, $0x10;
	v63 =	vshll.u32 v28, $0x10;
	[tilespmem:s5+$0xFFFFFF40] =	vst v61;
	v29 =	vadd.f32 v29, v56;
	v2 =	vpop (erf)  }
0x16e: {  	v48 =	vadd.f32 v60, v63;
	v37 =	vmul.f32 v38, v37;
	v61 =	vld.idx.msk [tilespmem:v1+s16+$0x0], $0xffff;
	v5 =	vsub.f32 $0.0e+00, v5;
	v59 =	vpop (erf)  }
0x16f: {  	v62 =	vshll.u32 v20, $0x10;
	v29 =	vsub.f32 $0.0e+00, v29;
	v51 =	vadd.f32 $1.000000000e+00, v59  }
0x170: {  	v63 =	vshll.u32 v21, $0x10;
	v5 =	vmul.f32 $1.442695020e+00, v5;
	v44 =	vadd.f32 v44, v53  }
0x171: {  	v29 =	vmul.f32 $1.442695020e+00, v29;
	v37 =	vadd.f32 v37, v58;
	(erf) = vrcp.f32 v51  }
0x172: {  	v30 =	vld.idx.msk [tilespmem:v30+s4+$0x0], $0xffff;
	v55 =	vadd.f32 v63, v62;
	[tilespmem:s5+$0xFFFFFF50] =	vst v2;
	v44 =	vsub.f32 $0.0e+00, v44;
	(erf) = vpow2.f32 v5  }
0x173: {  	v62 =	vld.idx.msk [tilespmem:v1+s16+$0x0], $0xffff;
	v58 =	vadd.f32 v45, v61;
	(erf) = vpow2.f32 v29;
	v29 =	vsub.f32 $0.0e+00, v37  }
0x174: {  	v34 =	vld.idx.msk [tilespmem:v34+s15+$0x0], $0xffff;
	v60 =	vpop (erf);
	v57 =	vmul.f32 $1.442695020e+00, v44  }
0x175: {  	[tilespmem:s5+$0xFFFFFF60] =	vst v60;
	v44 =	vsub.f32 $0.0e+00, v58;
	v29 =	vmul.f32 $1.442695020e+00, v29  }
0x176: {  	v4 =	vmul.f32 v36, v4;
	v63 =	vld.idx.msk [tilespmem:v1+s16+$0x0], $0xffff;
	(erf) = vpow2.f32 v57  }
0x177: {  	(erf) = vpow2.f32 v29;
	v29 =	vmul.f32 $1.442695020e+00, v44  }
0x178: {  	v3 =	vmul.f32 v35, v3;
	v4 =	vadd.f32 v4, v62;
	v62 =	vimm.s32 $0x3  }
0x179: {  	v8 =	vand.u32 $0xFFFF0000, v8;
	v56 =	vshll.u32 v34, $0x10;
	v2 =	vshll.u32 v30, $0x10  }
0x17a: {  	v54 =	vadd.f32 v56, v2;
	v59 =	vand.u32 $0xFFFF0000, v32;
	(erf) = vpow2.f32 v29  }
0x17b: {  	v56 =	vimm.s32 $0x3;
	v3 =	vadd.f32 v3, v63;
	v4 =	vsub.f32 $0.0e+00, v4;
	v29 =	vpop (erf)  }
0x17c: {  	v60 =	vand.u32 $0xFFFF0000, v47;
	v47 =	vand.u32 $0xFFFF0000, v28;
	v37 =	vand.u32 $0xFFFF0000, v31;
	[tilespmem:s5+$0x70] =	vst v29  }
0x17d: {  	v44 =	vand.u32 $0xFFFF0000, v33;
	v3 =	vsub.f32 $0.0e+00, v3;
	v4 =	vmul.f32 $1.442695020e+00, v4;
	v63 =	vld.idx.msk [tilespmem:v62+s16+$0x0], $0xffff  }
0x17e: {  	v61 =	vand.u32 $0xFFFF0000, v52;
	v5 =	vadd.f32 v8, v59;
	v45 =	vadd.f32 v44, v37  }
0x17f: {  	[tilespmem:s19+$0x0] =	vst v10;
	v8 =	vadd.f32 v61, v60;
	v3 =	vmul.f32 $1.442695020e+00, v3;
	(erf) = vpow2.f32 v4;
	v28 =	vpop (erf)  }
0x180: {  	[tilespmem:s19+$0x10] =	vst v19;
	v9 =	vmul.f32 v9, v45;
	v51 =	vadd.f32 $1.000000000e+00, v28;
	v28 =	vpop (erf)  }
0x181: {  	[tilespmem:s19+$0x20] =	vst v18;
	v31 =	vmul.f32 v40, v8;
	(erf) = vpow2.f32 v3;
	v8 =	vadd.f32 $1.000000000e+00, v28;
	v28 =	vpop (erf)  }
0x182: {  	[tilespmem:s19+$0x30] =	vst v6;
	v53 =	vpop (erf);
	v9 =	vadd.f32 v9, v63  }
0x183: {  	[tilespmem:s19+$0x40] =	vst v17;
	v22 =	vand.u32 $0xFFFF0000, v22;
	v26 =	vand.u32 $0xFFFF0000, v26;
	v52 =	vadd.f32 $1.000000000e+00, v28;
	v10 =	vpop (erf)  }
0x184: {  	[tilespmem:s19+$0x50] =	vst v16;
	v18 =	vld.idx.msk [tilespmem:v56+s16+$0x0], $0xffff;
	(erf) = vrcp.f32 v51;
	v10 =	vadd.f32 $1.000000000e+00, v10;
	v9 =	vsub.f32 $0.0e+00, v9  }
0x185: {  	[tilespmem:s19+$0x60] =	vst v7;
	v23 =	vand.u32 $0xFFFF0000, v23;
	v17 =	vld.idx.msk [tilespmem:v56+s16+$0x0], $0xffff;
	(erf) = vrcp.f32 v8;
	v8 =	vadd.f32 $1.000000000e+00, v53  }
0x186: {  	v57 =	vimm.s32 $0x3;
	v59 =	vld [tilespmem:$0x1FFD0];
	(erf) = vrcp.f32 v52;
	v9 =	vmul.f32 $1.442695020e+00, v9  }
0x187: {  	v46 =	vmul.f32 v49, v42;
	v24 =	vand.u32 $0xFFFF0000, v24;
	(erf) = vrcp.f32 v8;
	v8 =	vld.idx.msk [tilespmem:v56+s16+$0x0], $0xffff  }
0x188: {  	v20 =	vand.u32 $0xFFFF0000, v20;
	v21 =	vand.u32 $0xFFFF0000, v21;
	v62 =	vld [tilespmem:$0x1FFE0];
	(erf) = vrcp.f32 v10;
	v10 =	vpop (erf)  }
0x189: {  	v25 =	vand.u32 $0xFFFF0000, v25;
	v20 =	vadd.f32 v21, v20;
	v21 =	vld.idx.msk [tilespmem:v56+s16+$0x0], $0xffff;
	v10 =	vadd.f32 $1.000000000e+00, v10  }
0x18a: {  	v22 =	vadd.f32 v23, v22;
	v23 =	vadd.f32 v25, v24;
	v16 =	vld.idx.msk [tilespmem:v56+s16+$0x0], $0xffff;
	(erf) = vpow2.f32 v9;
	v9 =	vpop (erf)  }
0x18b: {  	v27 =	vmul.f32 v39, v27;
	(erf) = vrcp.f32 v10;
	v10 =	vld.idx.msk [tilespmem:v57+s16+$0x0], $0xffff;
	v9 =	vadd.f32 $1.000000000e+00, v9  }
0x18c: {  	v19 =	vmul.f32 v38, v50;
	v25 =	vadd.f32 v26, v47;
	v60 =	vadd.f32 v59, v8  }
0x18d: {  	v12 =	vadd.f32 v12, v17;
	v28 =	vmul.f32 v36, v55;
	v18 =	vadd.f32 v62, v18  }
0x18e: {  	v36 =	vmul.f32 v36, v20;
	v20 =	vsub.f32 $0.0e+00, v60;
	(erf) = vrcp.f32 v9  }
0x18f: {  	v32 =	vmul.f32 v39, v22;
	v13 =	vadd.f32 v13, v16;
	v16 =	vsub.f32 $0.0e+00, v18;
	v9 =	vpop (erf)  }
0x190: {  	v11 =	vadd.f32 v11, v21;
	v61 =	vld.idx.msk [tilespmem:v57+s16+$0x0], $0xffff;
	v10 =	vadd.f32 v14, v10;
	v14 =	vmul.f32 $1.442695020e+00, v20;
	[tilespmem:s5+$0xFFFFFF80] =	vst v9  }
0x191: {  	v22 =	vmul.f32 v41, v48;
	v12 =	vsub.f32 $0.0e+00, v12;
	v16 =	vmul.f32 $1.442695020e+00, v16;
	v21 =	vpop (erf);
	v18 =	vld.idx.msk [tilespmem:v0+s16+$0x0], $0xffff  }
0x192: {  	v58 =	vand.u32 $0xFFFF0000, v34;
	v34 =	vmul.f32 v41, v25;
	v11 =	vsub.f32 $0.0e+00, v11;
	v20 =	vpop (erf)  }
0x193: {  	v29 =	vmul.f32 v40, v43;
	v12 =	vmul.f32 $1.442695020e+00, v12;
	[tilespmem:s5+$0xFFFFFF90] =	vst v21;
	v21 =	vpop (erf)  }
0x194: {  	v13 =	vsub.f32 $0.0e+00, v13;
	v11 =	vmul.f32 $1.442695020e+00, v11;
	(erf) = vpow2.f32 v14;
	[tilespmem:s5+$0xFFFFFFA0] =	vst v20;
	v20 =	vld.idx.msk [tilespmem:v0+s16+$0x0], $0xffff;
	v14 =	vpop (erf)  }
0x195: {  	v15 =	vadd.f32 v15, v61;
	v10 =	vsub.f32 $0.0e+00, v10;
	(erf) = vpow2.f32 v16;
	[tilespmem:s5+$0xFFFFFFB0] =	vst v21;
	v21 =	vld.idx.msk [tilespmem:v0+s16+$0x0], $0xffff;
	v16 =	vpop (erf)  }
0x196: {  	(erf) = vpow2.f32 v11;
	[tilespmem:s5+$0xFFFFFFC0] =	vst v14;
	v14 =	vadd.f32 $1.000000000e+00, v16;
	v16 =	vadd.f32 v46, v18;
	v18 =	vpop (erf)  }
0x197: {  	v13 =	vmul.f32 $1.442695020e+00, v13;
	v15 =	vsub.f32 $0.0e+00, v15;
	v11 =	vld.idx.msk [tilespmem:v0+s16+$0x0], $0xffff;
	(erf) = vpow2.f32 v12;
	[tilespmem:s5+$0xFFFFFFD0] =	vst v18;
	v12 =	vpop (erf)  }
0x198: {  	v10 =	vmul.f32 $1.442695020e+00, v10;
	(erf) = vrcp.f32 v14;
	[tilespmem:s5+$0xFFFFFFE0] =	vst v12;
	v12 =	vld.idx.msk [tilespmem:v0+s16+$0x0], $0xffff;
	v14 =	vsub.f32 $0.0e+00, v16  }
0x199: {  	v15 =	vmul.f32 $1.442695020e+00, v15;
	v18 =	vld.idx.msk [tilespmem:v0+s16+$0x0], $0xffff;
	v16 =	vadd.f32 v29, v20;
	(erf) = vpow2.f32 v13  }
0x19a: {  	v20 =	vadd.f32 v27, v21;
	(erf) = vpow2.f32 v10;
	v10 =	vmul.f32 $1.442695020e+00, v14  }
0x19b: {  	v17 =	vmul.f32 v35, v54;
	v13 =	vld.idx.msk [tilespmem:v0+s16+$0x0], $0xffff;
	(erf) = vpow2.f32 v15;
	v14 =	vsub.f32 $0.0e+00, v16  }
0x19c: {  	v11 =	vadd.f32 v19, v11;
	(erf) = vpow2.f32 v10;
	v10 =	vsub.f32 $0.0e+00, v20  }
0x19d: {  	v33 =	vmul.f32 v49, v5;
	v14 =	vmul.f32 $1.442695020e+00, v14;
	v12 =	vadd.f32 v28, v12  }
0x19e: {  	v11 =	vsub.f32 $0.0e+00, v11;
	v15 =	vadd.f32 v22, v18;
	v10 =	vmul.f32 $1.442695020e+00, v10  }
0x19f: {  	v37 =	vmul.f32 v38, v23;
	v23 =	vand.u32 $0xFFFF0000, v30;
	v16 =	vpop (erf);
	v12 =	vsub.f32 $0.0e+00, v12  }
0x1a0: {  	v63 =	vld [tilespmem:$0x1FFF0];
	v11 =	vmul.f32 $1.442695020e+00, v11;
	v15 =	vsub.f32 $0.0e+00, v15;
	v13 =	vadd.f32 v17, v13;
	v17 =	vpop (erf)  }
0x1a1: {  	v23 =	vadd.f32 v58, v23;
	(erf) = vpow2.f32 v14;
	v14 =	vpop (erf);
	v19 =	vmul.f32 $1.442695020e+00, v12  }
0x1a2: {  	v15 =	vmul.f32 $1.442695020e+00, v15;
	(erf) = vpow2.f32 v10;
	v10 =	vpop (erf)  }
0x1a3: {  	s31 =	smov.u32 s7;
	p1 =	por !p1, p0;
	s12 =	sadd.s32 @!p2 $0x1, s7;
	v23 =	vmul.f32 v35, v23;
	v13 =	vsub.f32 $0.0e+00, v13;
	(erf) = vpow2.f32 v11;
	v18 =	vpop (erf)  }
0x1a4: {  	s7 =	smov.u32 @p1 s12;
	s12 =	sadd.s32 s6, s21;
	s11 =	simm.s32 $0x0;
	v11 =	vadd.f32 $1.000000000e+00, v16;
	v12 =	vadd.f32 $1.000000000e+00, v17;
	(erf) = vpow2.f32 v15;
	v17 =	vpop (erf)  }
0x1a5: {  	s7 =	smov.u32 @p0 s31;
	s31 =	simm.s32 $0x80;
	s11 =	simm.s32 @p1 $0x1;
	[tilespmem:s19+$0xF0] =	vst v63;
	v15 =	vadd.f32 $1.000000000e+00, v14;
	v10 =	vadd.f32 $1.000000000e+00, v10;
	(erf) = vpow2.f32 v19;
	v19 =	vpop (erf)  }
0x1a6: {  	s8 =	sadd.s32 $0x14D80, s8;
	s11 =	simm.s32 @p0 $0x0;
	s14 =	sadd.s32 $0x80, s14;
	v16 =	vmul.f32 $1.442695020e+00, v13;
	[tilespmem:s5+$0xF0] =	vst v18;
	v14 =	vadd.f32 $1.000000000e+00, v17;
	v13 =	vadd.f32 $1.000000000e+00, v19  }
.LBB2_3:
0x1a7: {  	v17 =	vld [tilespmem:s14+$0x30]  }
0x1a8: {  	v20 =	vld [tilespmem:s14+$0xFFFFFFE0]  }
0x1a9: {  	v41 =	vld [tilespmem:s14+$0x10]  }
0x1aa: {  	s20 =	sadd.s32 $0x80, s20;
	v55 =	vld [tilespmem:s14+$0x20]  }
0x1ab: {  	v18 =	vld [tilespmem:s20+$0x30]  }
0x1ac: {  	(erf) = vpow2.f32 v16;
	v21 =	vld [tilespmem:s20+$0xFFFFFFE0];
	v16 =	vpop (erf)  }
0x1ad: {  	v52 =	vld [tilespmem:s20+$0x10];
	v19 =	vpop (erf);
	(erf) = vrcp.f32 v11  }
0x1ae: {  	v0 =	vadd.f32 $1.000000000e+00, v16;
	v16 =	vld [tilespmem:s20+$0xFFFFFFC0];
	(erf) = vrcp.f32 v12  }
0x1af: {  	v11 =	vadd.f32 $1.000000000e+00, v19;
	v19 =	vld [tilespmem:s14+$0xFFFFFFD0];
	v12 =	vpop (erf);
	(erf) = vrcp.f32 v15  }
0x1b0: {  	v15 =	vld [tilespmem:s20+$0xFFFFFFD0];
	v40 =	vadd.f32 $1.000000000e+00, v12;
	v38 =	vshll.u32 v20, $0x2;
	v41 =	vshll.u32 v41, $0x2  }
0x1b1: {  	v62 =	vld [tilespmem:s20+$0x20];
	v12 =	vpop (erf);
	(erf) = vrcp.f32 v11;
	v11 =	vshll.u32 v17, $0x2;
	v1 =	vor.u32 $0x2, v41  }
0x1b2: {  	v20 =	vld [tilespmem:s20+$0x0];
	v39 =	vadd.f32 $1.000000000e+00, v12;
	v12 =	vshll.u32 v18, $0x2;
	v18 =	vor.u32 $0x2, v11  }
0x1b3: {  	v17 =	vpop (erf);
	v22 =	vor.u32 $0x3, v11;
	v29 =	vshll.u32 v16, $0x2;
	v16 =	vld [tilespmem:s14+$0xFFFFFFF0]  }
0x1b4: {  	[tilespmem:$0x1FF50] =	vst v31;
	v28 =	vadd.f32 $1.000000000e+00, v17;
	v17 =	vor.u32 $0x2, v12;
	v30 =	vshll.u32 v19, $0x2;
	v19 =	vld [tilespmem:s20+$0xFFFFFFF0]  }
0x1b5: {  	[tilespmem:$0x1FF70] =	vst v32;
	(erf) = vrcp.f32 v10;
	v10 =	vpop (erf);
	v31 =	vor.u32 $0x3, v12;
	v32 =	vshll.u32 v15, $0x2;
	v15 =	vld [tilespmem:s14+$0x0]  }
0x1b6: {  	[tilespmem:$0x1FF80] =	vst v37;
	v58 =	vpop (erf);
	v26 =	vor.u32 $0x2, v30;
	v1 =	vld.idx.msk [tilespmem:v1+s4+$0x0], $0xffff  }
0x1b7: {  	[tilespmem:$0x1FF30] =	vst v33;
	v57 =	vpop (erf);
	v33 =	vor.u32 $0x2, v32;
	v18 =	vld.idx.msk [tilespmem:v18+s4+$0x0], $0xffff  }
0x1b8: {  	[tilespmem:$0x1FFA0] =	vst v34;
	v34 =	vor.u32 $0x2, v38;
	v25 =	vpop (erf);
	v48 =	vld.idx.msk [tilespmem:v22+s4+$0x0], $0xffff  }
0x1b9: {  	[tilespmem:$0x1FFB0] =	vst v36;
	v35 =	vshll.u32 v21, $0x2;
	v37 =	vshll.u32 v20, $0x2;
	v21 =	vpop (erf);
	v27 =	vshll.u32 v16, $0x2;
	v16 =	vld.idx.msk [tilespmem:v17+s15+$0x0], $0xffff  }
0x1ba: {  	v61 =	vor.u32 $0x2, v37;
	v31 =	vld.idx.msk [tilespmem:v31+s15+$0x0], $0xffff;
	[tilespmem:s19+$0x90] =	vst v21  }
0x1bb: {  	v46 =	vor.u32 $0x3, v38;
	[tilespmem:s19+$0x80] =	vst v25;
	v17 =	vpop (erf);
	v36 =	vshll.u32 v19, $0x2;
	v19 =	vor.u32 $0x2, v27;
	v26 =	vld.idx.msk [tilespmem:v26+s4+$0x0], $0xffff  }
0x1bc: {  	v54 =	vor.u32 $0x3, v41;
	v56 =	vor.u32 $0x2, v35;
	v21 =	vpop (erf);
	[tilespmem:s19+$0xA0] =	vst v17;
	v59 =	vor.u32 $0x2, v36;
	v33 =	vld.idx.msk [tilespmem:v33+s15+$0x0], $0xffff  }
0x1bd: {  	v49 =	vor.u32 $0x3, v35;
	v6 =	vadd.f32 $1.000000000e+00, v10;
	v24 =	vor.u32 $0x2, v29;
	[tilespmem:s5+$0x0] =	vst v21;
	v2 =	vld.idx.msk [tilespmem:v34+s4+$0x0], $0xffff  }
0x1be: {  	v50 =	vor.u32 $0x3, v29;
	v25 =	vshll.u32 v15, $0x2;
	v15 =	vpop (erf);
	v63 =	vld [tilespmem:s14+$0xFFFFFFC0];
	v53 =	vadd.f32 v16, v18  }
0x1bf: {  	v58 =	vadd.f32 $1.000000000e+00, v58;
	v42 =	vor.u32 $0x3, v30;
	v61 =	vld.idx.msk [tilespmem:v61+s15+$0x0], $0xffff;
	[tilespmem:s19+$0xB0] =	vst v15;
	v48 =	vadd.f32 v31, v48  }
0x1c0: {  	[tilespmem:$0x1FEB0] =	vst v6;
	v6 =	vld.idx.msk [tilespmem:v19+s4+$0x0], $0xffff;
	v31 =	vmul.f32 $3.906250000e-03, v53;
	v53 =	vshll.u32 v52, $0x2;
	v52 =	vshll.u32 v55, $0x2  }
0x1c1: {  	v7 =	vor.u32 $0x1, v36;
	v55 =	vshll.u32 v62, $0x2;
	v59 =	vld.idx.msk [tilespmem:v59+s15+$0x0], $0xffff;
	v62 =	vor.u32 $0x2, v52  }
0x1c2: {  	[tilespmem:$0x1FED0] =	vst v7;
	v7 =	vld.idx.msk [tilespmem:v24+s15+$0x0], $0xffff;
	v24 =	vmul.f32 $3.906250000e-03, v48;
	v4 =	vor.u32 $0x2, v55;
	v31 =	vmul.f32 v31, v31  }
0x1c3: {  	v60 =	vor.u32 $0x2, v25;
	(erf) = vrcp.f32 v40;
	v50 =	vld.idx.msk [tilespmem:v50+s15+$0x0], $0xffff;
	v48 =	vshll.u32 v63, $0x2  }
0x1c4: {  	(erf) = vrcp.f32 v39;
	v39 =	vld.idx.msk [tilespmem:v11+s4+$0x0], $0xffff;
	v24 =	vsub.f32 v24, v31;
	v31 =	vor.u32 $0x2, v48  }
0x1c5: {  	v45 =	vor.u32 $0x3, v32;
	v44 =	vor.u32 $0x3, v37;
	v57 =	vadd.f32 $1.000000000e+00, v57;
	v63 =	vld.idx.msk [tilespmem:v56+s15+$0x0], $0xffff  }
0x1c6: {  	v20 =	vor.u32 $0x1, v32;
	v6 =	vadd.f32 v59, v6;
	v19 =	vadd.f32 $9.999999740e-06, v24;
	v59 =	vld.idx.msk [tilespmem:v62+s4+$0x0], $0xffff  }
0x1c7: {  	v22 =	vor.u32 $0x1, v29;
	v3 =	vor.u32 $0x2, v53;
	v26 =	vadd.f32 v33, v26;
	v4 =	vld.idx.msk [tilespmem:v4+s15+$0x0], $0xffff  }
0x1c8: {  	[tilespmem:$0x1FFC0] =	vst v23;
	v60 =	vld.idx.msk [tilespmem:v60+s4+$0x0], $0xffff;
	v33 =	vmovc v13;
	v5 =	vor.u32 $0x3, v48;
	v13 =	vshra.s32 v19, $0x1;
	v23 =	vmul.f32 $5.000000000e-01, v19  }
0x1c9: {  	v51 =	vor.u32 $0x3, v27;
	(erf) = vrcp.f32 v28;
	v13 =	vsub.s32 $0x5F3759DF, v13;
	v31 =	vld.idx.msk [tilespmem:v31+s4+$0x0], $0xffff  }
0x1ca: {  	[tilespmem:$0x1FEC0] =	vst v0;
	v28 =	vld.msk [tilespmem:s16+$0x0], $0xffff;
	v15 =	vor.u32 $0x1, v55;
	v63 =	vadd.f32 v63, v2;
	v2 =	vmovc v14;
	v14 =	vmul.f32 v13, v23  }
0x1cb: {  	v47 =	vor.u32 $0x3, v36;
	v17 =	vor.u32 $0x1, v38;
	v0 =	vor.u32 $0x1, v53;
	[tilespmem:$0x1FEF0] =	vst v15;
	v15 =	vld [tilespmem:$0x1FEB0]  }
0x1cc: {  	v43 =	vor.u32 $0x3, v25;
	[tilespmem:$0x1FEE0] =	vst v0;
	v0 =	vld.idx.msk [tilespmem:v3+s15+$0x0], $0xffff;
	v4 =	vadd.f32 v4, v59;
	v14 =	vmul.f32 v13, v14  }
0x1cd: {  	v21 =	vor.u32 $0x1, v30;
	v40 =	vadd.f32 v61, v60;
	v5 =	vld.idx.msk [tilespmem:v5+s4+$0x0], $0xffff;
	v63 =	vmul.f32 $3.906250000e-03, v63  }
0x1ce: {  	v59 =	vmul.f32 $3.906250000e-03, v4;
	v4 =	vld.idx.msk [tilespmem:v51+s4+$0x0], $0xffff;
	v14 =	vsub.f32 $1.500000000e+00, v14;
	v7 =	vadd.f32 v7, v31  }
0x1cf: {  	v34 =	vor.u32 $0x1, v25;
	v60 =	vmul.f32 v63, v63;
	v31 =	vmul.f32 $3.906250000e-03, v40;
	v40 =	vld.idx.msk [tilespmem:v12+s15+$0x0], $0xffff  }
0x1d0: {  	v8 =	vor.u32 $0x3, v53;
	v13 =	vmul.f32 v13, v14;
	v63 =	vmul.f32 $3.906250000e-03, v7;
	v7 =	vld.idx.msk [tilespmem:v42+s4+$0x0], $0xffff  }
0x1d1: {  	v11 =	vor.u32 $0x1, v11;
	v18 =	vor.u32 $0x1, v35;
	v26 =	vmul.f32 $3.906250000e-03, v26;
	v42 =	vld.idx.msk [tilespmem:v46+s4+$0x0], $0xffff  }
0x1d2: {  	v9 =	vor.u32 $0x3, v52;
	v10 =	vor.u32 $0x3, v55;
	v46 =	vld.idx.msk [tilespmem:v47+s15+$0x0], $0xffff;
	v14 =	vmul.f32 v13, v23  }
0x1d3: {  	v26 =	vmul.f32 v26, v26;
	v62 =	vshll.u32 v39, $0x10;
	v0 =	vadd.f32 v0, v1;
	v23 =	vld.idx.msk [tilespmem:v45+s15+$0x0], $0xffff  }
0x1d4: {  	v6 =	vmul.f32 $3.906250000e-03, v6;
	v5 =	vadd.f32 v50, v5;
	v45 =	vld.idx.msk [tilespmem:v49+s15+$0x0], $0xffff;
	v14 =	vmul.f32 v14, v13  }
0x1d5: {  	v61 =	vpop (erf);
	v8 =	vld.idx.msk [tilespmem:v8+s15+$0x0], $0xffff;
	v0 =	vmul.f32 $3.906250000e-03, v0;
	v1 =	vmul.f32 v63, v63;
	v63 =	vshll.u32 v40, $0x10  }
0x1d6: {  	v5 =	vmul.f32 $3.906250000e-03, v5;
	[tilespmem:s5+$0x10] =	vst v61;
	v61 =	vadd.f32 v63, v62;
	v63 =	vld.idx.msk [tilespmem:v54+s4+$0x0], $0xffff;
	v14 =	vsub.f32 $1.500000000e+00, v14  }
0x1d7: {  	v16 =	vor.u32 $0x1, v27;
	v9 =	vld.idx.msk [tilespmem:v9+s4+$0x0], $0xffff;
	(erf) = vrcp.f32 v15;
	v50 =	vmul.f32 v0, v0  }
0x1d8: {  	v10 =	vld.idx.msk [tilespmem:v10+s15+$0x0], $0xffff;
	v1 =	vsub.f32 v5, v1;
	v4 =	vadd.f32 v46, v4;
	v0 =	vmul.f32 v14, v13  }
0x1d9: {  	v6 =	vmul.f32 v6, v6;
	v62 =	vld.idx.msk [tilespmem:v44+s15+$0x0], $0xffff;
	v7 =	vadd.f32 v23, v7;
	v42 =	vadd.f32 v45, v42;
	v13 =	vpop (erf)  }
0x1da: {  	v1 =	vadd.f32 $9.999999740e-06, v1;
	v23 =	vld.idx.msk [tilespmem:v43+s4+$0x0], $0xffff;
	(erf) = vrcp.f32 v58;
	[tilespmem:s5+$0x20] =	vst v13;
	v13 =	vmul.f32 v0, v61  }
0x1db: {  	v7 =	vmul.f32 $3.906250000e-03, v7;
	v15 =	vmul.f32 $3.906250000e-03, v42;
	v63 =	vadd.f32 v8, v63  }
0x1dc: {  	v49 =	vld [tilespmem:$0x1FEC0];
	v14 =	vpop (erf);
	(erf) = vrcp.f32 v57;
	v61 =	vmul.f32 $3.906250000e-03, v4;
	v13 =	vadd.f32 v13, v28  }
0x1dd: {  	v43 =	vld.idx.msk [tilespmem:v35+s15+$0x0], $0xffff;
	v35 =	vadd.f32 v10, v9;
	(erf) = vrcp.f32 v2;
	v7 =	vsub.f32 v7, v26  }
0x1de: {  	[tilespmem:s5+$0x30] =	vst v14;
	v14 =	vmul.f32 $5.000000000e-01, v1;
	v54 =	vsub.f32 v15, v60;
	v13 =	vsub.f32 $0.0e+00, v13  }
0x1df: {  	(erf) = vrcp.f32 v33;
	v5 =	vadd.f32 v62, v23;
	v26 =	vsub.f32 v61, v6  }
0x1e0: {  	v33 =	vmul.f32 $3.906250000e-03, v63;
	v62 =	vadd.f32 $9.999999740e-06, v54;
	v13 =	vmul.f32 $1.442695020e+00, v13  }
0x1e1: {  	(erf) = vrcp.f32 v49;
	v49 =	vshra.s32 v1, $0x1;
	v1 =	vadd.f32 $9.999999740e-06, v26  }
0x1e2: {  	v47 =	vld.idx.msk [tilespmem:v30+s4+$0x0], $0xffff;
	v60 =	vpop (erf);
	v51 =	vadd.f32 $9.999999740e-06, v7;
	(erf) = vpow2.f32 v13;
	v13 =	vshra.s32 v62, $0x1  }
0x1e3: {  	v30 =	vld.idx.msk [tilespmem:v22+s15+$0x0], $0xffff;
	v10 =	vsub.s32 $0x5F3759DF, v13;
	v13 =	vshra.s32 v1, $0x1;
	v1 =	vmul.f32 $5.000000000e-01, v1  }
0x1e4: {  	v56 =	vor.u32 $0x1, v48;
	v59 =	vmul.f32 v59, v59;
	v44 =	vld.idx.msk [tilespmem:v48+s4+$0x0], $0xffff;
	v13 =	vsub.s32 $0x5F3759DF, v13  }
0x1e5: {  	v31 =	vmul.f32 v31, v31;
	v48 =	vld.idx.msk [tilespmem:v32+s15+$0x0], $0xffff;
	v6 =	vsub.f32 v33, v50;
	v8 =	vpop (erf);
	v33 =	vmul.f32 v13, v1  }
0x1e6: {  	v24 =	vor.u32 $0x1, v37;
	v42 =	vld.idx.msk [tilespmem:v38+s4+$0x0], $0xffff;
	v7 =	vmul.f32 $3.906250000e-03, v35;
	v38 =	vmul.f32 $5.000000000e-01, v62;
	v32 =	vpop (erf)  }
0x1e7: {  	[tilespmem:s5+$0x40] =	vst v60;
	v23 =	vshra.s32 v51, $0x1;
	v57 =	vmul.f32 $5.000000000e-01, v51;
	v51 =	vpop (erf);
	v35 =	vmul.f32 v13, v33;
	v33 =	vld [tilespmem:$0x1FED0]  }
0x1e8: {  	v3 =	vor.u32 $0x1, v52;
	v45 =	vld.idx.msk [tilespmem:v29+s15+$0x0], $0xffff;
	v5 =	vmul.f32 $3.906250000e-03, v5;
	v2 =	vmul.f32 v10, v38;
	[tilespmem:s19+$0xC0] =	vst v51  }
0x1e9: {  	v19 =	vor.u32 $0x1, v41;
	v12 =	vor.u32 $0x1, v12;
	v7 =	vsub.f32 v7, v59;
	v50 =	vld.idx.msk [tilespmem:v25+s4+$0x0], $0xffff  }
0x1ea: {  	v5 =	vsub.f32 v5, v31;
	v9 =	vsub.s32 $0x5F3759DF, v23;
	v25 =	vld.idx.msk [tilespmem:v17+s4+$0x0], $0xffff;
	v17 =	vmul.f32 v10, v2  }
0x1eb: {  	v29 =	vld.idx.msk [tilespmem:v21+s4+$0x0], $0xffff;
	v6 =	vadd.f32 $9.999999740e-06, v6;
	v7 =	vadd.f32 $9.999999740e-06, v7;
	v26 =	vmul.f32 v9, v57  }
0x1ec: {  	v46 =	vld.idx.msk [tilespmem:v27+s4+$0x0], $0xffff;
	[tilespmem:s5+$0x50] =	vst v8;
	v8 =	vsub.s32 $0x5F3759DF, v49;
	v5 =	vadd.f32 $9.999999740e-06, v5;
	v54 =	vpop (erf);
	v17 =	vsub.f32 $1.500000000e+00, v17  }
0x1ed: {  	v49 =	vld.idx.msk [tilespmem:v36+s15+$0x0], $0xffff;
	v61 =	vshra.s32 v6, $0x1;
	v6 =	vmul.f32 $5.000000000e-01, v6;
	v62 =	vmul.f32 v8, v14;
	v58 =	vpop (erf)  }
0x1ee: {  	v36 =	vld.idx.msk [tilespmem:v18+s15+$0x0], $0xffff;
	v31 =	vsub.s32 $0x5F3759DF, v61;
	v63 =	vshra.s32 v7, $0x1;
	v10 =	vmul.f32 v10, v17;
	v23 =	vpop (erf)  }
0x1ef: {  	v7 =	vmul.f32 $5.000000000e-01, v7;
	v26 =	vmul.f32 v9, v26;
	v23 =	vadd.f32 $1.000000000e+00, v23;
	v2 =	vld.idx.msk [tilespmem:v33+s15+$0x0], $0xffff  }
0x1f0: {  	v60 =	vshra.s32 v5, $0x1;
	v5 =	vmul.f32 $5.000000000e-01, v5;
	v33 =	vmul.f32 v10, v38;
	v38 =	vld [tilespmem:$0x1FEF0]  }
0x1f1: {  	v61 =	vshll.u32 v48, $0x10;
	[tilespmem:s5+$0x60] =	vst v32;
	v32 =	vld.idx.msk [tilespmem:v56+s4+$0x0], $0xffff;
	v21 =	vmul.f32 v31, v6;
	(erf) = vrcp.f32 v23  }
0x1f2: {  	v4 =	vsub.s32 $0x5F3759DF, v60;
	v59 =	vmul.f32 v8, v62;
	v60 =	vshll.u32 v47, $0x10;
	v51 =	vld.idx.msk [tilespmem:v37+s15+$0x0], $0xffff  }
0x1f3: {  	v26 =	vsub.f32 $1.500000000e+00, v26;
	[tilespmem:s19+$0xD0] =	vst v54;
	v37 =	vsub.s32 $0x5F3759DF, v63;
	v56 =	vmul.f32 v4, v5;
	v63 =	vld.idx.msk [tilespmem:v16+s4+$0x0], $0xffff  }
0x1f4: {  	v60 =	vadd.f32 v61, v60;
	[tilespmem:s19+$0xE0] =	vst v58;
	v15 =	vsub.f32 $1.500000000e+00, v35;
	v35 =	vld.idx.msk [tilespmem:v19+s4+$0x0], $0xffff;
	v19 =	vimm.s32 $0x3  }
0x1f5: {  	v54 =	vld.idx.msk [tilespmem:v41+s4+$0x0], $0xffff;
	v41 =	vshll.u32 v44, $0x10;
	v58 =	vshll.u32 v45, $0x10;
	[tilespmem:$0x1FF00] =	vst v36;
	v36 =	vmul.f32 v31, v21  }
0x1f6: {  	v22 =	vld.idx.msk [tilespmem:v11+s4+$0x0], $0xffff;
	v62 =	vsub.f32 $1.500000000e+00, v59;
	v59 =	vshll.u32 v42, $0x10;
	v23 =	vmul.f32 v37, v7  }
0x1f7: {  	v53 =	vld.idx.msk [tilespmem:v53+s15+$0x0], $0xffff;
	v9 =	vmul.f32 v9, v26;
	v18 =	vmul.f32 v4, v56;
	v17 =	vimm.s32 $0x1  }
0x1f8: {  	v58 =	vadd.f32 v58, v41;
	v36 =	vsub.f32 $1.500000000e+00, v36;
	v16 =	vmul.f32 v37, v23;
	v26 =	vld.idx.msk [tilespmem:v38+s15+$0x0], $0xffff  }
0x1f9: {  	v8 =	vmul.f32 v8, v62;
	v62 =	vshll.u32 v46, $0x10;
	v18 =	vsub.f32 $1.500000000e+00, v18;
	v38 =	vld.idx.msk [tilespmem:v19+s16+$0x0], $0xffff  }
0x1fa: {  	s19 =	smov.u32 s5;
	s5 =	sadd.s32 $0x200, s5;
	v21 =	vld.idx.msk [tilespmem:v12+s15+$0x0], $0xffff;
	[tilespmem:$0x1FF10] =	vst v63;
	v56 =	vmul.f32 v13, v15;
	v63 =	vmul.f32 v31, v36;
	v16 =	vsub.f32 $1.500000000e+00, v16;
	v11 =	vpop (erf)  }
0x1fb: {  	v55 =	vld.idx.msk [tilespmem:v55+s15+$0x0], $0xffff;
	v4 =	vmul.f32 v4, v18;
	v18 =	vand.u32 $0xFFFF0000, v39;
	[tilespmem:s5+$0xFFFFFF70] =	vst v11;
	v11 =	vmul.f32 v8, v14  }
0x1fc: {  	v14 =	vmul.f32 v37, v16;
	v16 =	vmul.f32 v9, v57;
	v57 =	vand.u32 $0xFFFF0000, v40;
	v15 =	vld.idx.msk [tilespmem:v17+s16+$0x0], $0xffff  }
0x1fd: {  	v13 =	vshll.u32 v49, $0x10;
	v1 =	vmul.f32 v56, v1;
	v37 =	vld [tilespmem:$0x1FEE0];
	v18 =	vadd.f32 v57, v18  }
0x1fe: {  	v12 =	vshll.u32 v51, $0x10;
	v6 =	vmul.f32 v63, v6;
	v5 =	vmul.f32 v4, v5;
	[tilespmem:$0x1FF40] =	vst v38;
	v38 =	vld.idx.msk [tilespmem:v19+s16+$0x0], $0xffff  }
0x1ff: {  	v31 =	vld.idx.msk [tilespmem:v3+s4+$0x0], $0xffff;
	v3 =	vshll.u32 v53, $0x10;
	v36 =	vmul.f32 v1, v56;
	v40 =	vmul.f32 v0, v18  }
0x200: {  	v6 =	vmul.f32 v6, v63;
	v23 =	vld.idx.msk [tilespmem:v34+s4+$0x0], $0xffff;
	v34 =	vshll.u32 v43, $0x10;
	v5 =	vmul.f32 v5, v4  }
0x201: {  	v1 =	vsub.f32 $1.500000000e+00, v36;
	v16 =	vmul.f32 v16, v9;
	v40 =	vadd.f32 v40, v15  }
0x202: {  	v33 =	vmul.f32 v33, v10;
	v6 =	vsub.f32 $1.500000000e+00, v6;
	v5 =	vsub.f32 $1.500000000e+00, v5  }
0x203: {  	v11 =	vmul.f32 v11, v8;
	[tilespmem:$0x1FF60] =	vst v38;
	v38 =	vsub.f32 $1.500000000e+00, v16;
	v16 =	vsub.f32 $0.0e+00, v40  }
0x204: {  	v33 =	vsub.f32 $1.500000000e+00, v33;
	[tilespmem:$0x1FF20] =	vst v2;
	v2 =	vshll.u32 v55, $0x10;
	v7 =	vmul.f32 v14, v7  }
0x205: {  	v18 =	vshll.u32 v54, $0x10;
	v39 =	vld.idx.msk [tilespmem:v37+s15+$0x0], $0xffff;
	v37 =	vsub.f32 $1.500000000e+00, v11;
	v36 =	vmul.f32 $1.442695020e+00, v16  }
0x206: {  	v57 =	vshll.u32 v50, $0x10;
	v7 =	vmul.f32 v7, v14;
	v3 =	vadd.f32 v3, v18  }
0x207: {  	v18 =	vand.u32 $0xFFFF0000, v43;
	v8 =	vmul.f32 v37, v8;
	(erf) = vpow2.f32 v36  }
0x208: {  	v27 =	vld.idx.msk [tilespmem:v20+s15+$0x0], $0xffff;
	v20 =	vmovc v0;
	v0 =	vsub.f32 $1.500000000e+00, v7;
	v37 =	vmul.f32 v1, v56;
	v41 =	vmul.f32 v38, v9  }
0x209: {  	v9 =	vadd.f32 v34, v59;
	v38 =	vmul.f32 v5, v4;
	v59 =	vadd.f32 v13, v62  }
0x20a: {  	v52 =	vld.idx.msk [tilespmem:v52+s4+$0x0], $0xffff;
	v34 =	vmul.f32 v0, v14;
	v62 =	vadd.f32 v12, v57;
	v13 =	vand.u32 $0xFFFF0000, v47  }
0x20b: {  	v40 =	vld.idx.msk [tilespmem:v19+s16+$0x0], $0xffff;
	v14 =	vand.u32 $0xFFFF0000, v48;
	v57 =	vand.u32 $0xFFFF0000, v49;
	v61 =	vmul.f32 v8, v58  }
0x20c: {  	v49 =	vimm.s32 $0x2;
	v36 =	vmul.f32 v33, v10;
	v33 =	vmul.f32 v6, v63  }
0x20d: {  	v58 =	vand.u32 $0xFFFF0000, v50;
	v63 =	vmul.f32 v41, v60;
	v1 =	vmul.f32 v37, v59  }
0x20e: {  	v4 =	vmul.f32 v38, v62;
	v10 =	vand.u32 $0xFFFF0000, v45;
	v59 =	vand.u32 $0xFFFF0000, v51  }
0x20f: {  	v60 =	vand.u32 $0xFFFF0000, v54;
	v62 =	vand.u32 $0xFFFF0000, v52;
	v54 =	vshll.u32 v23, $0x10  }
0x210: {  	v23 =	vand.u32 $0xFFFF0000, v23;
	[tilespmem:$0x1FF90] =	vst v40;
	v40 =	vshll.u32 v52, $0x10;
	v0 =	vadd.f32 v61, v28;
	v12 =	vpop (erf)  }
0x211: {  	v56 =	vmul.f32 v36, v9;
	v2 =	vadd.f32 v2, v40;
	v12 =	vadd.f32 $1.000000000e+00, v12  }
0x212: {  	v5 =	vadd.f32 v63, v28;
	v3 =	vmul.f32 v33, v3;
	v1 =	vadd.f32 v1, v28  }
0x213: {  	v0 =	vsub.f32 $0.0e+00, v0;
	v6 =	vadd.f32 v56, v28;
	(erf) = vrcp.f32 v12  }
0x214: {  	v4 =	vadd.f32 v4, v28;
	v2 =	vmul.f32 v34, v2;
	v5 =	vsub.f32 $0.0e+00, v5  }
0x215: {  	v3 =	vadd.f32 v3, v28;
	v0 =	vmul.f32 $1.442695020e+00, v0;
	v6 =	vsub.f32 $0.0e+00, v6  }
0x216: {  	v1 =	vsub.f32 $0.0e+00, v1;
	v4 =	vsub.f32 $0.0e+00, v4;
	v5 =	vmul.f32 $1.442695020e+00, v5  }
0x217: {  	v2 =	vadd.f32 v2, v28;
	v6 =	vmul.f32 $1.442695020e+00, v6;
	(erf) = vpow2.f32 v0  }
0x218: {  	v3 =	vsub.f32 $0.0e+00, v3;
	v1 =	vmul.f32 $1.442695020e+00, v1;
	(erf) = vpow2.f32 v5  }
0x219: {  	v61 =	vand.u32 $0xFFFF0000, v53;
	v4 =	vmul.f32 $1.442695020e+00, v4;
	(erf) = vpow2.f32 v6  }
0x21a: {  	v2 =	vsub.f32 $0.0e+00, v2;
	v3 =	vmul.f32 $1.442695020e+00, v3;
	(erf) = vpow2.f32 v1  }
0x21b: {  	v9 =	vand.u32 $0xFFFF0000, v44;
	v63 =	vand.u32 $0xFFFF0000, v55;
	(erf) = vpow2.f32 v4  }
0x21c: {  	v47 =	vadd.f32 v10, v9;
	v2 =	vmul.f32 $1.442695020e+00, v2;
	v55 =	vpop (erf);
	(erf) = vpow2.f32 v3  }
0x21d: {  	v40 =	vand.u32 $0xFFFF0000, v30;
	v9 =	vadd.f32 v14, v13;
	v0 =	vadd.f32 v59, v58;
	[tilespmem:s5+$0xFFFFFFF0] =	vst v55  }
0x21e: {  	v50 =	vmovc v20;
	v58 =	vshll.u32 v22, $0x10;
	v59 =	vshll.u32 v21, $0x10;
	(erf) = vpow2.f32 v2;
	v4 =	vld.idx.msk [tilespmem:v49+s16+$0x0], $0xffff  }
0x21f: {  	v51 =	vmovc v22;
	v52 =	vmovc v21;
	v56 =	vadd.f32 v61, v60;
	v60 =	vshll.u32 v32, $0x10;
	v5 =	vadd.f32 v59, v58  }
0x220: {  	v32 =	vand.u32 $0xFFFF0000, v32;
	v9 =	vmul.f32 v41, v9;
	v28 =	vand.u32 $0xFFFF0000, v46;
	v13 =	vpop (erf)  }
0x221: {  	v12 =	vand.u32 $0xFFFF0000, v42;
	v20 =	vmul.f32 v20, v5;
	v13 =	vadd.f32 $1.000000000e+00, v13;
	v14 =	vpop (erf)  }
0x222: {  	v42 =	vand.u32 $0xFFFF0000, v29;
	v10 =	vadd.f32 v18, v12;
	v21 =	vadd.f32 $1.000000000e+00, v14;
	v18 =	vpop (erf)  }
0x223: {  	v22 =	vadd.f32 $1.000000000e+00, v18;
	(erf) = vrcp.f32 v13;
	v61 =	vpop (erf);
	v4 =	vadd.f32 v20, v4  }
0x224: {  	v12 =	vadd.f32 v57, v28;
	(erf) = vrcp.f32 v21;
	v14 =	vpop (erf);
	v20 =	vadd.f32 $1.000000000e+00, v61  }
0x225: {  	v14 =	vadd.f32 $1.000000000e+00, v14;
	(erf) = vrcp.f32 v22;
	v4 =	vsub.f32 $0.0e+00, v4;
	v18 =	vpop (erf)  }
0x226: {  	v57 =	vadd.f32 v63, v62;
	(erf) = vrcp.f32 v20;
	v18 =	vadd.f32 $1.000000000e+00, v18  }
0x227: {  	v24 =	vld.idx.msk [tilespmem:v24+s15+$0x0], $0xffff;
	v28 =	vshll.u32 v29, $0x10;
	v62 =	vpop (erf);
	(erf) = vrcp.f32 v14;
	v4 =	vmul.f32 $1.442695020e+00, v4  }
0x228: {  	v15 =	vld.idx.msk [tilespmem:v19+s16+$0x0], $0xffff;
	v63 =	vshll.u32 v25, $0x10;
	v10 =	vmul.f32 v36, v10;
	(erf) = vrcp.f32 v18  }
0x229: {  	v7 =	vld.idx.msk [tilespmem:v19+s16+$0x0], $0xffff;
	v12 =	vmul.f32 v37, v12;
	v5 =	vadd.f32 $1.000000000e+00, v62;
	(erf) = vpow2.f32 v4  }
0x22a: {  	v58 =	vshll.u32 v26, $0x10;
	v0 =	vmul.f32 v38, v0;
	v1 =	vmul.f32 v8, v47;
	v22 =	vld [tilespmem:$0x1FF00]  }
0x22b: {  	v3 =	vmul.f32 v33, v56;
	v56 =	vshll.u32 v35, $0x10;
	v21 =	vld [tilespmem:$0x1FF20];
	(erf) = vrcp.f32 v5  }
0x22c: {  	v2 =	vmul.f32 v34, v57;
	v13 =	vshll.u32 v30, $0x10;
	v20 =	vld [tilespmem:$0x1FF10];
	v14 =	vshll.u32 v27, $0x10;
	v59 =	vpop (erf)  }
0x22d: {  	v11 =	vld.idx.msk [tilespmem:v19+s16+$0x0], $0xffff;
	v57 =	vshll.u32 v39, $0x10;
	v6 =	vadd.f32 v13, v60;
	v14 =	vadd.f32 v14, v28;
	[tilespmem:s5+$0xFFFFFF00] =	vst v59;
	v28 =	vpop (erf)  }
0x22e: {  	v55 =	vshll.u32 v24, $0x10;
	v44 =	vadd.f32 v57, v56;
	v13 =	vshll.u32 v31, $0x10;
	v47 =	vld.idx.msk [tilespmem:v17+s16+$0x0], $0xffff;
	[tilespmem:s5+$0xFFFFFF10] =	vst v28;
	v28 =	vpop (erf)  }
0x22f: {  	v16 =	vld.idx.msk [tilespmem:v19+s16+$0x0], $0xffff;
	v13 =	vadd.f32 v58, v13;
	v30 =	vmul.f32 v8, v6;
	v18 =	vshll.u32 v22, $0x10;
	[tilespmem:s5+$0xFFFFFF20] =	vst v28;
	v28 =	vpop (erf)  }
0x230: {  	v6 =	vand.u32 $0xFFFF0000, v27;
	v53 =	vshll.u32 v21, $0x10;
	v18 =	vadd.f32 v18, v63;
	v61 =	vld.idx.msk [tilespmem:v17+s16+$0x0], $0xffff;
	v29 =	vpop (erf)  }
0x231: {  	v27 =	vmul.f32 v41, v14;
	v48 =	vshll.u32 v20, $0x10;
	v5 =	vadd.f32 v55, v54;
	v14 =	vld.idx.msk [tilespmem:v17+s16+$0x0], $0xffff;
	[tilespmem:s5+$0xFFFFFF30] =	vst v28;
	v63 =	vpop (erf)  }
0x232: {  	v62 =	vand.u32 $0xFFFF0000, v25;
	v60 =	vadd.f32 v53, v48;
	v28 =	vmul.f32 v36, v18;
	v18 =	vld.idx.msk [tilespmem:v17+s16+$0x0], $0xffff;
	[tilespmem:s5+$0xFFFFFF40] =	vst v29;
	v55 =	vpop (erf)  }
0x233: {  	v56 =	vand.u32 $0xFFFF0000, v20;
	v1 =	vadd.f32 v1, v47;
	v54 =	vld.idx.msk [tilespmem:v17+s16+$0x0], $0xffff;
	v4 =	vadd.f32 $1.000000000e+00, v55  }
0x234: {  	v20 =	vmul.f32 v34, v13;
	v25 =	vmul.f32 v37, v60;
	v60 =	vadd.f32 v40, v32;
	[tilespmem:s5+$0xFFFFFF50] =	vst v63;
	v13 =	vpop (erf)  }
0x235: {  	v9 =	vadd.f32 v9, v61;
	v1 =	vsub.f32 $0.0e+00, v1;
	v57 =	vld.idx.msk [tilespmem:v17+s16+$0x0], $0xffff;
	[tilespmem:s5+$0xFFFFFF60] =	vst v13;
	(erf) = vrcp.f32 v4  }
0x236: {  	v32 =	vmul.f32 v8, v60;
	v59 =	vadd.f32 v10, v14;
	v10 =	vand.u32 $0xFFFF0000, v35;
	v58 =	vld.idx.msk [tilespmem:v17+s16+$0x0], $0xffff  }
0x237: {  	v9 =	vsub.f32 $0.0e+00, v9;
	v1 =	vmul.f32 $1.442695020e+00, v1;
	v12 =	vadd.f32 v12, v18  }
0x238: {  	v14 =	vand.u32 $0xFFFF0000, v39;
	v4 =	vsub.f32 $0.0e+00, v59;
	v0 =	vadd.f32 v0, v54  }
0x239: {  	v9 =	vmul.f32 $1.442695020e+00, v9;
	(erf) = vpow2.f32 v1;
	v12 =	vsub.f32 $0.0e+00, v12  }
0x23a: {  	v4 =	vmul.f32 $1.442695020e+00, v4;
	v3 =	vadd.f32 v3, v57;
	v0 =	vsub.f32 $0.0e+00, v0  }
0x23b: {  	(erf) = vpow2.f32 v9;
	v17 =	vmul.f32 $1.442695020e+00, v12;
	v2 =	vadd.f32 v2, v58  }
0x23c: {  	(erf) = vpow2.f32 v4;
	v3 =	vsub.f32 $0.0e+00, v3;
	v0 =	vmul.f32 $1.442695020e+00, v0  }
0x23d: {  	v8 =	vadd.f32 v14, v10;
	(erf) = vpow2.f32 v17;
	v2 =	vsub.f32 $0.0e+00, v2  }
0x23e: {  	v14 =	vld [tilespmem:$0x1FF40];
	v13 =	vand.u32 $0xFFFF0000, v24;
	v3 =	vmul.f32 $1.442695020e+00, v3;
	v61 =	vpop (erf);
	(erf) = vpow2.f32 v0  }
0x23f: {  	v35 =	vadd.f32 v13, v23;
	v13 =	vld [tilespmem:$0x1FF30];
	v9 =	vand.u32 $0xFFFF0000, v26;
	v2 =	vmul.f32 $1.442695020e+00, v2;
	[tilespmem:s5+$0x70] =	vst v61  }
0x240: {  	v26 =	vand.u32 $0xFFFF0000, v51;
	v17 =	vand.u32 $0xFFFF0000, v52;
	(erf) = vpow2.f32 v3;
	v24 =	vld.idx.msk [tilespmem:v19+s16+$0x0], $0xffff  }
0x241: {  	v12 =	vand.u32 $0xFFFF0000, v31;
	v3 =	vadd.f32 v17, v26;
	(erf) = vpow2.f32 v2  }
0x242: {  	v6 =	vadd.f32 v6, v42;
	v21 =	vand.u32 $0xFFFF0000, v21  }
0x243: {  	v63 =	vadd.f32 v21, v56;
	v9 =	vadd.f32 v9, v12;
	v10 =	vpop (erf);
	v3 =	vmul.f32 v50, v3  }
0x244: {  	v6 =	vmul.f32 v41, v6;
	v13 =	vadd.f32 v13, v14;
	v17 =	vadd.f32 $1.000000000e+00, v10;
	v12 =	vpop (erf)  }
0x245: {  	v1 =	vmul.f32 v37, v63;
	v14 =	vadd.f32 $1.000000000e+00, v12;
	v37 =	vpop (erf);
	v3 =	vadd.f32 v3, v24  }
0x246: {  	v40 =	vld [tilespmem:$0x1FF90];
	v29 =	vmul.f32 v38, v5;
	(erf) = vrcp.f32 v17;
	v17 =	vadd.f32 $1.000000000e+00, v37;
	v10 =	vpop (erf)  }
0x247: {  	v39 =	vld [tilespmem:$0x1FF80];
	(erf) = vrcp.f32 v14;
	v18 =	vadd.f32 $1.000000000e+00, v10;
	v3 =	vsub.f32 $0.0e+00, v3;
	v12 =	vpop (erf)  }
0x248: {  	v4 =	vmul.f32 v38, v35;
	v14 =	vld [tilespmem:$0x1FF50];
	(erf) = vrcp.f32 v17;
	v12 =	vadd.f32 $1.000000000e+00, v12  }
0x249: {  	v17 =	vld [tilespmem:$0x1FF60];
	v38 =	vpop (erf);
	(erf) = vrcp.f32 v18;
	v3 =	vmul.f32 $1.442695020e+00, v3  }
0x24a: {  	v53 =	vand.u32 $0xFFFF0000, v22;
	v5 =	vadd.f32 $1.000000000e+00, v38;
	v10 =	vpop (erf);
	(erf) = vrcp.f32 v12;
	v12 =	vld [tilespmem:$0x1FF70]  }
0x24b: {  	v42 =	vld [tilespmem:$0x1FFB0];
	v22 =	vmul.f32 v33, v44;
	v10 =	vadd.f32 $1.000000000e+00, v10;
	(erf) = vpow2.f32 v3  }
0x24c: {  	v62 =	vadd.f32 v53, v62;
	v8 =	vmul.f32 v33, v8;
	(erf) = vrcp.f32 v5  }
0x24d: {  	v41 =	vld [tilespmem:$0x1FFA0];
	v33 =	vmovc v32;
	v31 =	vmov v6;
	v9 =	vmul.f32 v34, v9;
	(erf) = vrcp.f32 v10  }
0x24e: {  	v43 =	vld [tilespmem:$0x1FFC0];
	v34 =	vmovc v4;
	v44 =	vsub.f32 $0.0e+00, v13;
	v0 =	vmul.f32 v36, v62;
	v36 =	vmovc v8;
	v14 =	vadd.f32 v14, v17  }
0x24f: {  	v23 =	vmov v9;
	v2 =	vadd.f32 v39, v40;
	v46 =	vpop (erf);
	v11 =	vadd.f32 v12, v11  }
0x250: {  	v32 =	vmov v0;
	v0 =	vadd.f32 v42, v16;
	[tilespmem:s5+$0xFFFFFF80] =	vst v46;
	v8 =	vpop (erf);
	v45 =	vsub.f32 $0.0e+00, v14  }
0x251: {  	v4 =	vmul.f32 $1.442695020e+00, v44;
	v2 =	vsub.f32 $0.0e+00, v2;
	v6 =	vld.idx.msk [tilespmem:v49+s16+$0x0], $0xffff;
	[tilespmem:s5+$0xFFFFFF90] =	vst v8;
	v8 =	vpop (erf);
	v47 =	vsub.f32 $0.0e+00, v11  }
0x252: {  	v37 =	vmov v1;
	v3 =	vadd.f32 v41, v15;
	v5 =	vmul.f32 $1.442695020e+00, v45;
	[tilespmem:s5+$0xFFFFFFA0] =	vst v8;
	v8 =	vpop (erf)  }
0x253: {  	v1 =	vadd.f32 v43, v7;
	v9 =	vld.idx.msk [tilespmem:v49+s16+$0x0], $0xffff;
	[tilespmem:s5+$0xFFFFFFB0] =	vst v8;
	v7 =	vmul.f32 $1.442695020e+00, v47;
	v8 =	vpop (erf);
	(erf) = vpow2.f32 v4  }
0x254: {  	v2 =	vmul.f32 $1.442695020e+00, v2;
	v3 =	vsub.f32 $0.0e+00, v3;
	v10 =	vld.idx.msk [tilespmem:v49+s16+$0x0], $0xffff;
	[tilespmem:s5+$0xFFFFFFC0] =	vst v8;
	v8 =	vpop (erf);
	(erf) = vpow2.f32 v5  }
0x255: {  	v0 =	vsub.f32 $0.0e+00, v0;
	v48 =	vld.idx.msk [tilespmem:v49+s16+$0x0], $0xffff;
	v8 =	vadd.f32 $1.000000000e+00, v8;
	v11 =	vpop (erf);
	(erf) = vpow2.f32 v7  }
0x256: {  	v3 =	vmul.f32 $1.442695020e+00, v3;
	v6 =	vadd.f32 v30, v6;
	v50 =	vld.idx.msk [tilespmem:v49+s16+$0x0], $0xffff;
	v51 =	vpop (erf);
	(erf) = vpow2.f32 v2  }
0x257: {  	v0 =	vmul.f32 $1.442695020e+00, v0;
	v1 =	vsub.f32 $0.0e+00, v1;
	[tilespmem:s5+$0xFFFFFFD0] =	vst v11;
	(erf) = vrcp.f32 v8  }
0x258: {  	v6 =	vsub.f32 $0.0e+00, v6;
	v53 =	vadd.f32 v27, v9;
	v52 =	vld.idx.msk [tilespmem:v49+s16+$0x0], $0xffff;
	[tilespmem:s5+$0xFFFFFFE0] =	vst v51;
	(erf) = vpow2.f32 v3  }
0x259: {  	v1 =	vmul.f32 $1.442695020e+00, v1;
	v54 =	vadd.f32 v28, v10;
	v8 =	vld.idx.msk [tilespmem:v49+s16+$0x0], $0xffff;
	(erf) = vpow2.f32 v0  }
0x25a: {  	v9 =	vmul.f32 $1.442695020e+00, v6;
	v7 =	vsub.f32 $0.0e+00, v53;
	v4 =	vadd.f32 v25, v48  }
0x25b: {  	v3 =	vsub.f32 $0.0e+00, v54;
	v5 =	vadd.f32 v29, v50;
	(erf) = vpow2.f32 v1  }
0x25c: {  	v10 =	vmul.f32 $1.442695020e+00, v7;
	v4 =	vsub.f32 $0.0e+00, v4;
	(erf) = vpow2.f32 v9;
	v55 =	vpop (erf)  }
0x25d: {  	s31 =	sadd.s32 $0x80, s31;
	v9 =	vmul.f32 $1.442695020e+00, v3;
	v5 =	vsub.f32 $0.0e+00, v5;
	v2 =	vadd.f32 v22, v52;
	v56 =	vpop (erf)  }
0x25e: {  	p0 =	slt.u32 s31, $0x480;
	v11 =	vmul.f32 $1.442695020e+00, v4;
	v57 =	vadd.f32 v20, v8;
	(erf) = vpow2.f32 v10;
	v58 =	vpop (erf)  }
.Ltmp0:
0x25f: {  	v5 =	vmul.f32 $1.442695020e+00, v5;
	v8 =	vsub.f32 $0.0e+00, v2;
	(erf) = vpow2.f32 v9;
	v59 =	vpop (erf);
	(pc) =	sbr.rel @p0 .LBB2_3-.Ltmp0, $4  }
0x260: {  	v12 =	vadd.f32 $1.000000000e+00, v56;
	v7 =	vsub.f32 $0.0e+00, v57;
	(erf) = vpow2.f32 v11;
	v60 =	vpop (erf)  }
0x261: {  	v11 =	vadd.f32 $1.000000000e+00, v55;
	v15 =	vadd.f32 $1.000000000e+00, v58;
	v61 =	vmul.f32 $1.442695020e+00, v8;
	v62 =	vpop (erf)  }
0x262: {  	(erf) = vpow2.f32 v5;
	v10 =	vadd.f32 $1.000000000e+00, v59;
	v16 =	vmul.f32 $1.442695020e+00, v7;
	v63 =	vpop (erf)  }
0x263: {  	s14 =	sadd.s32 $0x80, s14;
	[tilespmem:s5+$0xF0] =	vst v60;
	(erf) = vpow2.f32 v61;
	v14 =	vadd.f32 $1.000000000e+00, v62;
	v13 =	vadd.f32 $1.000000000e+00, v63  }
0x264: {  	v0 =	vpop (erf)  }
0x265: {  	v1 =	vpop (erf)  }
0x266: {  	(erf) = vpow2.f32 v16;
	v1 =	vadd.f32 $1.000000000e+00, v1  }
0x267: {  	(erf) = vrcp.f32 v11  }
0x268: {  	(erf) = vrcp.f32 v12  }
0x269: {  	v2 =	vpop (erf);
	(erf) = vrcp.f32 v15  }
0x26a: {  	(erf) = vrcp.f32 v1;
	v1 =	vpop (erf)  }
0x26b: {  	v1 =	vadd.f32 $1.000000000e+00, v1  }
0x26c: {  	v2 =	vadd.f32 $1.000000000e+00, v2;
	v3 =	vpop (erf)  }
0x26d: {  	(erf) = vrcp.f32 v10;
	v4 =	vpop (erf)  }
0x26e: {  	(erf) = vrcp.f32 v2;
	v3 =	vadd.f32 $1.000000000e+00, v3;
	v2 =	vadd.f32 $1.000000000e+00, v4;
	v40 =	vpop (erf)  }
0x26f: {  	(erf) = vrcp.f32 v1;
	v1 =	vpop (erf)  }
0x270: {  	v4 =	vadd.f32 $1.000000000e+00, v40;
	(erf) = vrcp.f32 v3;
	v1 =	vadd.f32 $1.000000000e+00, v1  }
0x271: {  	(erf) = vrcp.f32 v2  }
0x272: {  	v2 =	vpop (erf);
	(erf) = vrcp.f32 v4  }
0x273: {  	v44 =	vimm.s32 $0x3;
	v3 =	vpop (erf)  }
0x274: {  	(erf) = vrcp.f32 v1;
	v1 =	vpop (erf)  }
0x275: {  	v41 =	vpop (erf)  }
0x276: {  	v5 =	vpop (erf)  }
0x277: {  	[tilespmem:s5+$0x0] =	vst v41;
	v42 =	vpop (erf)  }
0x278: {  	v6 =	vld.idx.msk [tilespmem:v44+s16+$0x0], $0xffff;
	[tilespmem:s5+$0x10] =	vst v42;
	v43 =	vpop (erf)  }
0x279: {  	[tilespmem:s5+$0x20] =	vst v43;
	v45 =	vpop (erf);
	v7 =	vld.idx.msk [tilespmem:v44+s16+$0x0], $0xffff  }
0x27a: {  	[tilespmem:s5+$0x30] =	vst v45;
	v46 =	vpop (erf);
	v8 =	vld.idx.msk [tilespmem:v44+s16+$0x0], $0xffff  }
0x27b: {  	[tilespmem:s5+$0x40] =	vst v46;
	v47 =	vpop (erf);
	v9 =	vld.idx.msk [tilespmem:v44+s16+$0x0], $0xffff  }
0x27c: {  	[tilespmem:s5+$0x50] =	vst v47;
	v49 =	vld.idx.msk [tilespmem:v44+s16+$0x0], $0xffff  }
0x27d: {  	v48 =	vpop (erf);
	v6 =	vadd.f32 v33, v6;
	v50 =	vld.idx.msk [tilespmem:v44+s16+$0x0], $0xffff  }
0x27e: {  	v0 =	vadd.f32 $1.000000000e+00, v0;
	(erf) = vrcp.f32 v14;
	[tilespmem:s5+$0x60] =	vst v48  }
0x27f: {  	(erf) = vrcp.f32 v13;
	v7 =	vadd.f32 v31, v7;
	v11 =	vld.idx.msk [tilespmem:v44+s16+$0x0], $0xffff;
	v6 =	vsub.f32 $0.0e+00, v6  }
0x280: {  	(erf) = vrcp.f32 v0;
	v8 =	vadd.f32 v32, v8;
	v9 =	vadd.f32 v37, v9  }
0x281: {  	v7 =	vsub.f32 $0.0e+00, v7;
	v6 =	vmul.f32 $1.442695020e+00, v6;
	v0 =	vadd.f32 v34, v49  }
0x282: {  	v8 =	vsub.f32 $0.0e+00, v8;
	v4 =	vadd.f32 v36, v50  }
0x283: {  	v9 =	vsub.f32 $0.0e+00, v9;
	v7 =	vmul.f32 $1.442695020e+00, v7;
	(erf) = vpow2.f32 v6  }
0x284: {  	v51 =	vadd.f32 v23, v11;
	v0 =	vsub.f32 $0.0e+00, v0;
	v8 =	vmul.f32 $1.442695020e+00, v8  }
0x285: {  	v4 =	vsub.f32 $0.0e+00, v4;
	v52 =	vmul.f32 $1.442695020e+00, v9;
	(erf) = vpow2.f32 v7  }
0x286: {  	v53 =	vsub.f32 $0.0e+00, v51;
	v0 =	vmul.f32 $1.442695020e+00, v0;
	(erf) = vpow2.f32 v8  }
0x287: {  	v4 =	vmul.f32 $1.442695020e+00, v4;
	(erf) = vpow2.f32 v52  }
0x288: {  	v54 =	vmul.f32 $1.442695020e+00, v53;
	(erf) = vpow2.f32 v0  }
0x289: {  	(erf) = vpow2.f32 v4  }
0x28a: {  	v0 =	vpop (erf);
	(erf) = vpow2.f32 v54  }
0x28b: {  	v55 =	vpop (erf)  }
0x28c: {  	v56 =	vpop (erf)  }
0x28d: {  	v57 =	vpop (erf)  }
0x28e: {  	v58 =	vpop (erf);
	v7 =	vadd.f32 $1.000000000e+00, v57  }
0x28f: {  	v59 =	vpop (erf);
	v8 =	vadd.f32 $1.000000000e+00, v58  }
0x290: {  	v60 =	vpop (erf);
	v9 =	vadd.f32 $1.000000000e+00, v59;
	(erf) = vrcp.f32 v7  }
0x291: {  	v61 =	vpop (erf);
	v10 =	vadd.f32 $1.000000000e+00, v60;
	(erf) = vrcp.f32 v8  }
0x292: {  	v62 =	vpop (erf);
	v7 =	vadd.f32 $1.000000000e+00, v61;
	(erf) = vrcp.f32 v9  }
0x293: {  	[tilespmem:s19+$0x80] =	vst v2;
	v2 =	vadd.f32 $1.000000000e+00, v62;
	v63 =	vpop (erf);
	(erf) = vrcp.f32 v10  }
0x294: {  	[tilespmem:s19+$0x90] =	vst v3;
	v3 =	vadd.f32 $1.000000000e+00, v63;
	(erf) = vrcp.f32 v7  }
0x295: {  	(erf) = vrcp.f32 v2  }
0x296: {  	[tilespmem:s19+$0xA0] =	vst v1;
	(erf) = vrcp.f32 v3  }
0x297: {  	[tilespmem:s19+$0xB0] =	vst v5  }
0x298: {  	[tilespmem:s19+$0xC0] =	vst v0  }
0x299: {  	[tilespmem:s19+$0xD0] =	vst v55;
	v0 =	vpop (erf)  }
0x29a: {  	[tilespmem:s5+$0x80] =	vst v0;
	v0 =	vpop (erf)  }
0x29b: {  	[tilespmem:s5+$0x90] =	vst v0;
	v0 =	vpop (erf)  }
0x29c: {  	[tilespmem:s5+$0xA0] =	vst v0;
	v0 =	vpop (erf)  }
0x29d: {  	[tilespmem:s5+$0xB0] =	vst v0;
	v0 =	vpop (erf)  }
0x29e: {  	p0 =	sne.s32 s21, s1;
	p1 =	seq.s32 s0, s13;
	[tilespmem:s5+$0xC0] =	vst v0;
	v0 =	vpop (erf)  }
0x29f: {  	p0 =	por p1, p0;
	[tilespmem:s5+$0xD0] =	vst v0;
	v0 =	vpop (erf)  }
0x2a0: {  	[tilespmem:s5+$0xE0] =	vst v0;
	s5 =	smul.u32 @p0 $0x1400, s12  }
0x2a1: {  	p1 =	seq.s32 s0, $0x0;
	[tilespmem:s19+$0xE0] =	vst v56  }
0x2a2: {  	s14 =	simm.s32 @p0 $0x0;
	_ =	strace $0x9000004D;
	s5 =	sshrl.u32 @p0 s5, $0x3  }
0x2a3: {  	s12 =	sadd.s32 @p0 $0x7, s22;
	_ =	strace @p0 $0x8000004E;
	s5 =	sadd.s32 @p0 s3, s5  }
0x2a4: {  	[hbm4b:s5+s14] =	stream.linear.scatter @p0 [tilespmem:s8], [sflag:s12], $0x1400, $0x200038;
	[tilespmem:$0x17580] =	vst v63  }
0x2a5: {  	s5 =	sand.u32 @!p1 $0x1, s25;
	_ =	strace @p0 $0x9000004E  }
0x2a6: {  	s5 =	sadd.s32 @!p1 $0x7, s5;
	_ =	strace @!p1 $0x8000004F  }
0x2a7: {  	s8 =	simm.s32 $0x1;
	_ =	swait.ge @!p1 [sflag:s5], $0x1400  }
0x2a8: {  	s8 =	simm.s32 @!p0 $0x0;
	p0 =	sne.s32 s0, $0x0;
	[sflag:s5] =	ssyncset.done @!p1 $0x0  }
0x2a9: {  	s0 =	sadd.s32 $0x1, s0;
	[sflag:s5] =	ssyncadd.s32 @!p1 $0xFFFFEC00;
	s5 =	simm.s32 $0x1  }
0x2aa: {  	s5 =	simm.s32 @!p0 $0x0;
	p0 =	sne.s32 s0, s9  }
.Ltmp1:
0x2ab: {  	_ = 	snop;
	(pc) =	sbr.rel @p0 .LBB2_2-.Ltmp1, $4  }
0x2ac: {  	_ = 	snop  }
0x2ad: {  	s29 =	sadd.s32 s29, s11  }
0x2ae: {  	s21 =	smov.u32 s1;
	s26 =	sadd.s32 s8, s26;
	s30 =	sadd.s32 s8, s30  }
0x2af: {  	v1 =	vimm.s32 $0x1;
	v0 =	vimm.s32 $0x2;
	s28 =	sadd.s32 s8, s28;
	_ =	strace @!p1 $0x9000004F;
	s25 =	sadd.s32 s5, s25  }
0x2b0: {  	s0 =	sand.u32 $0x1, s25  }
0x2b1: {  	_ =	strace $0x80000050;
	s0 =	sadd.s32 $0x7, s0  }
0x2b2: {  	_ =	swait.ge [sflag:s0], $0x1400  }
0x2b3: {  	s24 =	sadd.s32 $0x1, s24;
	s31 =	rddreg [dreg:$0x9]  }
0x2b4: {  	p0 =	sne.s32 s24, s31  }
.Ltmp2:
0x2b5: {  	_ = 	snop;
	(pc) =	sbr.rel @p0 .LBB2_1-.Ltmp2, $4  }
0x2b6: {  	_ = 	snop  }
0x2b7: {  	[sflag:s0] =	ssyncset.done $0x0  }
0x2b8: {  	[sflag:s0] =	ssyncadd.s32 $0xFFFFEC00  }
0x2b9: {  	_ =	strace $0x90000050  }
0x2ba: {  	_ =	sfence.sel $0x180000  }
0x2bb: {  	[bflag:$0x0] =	sbarrier.arrive $0xFFFF  }
0x2bc: {  	_ =	strace $0x90000047  }
0x2bd: {  	s0 =	stileid.u32;
	[bflag:$0x2] =	sbarrier.arrive $0xFFFF  }
0x2be: {  	p0 =	sne.s32 s0, $0x0;
	s0 =	rddreg [dreg:$0x3]  }
0x2bf: {  	s0 =	sadd.s32 @!p0 $0x100000, s0  }
0x2c0: {  	[sflag:s0] =	ssyncadd.tile.s32 @!p0 $0x1;
	_ =	shalt  }
.Lfunc_end2:
_tile_overlayer_lowered:
.L_overlay_start_2:
0x2c1: {  	(tag) =	ssettag $0x2  }
0x2c2: {  	s0 =	rddreg [dreg:$0x0];
	s2 =	stileid.u32  }
0x2c3: {  	s1 =	rddreg [dreg:$0x1];
	p0 =	sne.s32 s2, $0x0  }
0x2c4: {  	s3 =	rddreg [dreg:$0x2];
	[bflag:$0x3] =	sbarrier.arrive $0xFFFF;
	s2 =	simm.s32 @!p0 $0x1C03  }
0x2c5: {  	[timem:s3], [sflag:s2] =	dma.local @!p0 [hbm:s0], s1  }
0x2c6: {  	s0 =	simm.s32 @!p0 $0x3  }
0x2c7: {  	_ =	swait.ge @!p0 [sflag:s0], s1  }
0x2c8: {  	s1 =	ssub.s32 @!p0 $0x0, s1;
	[sflag:s0] =	ssyncset.done @!p0 $0x0  }
0x2c9: {  	[sflag:s0] =	ssyncadd.s32 @!p0 s1  }
0x2ca: {  	[bflag:$0x3] =	sbarrier.arrive $0xFFFF  }
0x2cb: {  	_ =	shalt  }

</sc_bundles>
